<compile_context>
chip_gen: v7x
topology: tpu7x:2x2x1
jax: 0.10.2.dev20260603
libtpu: 0.0.44.dev20260713+nightly
codegen_flags: <defaults>
</compile_context>

<pallas_src>
import functools

import jax
import jax.numpy as jnp
from jax import lax
from jax.experimental import pallas as pl
from jax.experimental.pallas import tpu as pltpu
from jax.experimental.pallas import tpu_sc as plsc

N = 10000
E = 320000
D = 128
ALPHA = 0.5

NC = 2
NS = 16
CHUNK = 128
NCHUNK = E // CHUNK
K = 8
NCHUNK_PAD = 2504
NBLK = NCHUNK_PAD // K
ROWS_PER_TILE = 640
ROW_STRIDE = 624
CNT_N = 10240
CNT_PER_TILE = CNT_N // NS


def _sc_agg_body(with_counts, *refs):
    if with_counts:
        (h_hbm, eidx_hbm, zrows_hbm, zcnt_hbm, out_hbm, cnt_hbm,
         ibuf, rows0, rows1, acc_sh,
         sem_g0, sem_g1, sem_s0, sem_s1, sem_i,
         ones_v, cnt_sh, sem_c) = refs
    else:
        (h_hbm, eidx_hbm, zrows_hbm, out_hbm,
         ibuf, rows0, rows1, acc_sh,
         sem_g0, sem_g1, sem_s0, sem_s1, sem_i) = refs
    c = lax.axis_index("c")
    s = lax.axis_index("s")
    lo_b = (s * NBLK) // NS
    hi_b = ((s + 1) * NBLK) // NS
    rows = (rows0, rows1)
    sem_g = (sem_g0, sem_g1)
    sem_s = (sem_s0, sem_s1)

    def _gather(bp, k, p):
        return pltpu.make_async_copy(h_hbm.at[ibuf.at[bp, c, k]], rows[p], sem_g[p])

    def _scatter(bp, k, p):
        return pltpu.make_async_copy(rows[p], acc_sh.at[ibuf.at[bp, 1 - c, k]],
                                     sem_s[p])

    def _cscatter(bp, k):
        return pltpu.make_async_copy(ones_v, cnt_sh.at[ibuf.at[bp, 1 - c, k]],
                                     sem_c)

    pltpu.sync_copy(eidx_hbm.at[:, pl.ds(lo_b * K, K), :], ibuf.at[0])
    _gather(0, 0, 0).start()
    pltpu.sync_copy(zrows_hbm, acc_sh.at[pl.ds(s * ROW_STRIDE, ROWS_PER_TILE)])
    if with_counts:
        pltpu.sync_copy(zcnt_hbm, cnt_sh.at[pl.ds(s * CNT_PER_TILE, CNT_PER_TILE)])
        for k in range(CHUNK // 16):
            ones_v[pl.ds(k * 16, 16)] = jnp.ones((16,), jnp.float32)
    plsc.subcore_barrier()

    def blk(jb, carry):
        bp = (jb - lo_b) % 2
        base = jb * K
        for k in range(K):
            p = k % 2
            if k == 0:
                @pl.when(jb > lo_b)
                def _():
                    _scatter(1 - bp, K - 1, 1).wait()
                    if with_counts:
                        for kk in range(K):
                            _cscatter(1 - bp, kk).wait()

                @pl.when(jb + 1 < hi_b)
                def _():
                    pltpu.async_copy(eidx_hbm.at[:, pl.ds((jb + 1) * K, K), :],
                                     ibuf.at[1 - bp], sem_i)
            else:
                @pl.when(base + k - 1 < NCHUNK)
                def _():
                    _scatter(bp, k - 1, 1 - p).wait()
            if k + 1 < K:
                @pl.when(base + k + 1 < NCHUNK)
                def _():
                    _gather(bp, k + 1, 1 - p).start()
            else:
                @pl.when(jb + 1 < hi_b)
                def _():
                    pltpu.make_async_copy(
                        eidx_hbm.at[:, pl.ds((jb + 1) * K, K), :],
                        ibuf.at[1 - bp], sem_i).wait()
                    _gather(1 - bp, 0, 1 - p).start()

            @pl.when(base + k < NCHUNK)
            def _():
                _gather(bp, k, p).wait()
                _scatter(bp, k, p).start(add=True)
                if with_counts:
                    _cscatter(bp, k).start(add=True)
        return carry

    lax.fori_loop(lo_b, hi_b, blk, 0)
    @pl.when(hi_b * K <= NCHUNK)
    def _():
        _scatter((hi_b - 1 - lo_b) % 2, K - 1, 1).wait()

    if with_counts:
        last_bp = (hi_b - 1 - lo_b) % 2
        for kk in range(K):
            @pl.when((hi_b - 1) * K + kk < NCHUNK)
            def _():
                _cscatter(last_bp, kk).wait()

    plsc.subcore_barrier()
    pltpu.sync_copy(
        acc_sh.at[pl.ds(s * ROW_STRIDE, ROWS_PER_TILE)],
        out_hbm.at[c, pl.ds(s * ROW_STRIDE, ROWS_PER_TILE)],
    )
    if with_counts:
        pltpu.sync_copy(
            cnt_sh.at[pl.ds(s * CNT_PER_TILE, CNT_PER_TILE)],
            cnt_hbm.at[c, pl.ds(s * CNT_PER_TILE, CNT_PER_TILE)],
        )


_AGG_SCRATCH = [
    pltpu.VMEM((2, NC, K, CHUNK), jnp.int32),
    pltpu.VMEM((CHUNK, D), jnp.float32),
    pltpu.VMEM((CHUNK, D), jnp.float32),
    pltpu.VMEM_SHARED((N, D), jnp.float32),
    pltpu.SemaphoreType.DMA,
    pltpu.SemaphoreType.DMA,
    pltpu.SemaphoreType.DMA,
    pltpu.SemaphoreType.DMA,
    pltpu.SemaphoreType.DMA,
]


@jax.jit
def _sc_agg(h, eidx3, zrows):
    mesh = plsc.VectorSubcoreMesh(core_axis_name="c", subcore_axis_name="s")
    return pl.kernel(
        functools.partial(_sc_agg_body, False),
        out_type=jax.ShapeDtypeStruct((NC, N, D), jnp.float32),
        mesh=mesh,
        scratch_types=list(_AGG_SCRATCH),
    )(h, eidx3, zrows)


@jax.jit
def _sc_agg_cnt(h, eidx3, zrows, zcnt):
    mesh = plsc.VectorSubcoreMesh(core_axis_name="c", subcore_axis_name="s")
    return pl.kernel(
        functools.partial(_sc_agg_body, True),
        out_type=(jax.ShapeDtypeStruct((NC, N, D), jnp.float32),
                  jax.ShapeDtypeStruct((NC, CNT_N), jnp.float32)),
        mesh=mesh,
        scratch_types=list(_AGG_SCRATCH) + [
            pltpu.VMEM((CHUNK,), jnp.float32),
            pltpu.VMEM_SHARED((CNT_N,), jnp.float32),
            pltpu.SemaphoreType.DMA,
        ],
    )(h, eidx3, zrows, zcnt)


BN = 1000


_DN_T = (((1,), (1,)), ((), ()))


def _tc_layer_body(l, has_m, final, *refs):
    if final:
        (h_ref, a0_ref, a1_ref, cd_ref, cs_ref, m_ref,
         ws_ref, bs_ref, w1_ref, b1_ref, w2_ref, b2_ref,
         wo_ref, bo_ref, out_ref) = refs
    elif has_m:
        (h_ref, a0_ref, a1_ref, cd_ref, cs_ref, m_ref,
         ws_ref, bs_ref, w1_ref, b1_ref, w2_ref, b2_ref,
         hout_ref, mout_ref) = refs
    else:
        (h_ref, a0_ref, a1_ref, cd_ref, cs_ref,
         ws_ref, bs_ref, w1_ref, b1_ref, w2_ref, b2_ref,
         hout_ref) = refs
    inv_d = 1.0 / jnp.maximum(cd_ref[...], 1.0)
    inv_s = 1.0 / jnp.maximum(cs_ref[...], 1.0)
    y = lax.dot_general(h_ref[...], ws_ref[0], _DN_T,
                        preferred_element_type=jnp.float32)
    y += bs_ref[l]
    y += (1.0 - ALPHA) * (
        lax.dot_general(a0_ref[0] * inv_d, w1_ref[0], _DN_T,
                        preferred_element_type=jnp.float32) + b1_ref[l])
    y += ALPHA * (
        lax.dot_general(a1_ref[0] * inv_s, w2_ref[0], _DN_T,
                        preferred_element_type=jnp.float32) + b2_ref[l])
    h_new = jnp.maximum(y, 0.0)
    if final:
        m_new = jnp.maximum(m_ref[...], h_new)
        out_ref[...] = (
            lax.dot_general(m_new, wo_ref[...], _DN_T,
                            preferred_element_type=jnp.float32) + bo_ref[...])
    elif has_m:
        hout_ref[...] = h_new
        mout_ref[...] = jnp.maximum(m_ref[...], h_new)
    else:
        hout_ref[...] = h_new


_F_SPEC = pl.BlockSpec((BN, D), lambda i: (i, 0))
_A0_SPEC = pl.BlockSpec((1, BN, D), lambda i: (0, i, 0))
_A1_SPEC = pl.BlockSpec((1, BN, D), lambda i: (1, i, 0))
_W2_SPEC = pl.BlockSpec((D, D), lambda i: (0, 0))
_B1_SPEC = pl.BlockSpec((1, D), lambda i: (0, 0))
_C_SPEC = pl.BlockSpec((BN, 1), lambda i: (i, 0))
_FOUT = jax.ShapeDtypeStruct((N, D), jnp.float32)


def _lw_specs(l):
    w = pl.BlockSpec((1, D, D), lambda i, l=l: (l, 0, 0))
    b = pl.BlockSpec((3, D), lambda i: (0, 0))
    return [w, b, w, b, w, b]


@functools.partial(jax.jit, static_argnums=(0,))
def _tc_layer_first(l, h, agg, cd, cs, Ws, bs, W1, b1, W2, b2):
    return pl.pallas_call(
        functools.partial(_tc_layer_body, l, False, False),
        grid=(N // BN,),
        in_specs=[_F_SPEC, _A0_SPEC, _A1_SPEC, _C_SPEC, _C_SPEC] + _lw_specs(l),
        out_specs=_F_SPEC,
        out_shape=_FOUT,
    )(h, agg, agg, cd, cs, Ws, bs, W1, b1, W2, b2)


@functools.partial(jax.jit, static_argnums=(0,))
def _tc_layer_mid(l, h, agg, cd, cs, m, Ws, bs, W1, b1, W2, b2):
    return pl.pallas_call(
        functools.partial(_tc_layer_body, l, True, False),
        grid=(N // BN,),
        in_specs=[_F_SPEC, _A0_SPEC, _A1_SPEC, _C_SPEC, _C_SPEC, _F_SPEC]
        + _lw_specs(l),
        out_specs=(_F_SPEC, _F_SPEC),
        out_shape=(_FOUT, _FOUT),
    )(h, agg, agg, cd, cs, m, Ws, bs, W1, b1, W2, b2)


@functools.partial(jax.jit, static_argnums=(0,))
def _tc_layer_last(l, h, agg, cd, cs, m, Ws, bs, W1, b1, W2, b2, Wo, bo):
    return pl.pallas_call(
        functools.partial(_tc_layer_body, l, True, True),
        grid=(N // BN,),
        in_specs=[_F_SPEC, _A0_SPEC, _A1_SPEC, _C_SPEC, _C_SPEC, _F_SPEC]
        + _lw_specs(l) + [_W2_SPEC, _B1_SPEC],
        out_specs=_F_SPEC,
        out_shape=_FOUT,
    )(h, agg, agg, cd, cs, m, Ws, bs, W1, b1, W2, b2, Wo, bo)


def kernel(x, edge_index, W_self, b_self, W_s2d, b_s2d, W_d2s, b_d2s, W_out, b_out):
    eidx3 = jnp.pad(edge_index.reshape(2, NCHUNK, CHUNK),
                    ((0, 0), (0, NCHUNK_PAD - NCHUNK), (0, 0)))
    zrows = jnp.zeros((ROWS_PER_TILE, D), jnp.float32)
    zcnt = jnp.zeros((CNT_PER_TILE,), jnp.float32)

    agg, cnts = _sc_agg_cnt(x, eidx3, zrows, zcnt)
    cd = cnts[0, :N].reshape(N, 1)
    cs = cnts[1, :N].reshape(N, 1)

    lw = (W_self, b_self, W_s2d, b_s2d, W_d2s, b_d2s)
    h1 = _tc_layer_first(0, x, agg, cd, cs, *lw)
    agg = _sc_agg(h1, eidx3, zrows)
    h2, m2 = _tc_layer_mid(1, h1, agg, cd, cs, h1, *lw)
    agg = _sc_agg(h2, eidx3, zrows)
    return _tc_layer_last(2, h2, agg, cd, cs, m2, *lw,
                          W_out, b_out.reshape(1, D))

# --- scband reference (transcript-rebuilt; emitter-appended) ---
"""Pipeline reference for scband-dir-sage-57432302682549 (READ-ONLY COPY).

The authoritative reference and input builder live on the scoring server;
editing this copy changes nothing except your own understanding.
"""

import jax, jax.numpy as jnp
import numpy as np

N = 10000
E = 320000
D = 128
L = 3
ALPHA = 0.5


def setup_inputs(seed: int = 0) -> dict:
    key = jax.random.key(seed)
    ks = jax.random.split(key, 11)
    s = 1.0 / np.sqrt(D)
    inp = {}
    inp["x"] = jax.random.normal(ks[0], (N, D), dtype=jnp.float32)
    inp["edge_index"] = jax.random.randint(ks[1], (2, E), 0, N, dtype=jnp.int32)
    inp["W_self"] = jax.random.uniform(ks[2], (L, D, D), jnp.float32, -s, s)
    inp["b_self"] = jax.random.uniform(ks[3], (L, D), jnp.float32, -s, s)
    inp["W_s2d"] = jax.random.uniform(ks[4], (L, D, D), jnp.float32, -s, s)
    inp["b_s2d"] = jax.random.uniform(ks[5], (L, D), jnp.float32, -s, s)
    inp["W_d2s"] = jax.random.uniform(ks[6], (L, D, D), jnp.float32, -s, s)
    inp["b_d2s"] = jax.random.uniform(ks[7], (L, D), jnp.float32, -s, s)
    inp["W_out"] = jax.random.uniform(ks[8], (D, D), jnp.float32, -s, s)
    inp["b_out"] = jax.random.uniform(ks[9], (D,), jnp.float32, -s, s)
    return inp


def _mean_aggr(x, gather_idx, seg_idx):
    # PyG SAGEConv mean aggregation: gather source features, segment-sum by
    # destination, divide by in-degree (isolated nodes stay zero).
    msg = jnp.take(x, gather_idx, axis=0)
    agg = jax.ops.segment_sum(msg, seg_idx, num_segments=N)
    cnt = jax.ops.segment_sum(jnp.ones((gather_idx.shape[0],), jnp.float32), seg_idx, num_segments=N)
    return agg / jnp.maximum(cnt, 1.0)[:, None]


def reference(x, edge_index, W_self, b_self, W_s2d, b_s2d, W_d2s, b_d2s, W_out, b_out):
    src = edge_index[0]
    dst = edge_index[1]
    h = x
    xs = []
    for i in range(L):
        # DirSageConv: lin_self(x) + (1-alpha)*SAGE(src->dst) + alpha*SAGE(dst->src)
        self_term = h @ W_self[i].T + b_self[i]
        s2d = _mean_aggr(h, src, dst) @ W_s2d[i].T + b_s2d[i]  # flow source_to_target
        d2s = _mean_aggr(h, dst, src) @ W_d2s[i].T + b_d2s[i]  # flow target_to_source
        h = self_term + (1.0 - ALPHA) * s2d + ALPHA * d2s
        # jumping_knowledge is not None -> relu after every layer; dropout p=0 is identity
        h = jax.nn.relu(h)
        xs.append(h)
    hj = jnp.max(jnp.stack(xs, axis=0), axis=0)  # JumpingKnowledge(mode='max')
    return hj @ W_out.T + b_out

if __name__ == "__main__":
    import jax
    _d = setup_inputs()
    print(jax.jit(kernel)(*tuple(_d.values())))

</pallas_src>

<mosaic_0001>
#map = affine_map<(d0, d1) -> (0, 0)>
#map1 = affine_map<(d0, d1) -> (0, 0, 0)>
#map2 = affine_map<(d0, d1) -> (0)>
module attributes {stable_mosaic.version = 14 : i64} {
  func.func @_sc_agg_body(%arg0: i32, %arg1: i32, %arg2: memref<10000x128xf32, #tpu.memory_space<hbm>>, %arg3: memref<2x2504x128xi32, #tpu.memory_space<hbm>>, %arg4: memref<640x128xf32, #tpu.memory_space<hbm>>, %arg5: memref<640xf32, #tpu.memory_space<hbm>>, %arg6: memref<2x10000x128xf32, #tpu.memory_space<hbm>>, %arg7: memref<2x10240xf32, #tpu.memory_space<hbm>>, %arg8: memref<2x2x8x128xi32, #tpu.memory_space<vmem>>, %arg9: memref<128x128xf32, #tpu.memory_space<vmem>>, %arg10: memref<128x128xf32, #tpu.memory_space<vmem>>, %arg11: memref<10000x128xf32, #tpu.memory_space<vmem_shared>>, %arg12: memref<!tpu.dma_semaphore, #tpu.memory_space<semaphore_mem>>, %arg13: memref<!tpu.dma_semaphore, #tpu.memory_space<semaphore_mem>>, %arg14: memref<!tpu.dma_semaphore, #tpu.memory_space<semaphore_mem>>, %arg15: memref<!tpu.dma_semaphore, #tpu.memory_space<semaphore_mem>>, %arg16: memref<!tpu.dma_semaphore, #tpu.memory_space<semaphore_mem>>, %arg17: memref<128xf32, #tpu.memory_space<vmem>>, %arg18: memref<10240xf32, #tpu.memory_space<vmem_shared>>, %arg19: memref<!tpu.dma_semaphore, #tpu.memory_space<semaphore_mem>>) attributes {dimension_semantics = [#tpu.dimension_semantics<core_parallel>, #tpu.dimension_semantics<subcore_parallel>], iteration_bounds = array<i64: 2, 16>, scalar_prefetch = 0 : i64, scratch_operands = 12 : i64, tpu.core_type = #tpu.core_type<sc_vector_subcore>, window_params = [{transform_indices = #map}, {transform_indices = #map1}, {transform_indices = #map}, {transform_indices = #map2}, {transform_indices = #map1}, {transform_indices = #map}]} {
    %mul3A = arith.constant 313 : i32
    %mul3A_0 = arith.muli %arg1, %mul3A : i32
    %jit3A = arith.constant 16 : i32
    %div3A = arith.divsi %mul3A_0, %jit3A : i32
    %sign3A = arith.constant 0 : i32
    %sign3A_1 = arith.cmpi sgt, %mul3A_0, %sign3A : i32
    %sign3A_2 = arith.extui %sign3A_1 : i1 to i32
    %sign3A_3 = arith.constant 0 : i32
    %sign3A_4 = arith.cmpi slt, %mul3A_0, %sign3A_3 : i32
    %sign3A_5 = arith.extui %sign3A_4 : i1 to i32
    %sign3A_6 = arith.subi %sign3A_2, %sign3A_5 : i32
    %sign3A_7 = arith.constant 0 : i32
    %sign3A_8 = arith.cmpi sgt, %jit3A, %sign3A_7 : i32
    %sign3A_9 = arith.extui %sign3A_8 : i1 to i32
    %sign3A_10 = arith.constant 0 : i32
    %sign3A_11 = arith.cmpi slt, %jit3A, %sign3A_10 : i32
    %sign3A_12 = arith.extui %sign3A_11 : i1 to i32
    %sign3A_13 = arith.subi %sign3A_9, %sign3A_12 : i32
    %ne3A = arith.cmpi ne, %sign3A_6, %sign3A_13 : i32
    %rem3A = arith.remsi %mul3A_0, %jit3A : i32
    %ne3A_14 = arith.constant 0 : i32
    %ne3A_15 = arith.cmpi ne, %rem3A, %ne3A_14 : i32
    %and3A = arith.andi %ne3A, %ne3A_15 : i1
    %sub3A = arith.constant 1 : i32
    %sub3A_16 = arith.subi %div3A, %sub3A : i32
    %select_n3A = arith.select %and3A, %sub3A_16, %div3A : i32
    %add3A = arith.constant 1 : i32
    %add3A_17 = arith.addi %arg1, %add3A : i32
    %mul3A_18 = arith.constant 313 : i32
    %mul3A_19 = arith.muli %add3A_17, %mul3A_18 : i32
    %jit3A_20 = arith.constant 16 : i32
    %div3A_21 = arith.divsi %mul3A_19, %jit3A_20 : i32
    %sign3A_22 = arith.constant 0 : i32
    %sign3A_23 = arith.cmpi sgt, %mul3A_19, %sign3A_22 : i32
    %sign3A_24 = arith.extui %sign3A_23 : i1 to i32
    %sign3A_25 = arith.constant 0 : i32
    %sign3A_26 = arith.cmpi slt, %mul3A_19, %sign3A_25 : i32
    %sign3A_27 = arith.extui %sign3A_26 : i1 to i32
    %sign3A_28 = arith.subi %sign3A_24, %sign3A_27 : i32
    %sign3A_29 = arith.constant 0 : i32
    %sign3A_30 = arith.cmpi sgt, %jit3A_20, %sign3A_29 : i32
    %sign3A_31 = arith.extui %sign3A_30 : i1 to i32
    %sign3A_32 = arith.constant 0 : i32
    %sign3A_33 = arith.cmpi slt, %jit3A_20, %sign3A_32 : i32
    %sign3A_34 = arith.extui %sign3A_33 : i1 to i32
    %sign3A_35 = arith.subi %sign3A_31, %sign3A_34 : i32
    %ne3A_36 = arith.cmpi ne, %sign3A_28, %sign3A_35 : i32
    %rem3A_37 = arith.remsi %mul3A_19, %jit3A_20 : i32
    %ne3A_38 = arith.constant 0 : i32
    %ne3A_39 = arith.cmpi ne, %rem3A_37, %ne3A_38 : i32
    %and3A_40 = arith.andi %ne3A_36, %ne3A_39 : i1
    %sub3A_41 = arith.constant 1 : i32
    %sub3A_42 = arith.subi %div3A_21, %sub3A_41 : i32
    %select_n3A_43 = arith.select %and3A_40, %sub3A_42, %div3A_21 : i32
    %mul3A_44 = arith.constant 8 : i32
    %mul3A_45 = arith.muli %select_n3A, %mul3A_44 : i32
    %run_scoped3A = arith.constant 0 : i32
    "tpu.region"() ({
      %run_scoped3A_229 = tpu.sem_alloc : memref<!tpu.dma_semaphore, #tpu.memory_space<semaphore_mem>>
      %dma_start3A_230 = arith.constant 0 : i32
      %dma_start3A_231 = arith.constant 0 : i32
      %dma_start3A_232 = arith.constant 0 : i32
      %dma_start3A_233 = tpu.memref_slice %arg8[%run_scoped3A, %dma_start3A_230, %dma_start3A_231, %dma_start3A_232] : memref<2x2x8x128xi32, #tpu.memory_space<vmem>> -> memref<1x2x8x128xi32, #tpu.memory_space<vmem>>
      %dma_start3A_234 = tpu.memref_squeeze %dma_start3A_233 : memref<1x2x8x128xi32, #tpu.memory_space<vmem>> -> memref<2x8x128xi32, #tpu.memory_space<vmem>>
      %dma_start3A_235 = arith.constant 0 : i32
      %dma_start3A_236 = arith.constant 0 : i32
      %dma_start3A_237 = tpu.memref_slice %arg3[%dma_start3A_235, %mul3A_45, %dma_start3A_236] : memref<2x2504x128xi32, #tpu.memory_space<hbm>> -> memref<2x8x128xi32, #tpu.memory_space<hbm>>
      %dma_start3A_238 = arith.constant 0 : i32
      %dma_start3A_239 = arith.constant 0 : i32
      %dma_start3A_240 = arith.constant 0 : i32
      %dma_start3A_241 = tpu.memref_slice %arg8[%run_scoped3A, %dma_start3A_238, %dma_start3A_239, %dma_start3A_240] : memref<2x2x8x128xi32, #tpu.memory_space<vmem>> -> memref<1x2x8x128xi32, #tpu.memory_space<vmem>>
      %dma_start3A_242 = tpu.memref_squeeze %dma_start3A_241 : memref<1x2x8x128xi32, #tpu.memory_space<vmem>> -> memref<2x8x128xi32, #tpu.memory_space<vmem>>
      %dma_start3A_243 = arith.constant 0 : i32
      %dma_start3A_244 = arith.constant 0 : i32
      %dma_start3A_245 = tpu.memref_slice %arg3[%dma_start3A_243, %mul3A_45, %dma_start3A_244] : memref<2x2504x128xi32, #tpu.memory_space<hbm>> -> memref<2x8x128xi32, #tpu.memory_space<hbm>>
      tpu.enqueue_dma source(%dma_start3A_245 : memref<2x8x128xi32, #tpu.memory_space<hbm>>) target(%dma_start3A_242 : memref<2x8x128xi32, #tpu.memory_space<vmem>>) target_semaphore(%run_scoped3A_229 : memref<!tpu.dma_semaphore, #tpu.memory_space<semaphore_mem>>)
      %dma_wait3A = arith.constant 0 : i32
      %dma_wait3A_246 = arith.constant 0 : i32
      %dma_wait3A_247 = arith.constant 0 : i32
      %dma_wait3A_248 = tpu.memref_slice %arg8[%run_scoped3A, %dma_wait3A, %dma_wait3A_246, %dma_wait3A_247] : memref<2x2x8x128xi32, #tpu.memory_space<vmem>> -> memref<1x2x8x128xi32, #tpu.memory_space<vmem>>
      %dma_wait3A_249 = tpu.memref_squeeze %dma_wait3A_248 : memref<1x2x8x128xi32, #tpu.memory_space<vmem>> -> memref<2x8x128xi32, #tpu.memory_space<vmem>>
      %dma_wait3A_250 = arith.constant 0 : i32
      %dma_wait3A_251 = arith.constant 0 : i32
      %dma_wait3A_252 = tpu.memref_slice %arg3[%dma_wait3A_250, %mul3A_45, %dma_wait3A_251] : memref<2x2504x128xi32, #tpu.memory_space<hbm>> -> memref<2x8x128xi32, #tpu.memory_space<hbm>>
      %dma_wait3A_253 = arith.constant 0 : i32
      %dma_wait3A_254 = arith.constant 0 : i32
      %dma_wait3A_255 = arith.constant 0 : i32
      %dma_wait3A_256 = tpu.memref_slice %arg8[%run_scoped3A, %dma_wait3A_253, %dma_wait3A_254, %dma_wait3A_255] : memref<2x2x8x128xi32, #tpu.memory_space<vmem>> -> memref<1x2x8x128xi32, #tpu.memory_space<vmem>>
      %dma_wait3A_257 = tpu.memref_squeeze %dma_wait3A_256 : memref<1x2x8x128xi32, #tpu.memory_space<vmem>> -> memref<2x8x128xi32, #tpu.memory_space<vmem>>
      %dma_wait3A_258 = arith.constant 0 : i32
      %dma_wait3A_259 = arith.constant 0 : i32
      %dma_wait3A_260 = tpu.memref_slice %arg3[%dma_wait3A_258, %mul3A_45, %dma_wait3A_259] : memref<2x2504x128xi32, #tpu.memory_space<hbm>> -> memref<2x8x128xi32, #tpu.memory_space<hbm>>
      tpu.wait_dma2 semaphore(%run_scoped3A_229 : memref<!tpu.dma_semaphore, #tpu.memory_space<semaphore_mem>>) src(%dma_wait3A_260 : memref<2x8x128xi32, #tpu.memory_space<hbm>>) dst(%dma_wait3A_257 : memref<2x8x128xi32, #tpu.memory_space<vmem>>)
      tpu.yield
    }) : () -> ()
    %dma_start3A = arith.constant 0 : i32
    %dma_start3A_46 = arith.constant 0 : i32
    %dma_start3A_47 = arith.constant 0 : i32
    %dma_start3A_48 = tpu.memref_slice %arg8[%dma_start3A, %arg0, %dma_start3A_46, %dma_start3A_47] : memref<2x2x8x128xi32, #tpu.memory_space<vmem>> -> memref<1x1x1x128xi32, #tpu.memory_space<vmem>>
    %dma_start3A_49 = tpu.memref_squeeze %dma_start3A_48 : memref<1x1x1x128xi32, #tpu.memory_space<vmem>> -> memref<128xi32, #tpu.memory_space<vmem>>
    %dma_start3A_50 = arith.constant 0 : i32
    %dma_start3A_51 = arith.constant 0 : i32
    %dma_start3A_52 = tpu.memref_slice %arg2[%dma_start3A_50, %dma_start3A_51] : memref<10000x128xf32, #tpu.memory_space<hbm>> -> memref<10000x128xf32, #tpu.memory_space<hbm>>
    tpu.enqueue_indirect_dma source(%dma_start3A_52 : memref<10000x128xf32, #tpu.memory_space<hbm>>) target(%arg9 : memref<128x128xf32, #tpu.memory_space<vmem>>) offsets(%dma_start3A_49 : memref<128xi32, #tpu.memory_space<vmem>>) semaphore(%arg12 : memref<!tpu.dma_semaphore, #tpu.memory_space<semaphore_mem>>)
    %mul3A_53 = arith.constant 624 : i32
    %mul3A_54 = arith.muli %arg1, %mul3A_53 : i32
    "tpu.region"() ({
      %run_scoped3A_229 = tpu.sem_alloc : memref<!tpu.dma_semaphore, #tpu.memory_space<semaphore_mem>>
      %dma_start3A_230 = arith.constant 0 : i32
      %dma_start3A_231 = tpu.memref_slice %arg11[%mul3A_54, %dma_start3A_230] : memref<10000x128xf32, #tpu.memory_space<vmem_shared>> -> memref<640x128xf32, #tpu.memory_space<vmem_shared>>
      tpu.enqueue_dma source(%arg4 : memref<640x128xf32, #tpu.memory_space<hbm>>) target(%dma_start3A_231 : memref<640x128xf32, #tpu.memory_space<vmem_shared>>) target_semaphore(%run_scoped3A_229 : memref<!tpu.dma_semaphore, #tpu.memory_space<semaphore_mem>>)
      %dma_wait3A = arith.constant 0 : i32
      %dma_wait3A_232 = tpu.memref_slice %arg11[%mul3A_54, %dma_wait3A] : memref<10000x128xf32, #tpu.memory_space<vmem_shared>> -> memref<640x128xf32, #tpu.memory_space<vmem_shared>>
      tpu.wait_dma2 semaphore(%run_scoped3A_229 : memref<!tpu.dma_semaphore, #tpu.memory_space<semaphore_mem>>) src(%arg4 : memref<640x128xf32, #tpu.memory_space<hbm>>) dst(%dma_wait3A_232 : memref<640x128xf32, #tpu.memory_space<vmem_shared>>)
      tpu.yield
    }) : () -> ()
    %mul3A_55 = arith.constant 640 : i32
    %mul3A_56 = arith.muli %arg1, %mul3A_55 : i32
    "tpu.region"() ({
      %run_scoped3A_229 = tpu.sem_alloc : memref<!tpu.dma_semaphore, #tpu.memory_space<semaphore_mem>>
      %dma_start3A_230 = tpu.memref_slice %arg18[%mul3A_56] : memref<10240xf32, #tpu.memory_space<vmem_shared>> -> memref<640xf32, #tpu.memory_space<vmem_shared>>
      tpu.enqueue_dma source(%arg5 : memref<640xf32, #tpu.memory_space<hbm>>) target(%dma_start3A_230 : memref<640xf32, #tpu.memory_space<vmem_shared>>) target_semaphore(%run_scoped3A_229 : memref<!tpu.dma_semaphore, #tpu.memory_space<semaphore_mem>>)
      %dma_wait3A = tpu.memref_slice %arg18[%mul3A_56] : memref<10240xf32, #tpu.memory_space<vmem_shared>> -> memref<640xf32, #tpu.memory_space<vmem_shared>>
      tpu.wait_dma2 semaphore(%run_scoped3A_229 : memref<!tpu.dma_semaphore, #tpu.memory_space<semaphore_mem>>) src(%arg5 : memref<640xf32, #tpu.memory_space<hbm>>) dst(%dma_wait3A : memref<640xf32, #tpu.memory_space<vmem_shared>>)
      tpu.yield
    }) : () -> ()
    %broadcast_in_dim3A = arith.constant 1.000000e+00 : f32
    %broadcast_in_dim3A_57 = vector.broadcast %broadcast_in_dim3A : f32 to vector<16xf32>
    %swap3A = arith.constant 0 : index
    %swap3A_58 = tpu.vector_load %arg17[%swap3A] {strides = array<i32>} : memref<128xf32, #tpu.memory_space<vmem>>, vector<16xf32>,
    %swap3A_59 = vector.shape_cast %swap3A_58 : vector<16xf32> to vector<16xf32>
    %swap3A_60 = vector.shape_cast %broadcast_in_dim3A_57 : vector<16xf32> to vector<16xf32>
    tpu.vector_store %arg17[%swap3A], %swap3A_60 {strides = array<i32>} : memref<128xf32, #tpu.memory_space<vmem>>, vector<16xf32>,
    %broadcast_in_dim3A_61 = arith.constant 1.000000e+00 : f32
    %broadcast_in_dim3A_62 = vector.broadcast %broadcast_in_dim3A_61 : f32 to vector<16xf32>
    %swap3A_63 = arith.constant 16 : index
    %swap3A_64 = tpu.vector_load %arg17[%swap3A_63] {strides = array<i32>} : memref<128xf32, #tpu.memory_space<vmem>>, vector<16xf32>,
    %swap3A_65 = vector.shape_cast %swap3A_64 : vector<16xf32> to vector<16xf32>
    %swap3A_66 = vector.shape_cast %broadcast_in_dim3A_62 : vector<16xf32> to vector<16xf32>
    tpu.vector_store %arg17[%swap3A_63], %swap3A_66 {strides = array<i32>} : memref<128xf32, #tpu.memory_space<vmem>>, vector<16xf32>,
    %broadcast_in_dim3A_67 = arith.constant 1.000000e+00 : f32
    %broadcast_in_dim3A_68 = vector.broadcast %broadcast_in_dim3A_67 : f32 to vector<16xf32>
    %swap3A_69 = arith.constant 32 : index
    %swap3A_70 = tpu.vector_load %arg17[%swap3A_69] {strides = array<i32>} : memref<128xf32, #tpu.memory_space<vmem>>, vector<16xf32>,
    %swap3A_71 = vector.shape_cast %swap3A_70 : vector<16xf32> to vector<16xf32>
    %swap3A_72 = vector.shape_cast %broadcast_in_dim3A_68 : vector<16xf32> to vector<16xf32>
    tpu.vector_store %arg17[%swap3A_69], %swap3A_72 {strides = array<i32>} : memref<128xf32, #tpu.memory_space<vmem>>, vector<16xf32>,
    %broadcast_in_dim3A_73 = arith.constant 1.000000e+00 : f32
    %broadcast_in_dim3A_74 = vector.broadcast %broadcast_in_dim3A_73 : f32 to vector<16xf32>
    %swap3A_75 = arith.constant 48 : index
    %swap3A_76 = tpu.vector_load %arg17[%swap3A_75] {strides = array<i32>} : memref<128xf32, #tpu.memory_space<vmem>>, vector<16xf32>,
    %swap3A_77 = vector.shape_cast %swap3A_76 : vector<16xf32> to vector<16xf32>
    %swap3A_78 = vector.shape_cast %broadcast_in_dim3A_74 : vector<16xf32> to vector<16xf32>
    tpu.vector_store %arg17[%swap3A_75], %swap3A_78 {strides = array<i32>} : memref<128xf32, #tpu.memory_space<vmem>>, vector<16xf32>,
    %broadcast_in_dim3A_79 = arith.constant 1.000000e+00 : f32
    %broadcast_in_dim3A_80 = vector.broadcast %broadcast_in_dim3A_79 : f32 to vector<16xf32>
    %swap3A_81 = arith.constant 64 : index
    %swap3A_82 = tpu.vector_load %arg17[%swap3A_81] {strides = array<i32>} : memref<128xf32, #tpu.memory_space<vmem>>, vector<16xf32>,
    %swap3A_83 = vector.shape_cast %swap3A_82 : vector<16xf32> to vector<16xf32>
    %swap3A_84 = vector.shape_cast %broadcast_in_dim3A_80 : vector<16xf32> to vector<16xf32>
    tpu.vector_store %arg17[%swap3A_81], %swap3A_84 {strides = array<i32>} : memref<128xf32, #tpu.memory_space<vmem>>, vector<16xf32>,
    %broadcast_in_dim3A_85 = arith.constant 1.000000e+00 : f32
    %broadcast_in_dim3A_86 = vector.broadcast %broadcast_in_dim3A_85 : f32 to vector<16xf32>
    %swap3A_87 = arith.constant 80 : index
    %swap3A_88 = tpu.vector_load %arg17[%swap3A_87] {strides = array<i32>} : memref<128xf32, #tpu.memory_space<vmem>>, vector<16xf32>,
    %swap3A_89 = vector.shape_cast %swap3A_88 : vector<16xf32> to vector<16xf32>
    %swap3A_90 = vector.shape_cast %broadcast_in_dim3A_86 : vector<16xf32> to vector<16xf32>
    tpu.vector_store %arg17[%swap3A_87], %swap3A_90 {strides = array<i32>} : memref<128xf32, #tpu.memory_space<vmem>>, vector<16xf32>,
    %broadcast_in_dim3A_91 = arith.constant 1.000000e+00 : f32
    %broadcast_in_dim3A_92 = vector.broadcast %broadcast_in_dim3A_91 : f32 to vector<16xf32>
    %swap3A_93 = arith.constant 96 : index
    %swap3A_94 = tpu.vector_load %arg17[%swap3A_93] {strides = array<i32>} : memref<128xf32, #tpu.memory_space<vmem>>, vector<16xf32>,
    %swap3A_95 = vector.shape_cast %swap3A_94 : vector<16xf32> to vector<16xf32>
    %swap3A_96 = vector.shape_cast %broadcast_in_dim3A_92 : vector<16xf32> to vector<16xf32>
    tpu.vector_store %arg17[%swap3A_93], %swap3A_96 {strides = array<i32>} : memref<128xf32, #tpu.memory_space<vmem>>, vector<16xf32>,
    %broadcast_in_dim3A_97 = arith.constant 1.000000e+00 : f32
    %broadcast_in_dim3A_98 = vector.broadcast %broadcast_in_dim3A_97 : f32 to vector<16xf32>
    %swap3A_99 = arith.constant 112 : index
    %swap3A_100 = tpu.vector_load %arg17[%swap3A_99] {strides = array<i32>} : memref<128xf32, #tpu.memory_space<vmem>>, vector<16xf32>,
    %swap3A_101 = vector.shape_cast %swap3A_100 : vector<16xf32> to vector<16xf32>
    %swap3A_102 = vector.shape_cast %broadcast_in_dim3A_98 : vector<16xf32> to vector<16xf32>
    tpu.vector_store %arg17[%swap3A_99], %swap3A_102 {strides = array<i32>} : memref<128xf32, #tpu.memory_space<vmem>>, vector<16xf32>,
    %barrier3A = arith.constant 0 : index
    tpu.barrier barrier_id(%barrier3A)
    %while3A = arith.constant 0 : i32
    %while3A_103 = arith.subi %select_n3A_43, %select_n3A : i32
    %while3A_104 = arith.addi %select_n3A, %while3A_103 : i32
    %while3A_105 = arith.constant 1 : i32
    %while3A_106 = arith.divsi %while3A_103, %while3A_105 : i32
    %while3A_107 = arith.muli %while3A_106, %while3A_105 : i32
    %while3A_108 = arith.addi %select_n3A, %while3A_107 : i32
    %while3A_109 = arith.constant 1 : i32
    scf.for %while3A_229 = %select_n3A to %while3A_108 step %while3A_109  : i32 {
      %sub3A_230 = arith.subi %while3A_229, %select_n3A : i32
      %jit3A_231 = arith.constant 2 : i32
      %eq3A_232 = arith.constant 0 : i32
      %eq3A_233 = arith.cmpi eq, %jit3A_231, %eq3A_232 : i32
      %jit3A_234 = arith.constant 1 : i32
      %select_n3A_235 = arith.select %eq3A_233, %jit3A_234, %jit3A_231 : i32
      %rem3A_236 = arith.remsi %sub3A_230, %select_n3A_235 : i32
      %ne3A_237 = arith.constant 0 : i32
      %ne3A_238 = arith.cmpi ne, %rem3A_236, %ne3A_237 : i32
      %lt3A_239 = arith.constant 0 : i32
      %lt3A_240 = arith.cmpi slt, %rem3A_236, %lt3A_239 : i32
      %lt3A_241 = arith.constant 0 : i32
      %lt3A_242 = arith.cmpi slt, %select_n3A_235, %lt3A_241 : i32
      %ne3A_243 = arith.xori %lt3A_240, %lt3A_242 : i1
      %and3A_244 = arith.andi %ne3A_243, %ne3A_238 : i1
      %add3A_245 = arith.addi %rem3A_236, %select_n3A_235 : i32
      %select_n3A_246 = arith.select %and3A_244, %add3A_245, %rem3A_236 : i32
      %mul3A_247 = arith.constant 8 : i32
      %mul3A_248 = arith.muli %while3A_229, %mul3A_247 : i32
      %gt3A = arith.cmpi sgt, %while3A_229, %select_n3A : i32
      %convert_element_type3A_249 = arith.extui %gt3A : i1 to i32
      %cond3A_250 = arith.constant 0 : i32
      %cond3A_251 = arith.cmpi ne, %convert_element_type3A_249, %cond3A_250 : i32
      scf.if %cond3A_251 {
        %sub3A_446 = arith.constant 1 : i32
        %sub3A_447 = arith.subi %sub3A_446, %select_n3A_246 : i32
        %sub3A_448 = arith.constant 1 : i32
        %sub3A_449 = arith.subi %sub3A_448, %arg0 : i32
        %dma_wait3A = arith.constant 7 : i32
        %dma_wait3A_450 = arith.constant 0 : i32
        %dma_wait3A_451 = tpu.memref_slice %arg8[%sub3A_447, %sub3A_449, %dma_wait3A, %dma_wait3A_450] : memref<2x2x8x128xi32, #tpu.memory_space<vmem>> -> memref<1x1x1x128xi32, #tpu.memory_space<vmem>>
        %dma_wait3A_452 = tpu.memref_squeeze %dma_wait3A_451 : memref<1x1x1x128xi32, #tpu.memory_space<vmem>> -> memref<128xi32, #tpu.memory_space<vmem>>
        %dma_wait3A_453 = arith.constant 0 : i32
        %dma_wait3A_454 = arith.constant 0 : i32
        %dma_wait3A_455 = tpu.memref_slice %arg11[%dma_wait3A_453, %dma_wait3A_454] : memref<10000x128xf32, #tpu.memory_space<vmem_shared>> -> memref<10000x128xf32, #tpu.memory_space<vmem_shared>>
        tpu.wait_indirect_dma semaphore(%arg15 : memref<!tpu.dma_semaphore, #tpu.memory_space<semaphore_mem>>) src(%arg10 : memref<128x128xf32, #tpu.memory_space<vmem>>) dst(%dma_wait3A_455 : memref<10000x128xf32, #tpu.memory_space<vmem_shared>>)
        %sub3A_456 = arith.constant 1 : i32
        %sub3A_457 = arith.subi %sub3A_456, %select_n3A_246 : i32
        %sub3A_458 = arith.constant 1 : i32
        %sub3A_459 = arith.subi %sub3A_458, %arg0 : i32
        %dma_wait3A_460 = arith.constant 0 : i32
        %dma_wait3A_461 = arith.constant 0 : i32
        %dma_wait3A_462 = tpu.memref_slice %arg8[%sub3A_457, %sub3A_459, %dma_wait3A_460, %dma_wait3A_461] : memref<2x2x8x128xi32, #tpu.memory_space<vmem>> -> memref<1x1x1x128xi32, #tpu.memory_space<vmem>>
        %dma_wait3A_463 = tpu.memref_squeeze %dma_wait3A_462 : memref<1x1x1x128xi32, #tpu.memory_space<vmem>> -> memref<128xi32, #tpu.memory_space<vmem>>
        %dma_wait3A_464 = arith.constant 0 : i32
        %dma_wait3A_465 = tpu.memref_slice %arg18[%dma_wait3A_464] : memref<10240xf32, #tpu.memory_space<vmem_shared>> -> memref<10240xf32, #tpu.memory_space<vmem_shared>>
        tpu.wait_indirect_dma semaphore(%arg19 : memref<!tpu.dma_semaphore, #tpu.memory_space<semaphore_mem>>) src(%arg17 : memref<128xf32, #tpu.memory_space<vmem>>) dst(%dma_wait3A_465 : memref<10240xf32, #tpu.memory_space<vmem_shared>>)
        %sub3A_466 = arith.constant 1 : i32
        %sub3A_467 = arith.subi %sub3A_466, %select_n3A_246 : i32
        %sub3A_468 = arith.constant 1 : i32
        %sub3A_469 = arith.subi %sub3A_468, %arg0 : i32
        %dma_wait3A_470 = arith.constant 1 : i32
        %dma_wait3A_471 = arith.constant 0 : i32
        %dma_wait3A_472 = tpu.memref_slice %arg8[%sub3A_467, %sub3A_469, %dma_wait3A_470, %dma_wait3A_471] : memref<2x2x8x128xi32, #tpu.memory_space<vmem>> -> memref<1x1x1x128xi32, #tpu.memory_space<vmem>>
        %dma_wait3A_473 = tpu.memref_squeeze %dma_wait3A_472 : memref<1x1x1x128xi32, #tpu.memory_space<vmem>> -> memref<128xi32, #tpu.memory_space<vmem>>
        %dma_wait3A_474 = arith.constant 0 : i32
        %dma_wait3A_475 = tpu.memref_slice %arg18[%dma_wait3A_474] : memref<10240xf32, #tpu.memory_space<vmem_shared>> -> memref<10240xf32, #tpu.memory_space<vmem_shared>>
        tpu.wait_indirect_dma semaphore(%arg19 : memref<!tpu.dma_semaphore, #tpu.memory_space<semaphore_mem>>) src(%arg17 : memref<128xf32, #tpu.memory_space<vmem>>) dst(%dma_wait3A_475 : memref<10240xf32, #tpu.memory_space<vmem_shared>>)
        %sub3A_476 = arith.constant 1 : i32
        %sub3A_477 = arith.subi %sub3A_476, %select_n3A_246 : i32
        %sub3A_478 = arith.constant 1 : i32
        %sub3A_479 = arith.subi %sub3A_478, %arg0 : i32
        %dma_wait3A_480 = arith.constant 2 : i32
        %dma_wait3A_481 = arith.constant 0 : i32
        %dma_wait3A_482 = tpu.memref_slice %arg8[%sub3A_477, %sub3A_479, %dma_wait3A_480, %dma_wait3A_481] : memref<2x2x8x128xi32, #tpu.memory_space<vmem>> -> memref<1x1x1x128xi32, #tpu.memory_space<vmem>>
        %dma_wait3A_483 = tpu.memref_squeeze %dma_wait3A_482 : memref<1x1x1x128xi32, #tpu.memory_space<vmem>> -> memref<128xi32, #tpu.memory_space<vmem>>
        %dma_wait3A_484 = arith.constant 0 : i32
        %dma_wait3A_485 = tpu.memref_slice %arg18[%dma_wait3A_484] : memref<10240xf32, #tpu.memory_space<vmem_shared>> -> memref<10240xf32, #tpu.memory_space<vmem_shared>>
        tpu.wait_indirect_dma semaphore(%arg19 : memref<!tpu.dma_semaphore, #tpu.memory_space<semaphore_mem>>) src(%arg17 : memref<128xf32, #tpu.memory_space<vmem>>) dst(%dma_wait3A_485 : memref<10240xf32, #tpu.memory_space<vmem_shared>>)
        %sub3A_486 = arith.constant 1 : i32
        %sub3A_487 = arith.subi %sub3A_486, %select_n3A_246 : i32
        %sub3A_488 = arith.constant 1 : i32
        %sub3A_489 = arith.subi %sub3A_488, %arg0 : i32
        %dma_wait3A_490 = arith.constant 3 : i32
        %dma_wait3A_491 = arith.constant 0 : i32
        %dma_wait3A_492 = tpu.memref_slice %arg8[%sub3A_487, %sub3A_489, %dma_wait3A_490, %dma_wait3A_491] : memref<2x2x8x128xi32, #tpu.memory_space<vmem>> -> memref<1x1x1x128xi32, #tpu.memory_space<vmem>>
        %dma_wait3A_493 = tpu.memref_squeeze %dma_wait3A_492 : memref<1x1x1x128xi32, #tpu.memory_space<vmem>> -> memref<128xi32, #tpu.memory_space<vmem>>
        %dma_wait3A_494 = arith.constant 0 : i32
        %dma_wait3A_495 = tpu.memref_slice %arg18[%dma_wait3A_494] : memref<10240xf32, #tpu.memory_space<vmem_shared>> -> memref<10240xf32, #tpu.memory_space<vmem_shared>>
        tpu.wait_indirect_dma semaphore(%arg19 : memref<!tpu.dma_semaphore, #tpu.memory_space<semaphore_mem>>) src(%arg17 : memref<128xf32, #tpu.memory_space<vmem>>) dst(%dma_wait3A_495 : memref<10240xf32, #tpu.memory_space<vmem_shared>>)
        %sub3A_496 = arith.constant 1 : i32
        %sub3A_497 = arith.subi %sub3A_496, %select_n3A_246 : i32
        %sub3A_498 = arith.constant 1 : i32
        %sub3A_499 = arith.subi %sub3A_498, %arg0 : i32
        %dma_wait3A_500 = arith.constant 4 : i32
        %dma_wait3A_501 = arith.constant 0 : i32
        %dma_wait3A_502 = tpu.memref_slice %arg8[%sub3A_497, %sub3A_499, %dma_wait3A_500, %dma_wait3A_501] : memref<2x2x8x128xi32, #tpu.memory_space<vmem>> -> memref<1x1x1x128xi32, #tpu.memory_space<vmem>>
        %dma_wait3A_503 = tpu.memref_squeeze %dma_wait3A_502 : memref<1x1x1x128xi32, #tpu.memory_space<vmem>> -> memref<128xi32, #tpu.memory_space<vmem>>
        %dma_wait3A_504 = arith.constant 0 : i32
        %dma_wait3A_505 = tpu.memref_slice %arg18[%dma_wait3A_504] : memref<10240xf32, #tpu.memory_space<vmem_shared>> -> memref<10240xf32, #tpu.memory_space<vmem_shared>>
        tpu.wait_indirect_dma semaphore(%arg19 : memref<!tpu.dma_semaphore, #tpu.memory_space<semaphore_mem>>) src(%arg17 : memref<128xf32, #tpu.memory_space<vmem>>) dst(%dma_wait3A_505 : memref<10240xf32, #tpu.memory_space<vmem_shared>>)
        %sub3A_506 = arith.constant 1 : i32
        %sub3A_507 = arith.subi %sub3A_506, %select_n3A_246 : i32
        %sub3A_508 = arith.constant 1 : i32
        %sub3A_509 = arith.subi %sub3A_508, %arg0 : i32
        %dma_wait3A_510 = arith.constant 5 : i32
        %dma_wait3A_511 = arith.constant 0 : i32
        %dma_wait3A_512 = tpu.memref_slice %arg8[%sub3A_507, %sub3A_509, %dma_wait3A_510, %dma_wait3A_511] : memref<2x2x8x128xi32, #tpu.memory_space<vmem>> -> memref<1x1x1x128xi32, #tpu.memory_space<vmem>>
        %dma_wait3A_513 = tpu.memref_squeeze %dma_wait3A_512 : memref<1x1x1x128xi32, #tpu.memory_space<vmem>> -> memref<128xi32, #tpu.memory_space<vmem>>
        %dma_wait3A_514 = arith.constant 0 : i32
        %dma_wait3A_515 = tpu.memref_slice %arg18[%dma_wait3A_514] : memref<10240xf32, #tpu.memory_space<vmem_shared>> -> memref<10240xf32, #tpu.memory_space<vmem_shared>>
        tpu.wait_indirect_dma semaphore(%arg19 : memref<!tpu.dma_semaphore, #tpu.memory_space<semaphore_mem>>) src(%arg17 : memref<128xf32, #tpu.memory_space<vmem>>) dst(%dma_wait3A_515 : memref<10240xf32, #tpu.memory_space<vmem_shared>>)
        %sub3A_516 = arith.constant 1 : i32
        %sub3A_517 = arith.subi %sub3A_516, %select_n3A_246 : i32
        %sub3A_518 = arith.constant 1 : i32
        %sub3A_519 = arith.subi %sub3A_518, %arg0 : i32
        %dma_wait3A_520 = arith.constant 6 : i32
        %dma_wait3A_521 = arith.constant 0 : i32
        %dma_wait3A_522 = tpu.memref_slice %arg8[%sub3A_517, %sub3A_519, %dma_wait3A_520, %dma_wait3A_521] : memref<2x2x8x128xi32, #tpu.memory_space<vmem>> -> memref<1x1x1x128xi32, #tpu.memory_space<vmem>>
        %dma_wait3A_523 = tpu.memref_squeeze %dma_wait3A_522 : memref<1x1x1x128xi32, #tpu.memory_space<vmem>> -> memref<128xi32, #tpu.memory_space<vmem>>
        %dma_wait3A_524 = arith.constant 0 : i32
        %dma_wait3A_525 = tpu.memref_slice %arg18[%dma_wait3A_524] : memref<10240xf32, #tpu.memory_space<vmem_shared>> -> memref<10240xf32, #tpu.memory_space<vmem_shared>>
        tpu.wait_indirect_dma semaphore(%arg19 : memref<!tpu.dma_semaphore, #tpu.memory_space<semaphore_mem>>) src(%arg17 : memref<128xf32, #tpu.memory_space<vmem>>) dst(%dma_wait3A_525 : memref<10240xf32, #tpu.memory_space<vmem_shared>>)
        %sub3A_526 = arith.constant 1 : i32
        %sub3A_527 = arith.subi %sub3A_526, %select_n3A_246 : i32
        %sub3A_528 = arith.constant 1 : i32
        %sub3A_529 = arith.subi %sub3A_528, %arg0 : i32
        %dma_wait3A_530 = arith.constant 7 : i32
        %dma_wait3A_531 = arith.constant 0 : i32
        %dma_wait3A_532 = tpu.memref_slice %arg8[%sub3A_527, %sub3A_529, %dma_wait3A_530, %dma_wait3A_531] : memref<2x2x8x128xi32, #tpu.memory_space<vmem>> -> memref<1x1x1x128xi32, #tpu.memory_space<vmem>>
        %dma_wait3A_533 = tpu.memref_squeeze %dma_wait3A_532 : memref<1x1x1x128xi32, #tpu.memory_space<vmem>> -> memref<128xi32, #tpu.memory_space<vmem>>
        %dma_wait3A_534 = arith.constant 0 : i32
        %dma_wait3A_535 = tpu.memref_slice %arg18[%dma_wait3A_534] : memref<10240xf32, #tpu.memory_space<vmem_shared>> -> memref<10240xf32, #tpu.memory_space<vmem_shared>>
        tpu.wait_indirect_dma semaphore(%arg19 : memref<!tpu.dma_semaphore, #tpu.memory_space<semaphore_mem>>) src(%arg17 : memref<128xf32, #tpu.memory_space<vmem>>) dst(%dma_wait3A_535 : memref<10240xf32, #tpu.memory_space<vmem_shared>>)
      } else {
      }
      %add3A_252 = arith.constant 1 : i32
      %add3A_253 = arith.addi %while3A_229, %add3A_252 : i32
      %lt3A_254 = arith.cmpi slt, %add3A_253, %select_n3A_43 : i32
      %convert_element_type3A_255 = arith.extui %lt3A_254 : i1 to i32
      %cond3A_256 = arith.constant 0 : i32
      %cond3A_257 = arith.cmpi ne, %convert_element_type3A_255, %cond3A_256 : i32
      scf.if %cond3A_257 {
        %add3A_446 = arith.constant 1 : i32
        %add3A_447 = arith.addi %while3A_229, %add3A_446 : i32
        %mul3A_448 = arith.constant 8 : i32
        %mul3A_449 = arith.muli %add3A_447, %mul3A_448 : i32
        %sub3A_450 = arith.constant 1 : i32
        %sub3A_451 = arith.subi %sub3A_450, %select_n3A_246 : i32
        %dma_start3A_452 = arith.constant 0 : i32
        %dma_start3A_453 = arith.constant 0 : i32
        %dma_start3A_454 = arith.constant 0 : i32
        %dma_start3A_455 = tpu.memref_slice %arg8[%sub3A_451, %dma_start3A_452, %dma_start3A_453, %dma_start3A_454] : memref<2x2x8x128xi32, #tpu.memory_space<vmem>> -> memref<1x2x8x128xi32, #tpu.memory_space<vmem>>
        %dma_start3A_456 = tpu.memref_squeeze %dma_start3A_455 : memref<1x2x8x128xi32, #tpu.memory_space<vmem>> -> memref<2x8x128xi32, #tpu.memory_space<vmem>>
        %dma_start3A_457 = arith.constant 0 : i32
        %dma_start3A_458 = arith.constant 0 : i32
        %dma_start3A_459 = tpu.memref_slice %arg3[%dma_start3A_457, %mul3A_449, %dma_start3A_458] : memref<2x2504x128xi32, #tpu.memory_space<hbm>> -> memref<2x8x128xi32, #tpu.memory_space<hbm>>
        %dma_start3A_460 = arith.constant 0 : i32
        %dma_start3A_461 = arith.constant 0 : i32
        %dma_start3A_462 = arith.constant 0 : i32
        %dma_start3A_463 = tpu.memref_slice %arg8[%sub3A_451, %dma_start3A_460, %dma_start3A_461, %dma_start3A_462] : memref<2x2x8x128xi32, #tpu.memory_space<vmem>> -> memref<1x2x8x128xi32, #tpu.memory_space<vmem>>
        %dma_start3A_464 = tpu.memref_squeeze %dma_start3A_463 : memref<1x2x8x128xi32, #tpu.memory_space<vmem>> -> memref<2x8x128xi32, #tpu.memory_space<vmem>>
        %dma_start3A_465 = arith.constant 0 : i32
        %dma_start3A_466 = arith.constant 0 : i32
        %dma_start3A_467 = tpu.memref_slice %arg3[%dma_start3A_465, %mul3A_449, %dma_start3A_466] : memref<2x2504x128xi32, #tpu.memory_space<hbm>> -> memref<2x8x128xi32, #tpu.memory_space<hbm>>
        tpu.enqueue_dma source(%dma_start3A_467 : memref<2x8x128xi32, #tpu.memory_space<hbm>>) target(%dma_start3A_464 : memref<2x8x128xi32, #tpu.memory_space<vmem>>) target_semaphore(%arg16 : memref<!tpu.dma_semaphore, #tpu.memory_space<semaphore_mem>>)
      } else {
      }
      %add3A_258 = arith.constant 0 : i32
      %add3A_259 = arith.addi %mul3A_248, %add3A_258 : i32
      %add3A_260 = arith.constant 1 : i32
      %add3A_261 = arith.addi %add3A_259, %add3A_260 : i32
      %lt3A_262 = arith.constant 2500 : i32
      %lt3A_263 = arith.cmpi slt, %add3A_261, %lt3A_262 : i32
      %convert_element_type3A_264 = arith.extui %lt3A_263 : i1 to i32
      %cond3A_265 = arith.constant 0 : i32
      %cond3A_266 = arith.cmpi ne, %convert_element_type3A_264, %cond3A_265 : i32
      scf.if %cond3A_266 {
        %dma_start3A_446 = arith.constant 1 : i32
        %dma_start3A_447 = arith.constant 0 : i32
        %dma_start3A_448 = tpu.memref_slice %arg8[%select_n3A_246, %arg0, %dma_start3A_446, %dma_start3A_447] : memref<2x2x8x128xi32, #tpu.memory_space<vmem>> -> memref<1x1x1x128xi32, #tpu.memory_space<vmem>>
        %dma_start3A_449 = tpu.memref_squeeze %dma_start3A_448 : memref<1x1x1x128xi32, #tpu.memory_space<vmem>> -> memref<128xi32, #tpu.memory_space<vmem>>
        %dma_start3A_450 = arith.constant 0 : i32
        %dma_start3A_451 = arith.constant 0 : i32
        %dma_start3A_452 = tpu.memref_slice %arg2[%dma_start3A_450, %dma_start3A_451] : memref<10000x128xf32, #tpu.memory_space<hbm>> -> memref<10000x128xf32, #tpu.memory_space<hbm>>
        tpu.enqueue_indirect_dma source(%dma_start3A_452 : memref<10000x128xf32, #tpu.memory_space<hbm>>) target(%arg10 : memref<128x128xf32, #tpu.memory_space<vmem>>) offsets(%dma_start3A_449 : memref<128xi32, #tpu.memory_space<vmem>>) semaphore(%arg13 : memref<!tpu.dma_semaphore, #tpu.memory_space<semaphore_mem>>)
      } else {
      }
      %add3A_267 = arith.constant 0 : i32
      %add3A_268 = arith.addi %mul3A_248, %add3A_267 : i32
      %lt3A_269 = arith.constant 2500 : i32
      %lt3A_270 = arith.cmpi slt, %add3A_268, %lt3A_269 : i32
      %convert_element_type3A_271 = arith.extui %lt3A_270 : i1 to i32
      %cond3A_272 = arith.constant 0 : i32
      %cond3A_273 = arith.cmpi ne, %convert_element_type3A_271, %cond3A_272 : i32
      scf.if %cond3A_273 {
        %dma_wait3A = arith.constant 0 : i32
        %dma_wait3A_446 = arith.constant 0 : i32
        %dma_wait3A_447 = tpu.memref_slice %arg8[%select_n3A_246, %arg0, %dma_wait3A, %dma_wait3A_446] : memref<2x2x8x128xi32, #tpu.memory_space<vmem>> -> memref<1x1x1x128xi32, #tpu.memory_space<vmem>>
        %dma_wait3A_448 = tpu.memref_squeeze %dma_wait3A_447 : memref<1x1x1x128xi32, #tpu.memory_space<vmem>> -> memref<128xi32, #tpu.memory_space<vmem>>
        %dma_wait3A_449 = arith.constant 0 : i32
        %dma_wait3A_450 = arith.constant 0 : i32
        %dma_wait3A_451 = tpu.memref_slice %arg2[%dma_wait3A_449, %dma_wait3A_450] : memref<10000x128xf32, #tpu.memory_space<hbm>> -> memref<10000x128xf32, #tpu.memory_space<hbm>>
        tpu.wait_indirect_dma semaphore(%arg12 : memref<!tpu.dma_semaphore, #tpu.memory_space<semaphore_mem>>) src(%dma_wait3A_451 : memref<10000x128xf32, #tpu.memory_space<hbm>>) dst(%arg9 : memref<128x128xf32, #tpu.memory_space<vmem>>)
        %sub3A_452 = arith.constant 1 : i32
        %sub3A_453 = arith.subi %sub3A_452, %arg0 : i32
        %dma_start3A_454 = arith.constant 0 : i32
        %dma_start3A_455 = arith.constant 0 : i32
        %dma_start3A_456 = tpu.memref_slice %arg8[%select_n3A_246, %sub3A_453, %dma_start3A_454, %dma_start3A_455] : memref<2x2x8x128xi32, #tpu.memory_space<vmem>> -> memref<1x1x1x128xi32, #tpu.memory_space<vmem>>
        %dma_start3A_457 = tpu.memref_squeeze %dma_start3A_456 : memref<1x1x1x128xi32, #tpu.memory_space<vmem>> -> memref<128xi32, #tpu.memory_space<vmem>>
        %dma_start3A_458 = arith.constant 0 : i32
        %dma_start3A_459 = arith.constant 0 : i32
        %dma_start3A_460 = tpu.memref_slice %arg11[%dma_start3A_458, %dma_start3A_459] : memref<10000x128xf32, #tpu.memory_space<vmem_shared>> -> memref<10000x128xf32, #tpu.memory_space<vmem_shared>>
        tpu.enqueue_indirect_dma source(%arg9 : memref<128x128xf32, #tpu.memory_space<vmem>>) target(%dma_start3A_460 : memref<10000x128xf32, #tpu.memory_space<vmem_shared>>) offsets(%dma_start3A_457 : memref<128xi32, #tpu.memory_space<vmem>>) semaphore(%arg14 : memref<!tpu.dma_semaphore, #tpu.memory_space<semaphore_mem>>) {add = true}
        %sub3A_461 = arith.constant 1 : i32
        %sub3A_462 = arith.subi %sub3A_461, %arg0 : i32
        %dma_start3A_463 = arith.constant 0 : i32
        %dma_start3A_464 = arith.constant 0 : i32
        %dma_start3A_465 = tpu.memref_slice %arg8[%select_n3A_246, %sub3A_462, %dma_start3A_463, %dma_start3A_464] : memref<2x2x8x128xi32, #tpu.memory_space<vmem>> -> memref<1x1x1x128xi32, #tpu.memory_space<vmem>>
        %dma_start3A_466 = tpu.memref_squeeze %dma_start3A_465 : memref<1x1x1x128xi32, #tpu.memory_space<vmem>> -> memref<128xi32, #tpu.memory_space<vmem>>
        %dma_start3A_467 = arith.constant 0 : i32
        %dma_start3A_468 = tpu.memref_slice %arg18[%dma_start3A_467] : memref<10240xf32, #tpu.memory_space<vmem_shared>> -> memref<10240xf32, #tpu.memory_space<vmem_shared>>
        tpu.enqueue_indirect_dma source(%arg17 : memref<128xf32, #tpu.memory_space<vmem>>) target(%dma_start3A_468 : memref<10240xf32, #tpu.memory_space<vmem_shared>>) offsets(%dma_start3A_466 : memref<128xi32, #tpu.memory_space<vmem>>) semaphore(%arg19 : memref<!tpu.dma_semaphore, #tpu.memory_space<semaphore_mem>>) {add = true}
      } else {
      }
      %add3A_274 = arith.constant 1 : i32
      %add3A_275 = arith.addi %mul3A_248, %add3A_274 : i32
      %sub3A_276 = arith.constant 1 : i32
      %sub3A_277 = arith.subi %add3A_275, %sub3A_276 : i32
      %lt3A_278 = arith.constant 2500 : i32
      %lt3A_279 = arith.cmpi slt, %sub3A_277, %lt3A_278 : i32
      %convert_element_type3A_280 = arith.extui %lt3A_279 : i1 to i32
      %cond3A_281 = arith.constant 0 : i32
      %cond3A_282 = arith.cmpi ne, %convert_element_type3A_280, %cond3A_281 : i32
      scf.if %cond3A_282 {
        %sub3A_446 = arith.constant 1 : i32
        %sub3A_447 = arith.subi %sub3A_446, %arg0 : i32
        %dma_wait3A = arith.constant 0 : i32
        %dma_wait3A_448 = arith.constant 0 : i32
        %dma_wait3A_449 = tpu.memref_slice %arg8[%select_n3A_246, %sub3A_447, %dma_wait3A, %dma_wait3A_448] : memref<2x2x8x128xi32, #tpu.memory_space<vmem>> -> memref<1x1x1x128xi32, #tpu.memory_space<vmem>>
        %dma_wait3A_450 = tpu.memref_squeeze %dma_wait3A_449 : memref<1x1x1x128xi32, #tpu.memory_space<vmem>> -> memref<128xi32, #tpu.memory_space<vmem>>
        %dma_wait3A_451 = arith.constant 0 : i32
        %dma_wait3A_452 = arith.constant 0 : i32
        %dma_wait3A_453 = tpu.memref_slice %arg11[%dma_wait3A_451, %dma_wait3A_452] : memref<10000x128xf32, #tpu.memory_space<vmem_shared>> -> memref<10000x128xf32, #tpu.memory_space<vmem_shared>>
        tpu.wait_indirect_dma semaphore(%arg14 : memref<!tpu.dma_semaphore, #tpu.memory_space<semaphore_mem>>) src(%arg9 : memref<128x128xf32, #tpu.memory_space<vmem>>) dst(%dma_wait3A_453 : memref<10000x128xf32, #tpu.memory_space<vmem_shared>>)
      } else {
      }
      %add3A_283 = arith.constant 1 : i32
      %add3A_284 = arith.addi %mul3A_248, %add3A_283 : i32
      %add3A_285 = arith.constant 1 : i32
      %add3A_286 = arith.addi %add3A_284, %add3A_285 : i32
      %lt3A_287 = arith.constant 2500 : i32
      %lt3A_288 = arith.cmpi slt, %add3A_286, %lt3A_287 : i32
      %convert_element_type3A_289 = arith.extui %lt3A_288 : i1 to i32
      %cond3A_290 = arith.constant 0 : i32
      %cond3A_291 = arith.cmpi ne, %convert_element_type3A_289, %cond3A_290 : i32
      scf.if %cond3A_291 {
        %dma_start3A_446 = arith.constant 2 : i32
        %dma_start3A_447 = arith.constant 0 : i32
        %dma_start3A_448 = tpu.memref_slice %arg8[%select_n3A_246, %arg0, %dma_start3A_446, %dma_start3A_447] : memref<2x2x8x128xi32, #tpu.memory_space<vmem>> -> memref<1x1x1x128xi32, #tpu.memory_space<vmem>>
        %dma_start3A_449 = tpu.memref_squeeze %dma_start3A_448 : memref<1x1x1x128xi32, #tpu.memory_space<vmem>> -> memref<128xi32, #tpu.memory_space<vmem>>
        %dma_start3A_450 = arith.constant 0 : i32
        %dma_start3A_451 = arith.constant 0 : i32
        %dma_start3A_452 = tpu.memref_slice %arg2[%dma_start3A_450, %dma_start3A_451] : memref<10000x128xf32, #tpu.memory_space<hbm>> -> memref<10000x128xf32, #tpu.memory_space<hbm>>
        tpu.enqueue_indirect_dma source(%dma_start3A_452 : memref<10000x128xf32, #tpu.memory_space<hbm>>) target(%arg9 : memref<128x128xf32, #tpu.memory_space<vmem>>) offsets(%dma_start3A_449 : memref<128xi32, #tpu.memory_space<vmem>>) semaphore(%arg12 : memref<!tpu.dma_semaphore, #tpu.memory_space<semaphore_mem>>)
      } else {
      }
      %add3A_292 = arith.constant 1 : i32
      %add3A_293 = arith.addi %mul3A_248, %add3A_292 : i32
      %lt3A_294 = arith.constant 2500 : i32
      %lt3A_295 = arith.cmpi slt, %add3A_293, %lt3A_294 : i32
      %convert_element_type3A_296 = arith.extui %lt3A_295 : i1 to i32
      %cond3A_297 = arith.constant 0 : i32
      %cond3A_298 = arith.cmpi ne, %convert_element_type3A_296, %cond3A_297 : i32
      scf.if %cond3A_298 {
        %dma_wait3A = arith.constant 1 : i32
        %dma_wait3A_446 = arith.constant 0 : i32
        %dma_wait3A_447 = tpu.memref_slice %arg8[%select_n3A_246, %arg0, %dma_wait3A, %dma_wait3A_446] : memref<2x2x8x128xi32, #tpu.memory_space<vmem>> -> memref<1x1x1x128xi32, #tpu.memory_space<vmem>>
        %dma_wait3A_448 = tpu.memref_squeeze %dma_wait3A_447 : memref<1x1x1x128xi32, #tpu.memory_space<vmem>> -> memref<128xi32, #tpu.memory_space<vmem>>
        %dma_wait3A_449 = arith.constant 0 : i32
        %dma_wait3A_450 = arith.constant 0 : i32
        %dma_wait3A_451 = tpu.memref_slice %arg2[%dma_wait3A_449, %dma_wait3A_450] : memref<10000x128xf32, #tpu.memory_space<hbm>> -> memref<10000x128xf32, #tpu.memory_space<hbm>>
        tpu.wait_indirect_dma semaphore(%arg13 : memref<!tpu.dma_semaphore, #tpu.memory_space<semaphore_mem>>) src(%dma_wait3A_451 : memref<10000x128xf32, #tpu.memory_space<hbm>>) dst(%arg10 : memref<128x128xf32, #tpu.memory_space<vmem>>)
        %sub3A_452 = arith.constant 1 : i32
        %sub3A_453 = arith.subi %sub3A_452, %arg0 : i32
        %dma_start3A_454 = arith.constant 1 : i32
        %dma_start3A_455 = arith.constant 0 : i32
        %dma_start3A_456 = tpu.memref_slice %arg8[%select_n3A_246, %sub3A_453, %dma_start3A_454, %dma_start3A_455] : memref<2x2x8x128xi32, #tpu.memory_space<vmem>> -> memref<1x1x1x128xi32, #tpu.memory_space<vmem>>
        %dma_start3A_457 = tpu.memref_squeeze %dma_start3A_456 : memref<1x1x1x128xi32, #tpu.memory_space<vmem>> -> memref<128xi32, #tpu.memory_space<vmem>>
        %dma_start3A_458 = arith.constant 0 : i32
        %dma_start3A_459 = arith.constant 0 : i32
        %dma_start3A_460 = tpu.memref_slice %arg11[%dma_start3A_458, %dma_start3A_459] : memref<10000x128xf32, #tpu.memory_space<vmem_shared>> -> memref<10000x128xf32, #tpu.memory_space<vmem_shared>>
        tpu.enqueue_indirect_dma source(%arg10 : memref<128x128xf32, #tpu.memory_space<vmem>>) target(%dma_start3A_460 : memref<10000x128xf32, #tpu.memory_space<vmem_shared>>) offsets(%dma_start3A_457 : memref<128xi32, #tpu.memory_space<vmem>>) semaphore(%arg15 : memref<!tpu.dma_semaphore, #tpu.memory_space<semaphore_mem>>) {add = true}
        %sub3A_461 = arith.constant 1 : i32
        %sub3A_462 = arith.subi %sub3A_461, %arg0 : i32
        %dma_start3A_463 = arith.constant 1 : i32
        %dma_start3A_464 = arith.constant 0 : i32
        %dma_start3A_465 = tpu.memref_slice %arg8[%select_n3A_246, %sub3A_462, %dma_start3A_463, %dma_start3A_464] : memref<2x2x8x128xi32, #tpu.memory_space<vmem>> -> memref<1x1x1x128xi32, #tpu.memory_space<vmem>>
        %dma_start3A_466 = tpu.memref_squeeze %dma_start3A_465 : memref<1x1x1x128xi32, #tpu.memory_space<vmem>> -> memref<128xi32, #tpu.memory_space<vmem>>
        %dma_start3A_467 = arith.constant 0 : i32
        %dma_start3A_468 = tpu.memref_slice %arg18[%dma_start3A_467] : memref<10240xf32, #tpu.memory_space<vmem_shared>> -> memref<10240xf32, #tpu.memory_space<vmem_shared>>
        tpu.enqueue_indirect_dma source(%arg17 : memref<128xf32, #tpu.memory_space<vmem>>) target(%dma_start3A_468 : memref<10240xf32, #tpu.memory_space<vmem_shared>>) offsets(%dma_start3A_466 : memref<128xi32, #tpu.memory_space<vmem>>) semaphore(%arg19 : memref<!tpu.dma_semaphore, #tpu.memory_space<semaphore_mem>>) {add = true}
      } else {
      }
      %add3A_299 = arith.constant 2 : i32
      %add3A_300 = arith.addi %mul3A_248, %add3A_299 : i32
      %sub3A_301 = arith.constant 1 : i32
      %sub3A_302 = arith.subi %add3A_300, %sub3A_301 : i32
      %lt3A_303 = arith.constant 2500 : i32
      %lt3A_304 = arith.cmpi slt, %sub3A_302, %lt3A_303 : i32
      %convert_element_type3A_305 = arith.extui %lt3A_304 : i1 to i32
      %cond3A_306 = arith.constant 0 : i32
      %cond3A_307 = arith.cmpi ne, %convert_element_type3A_305, %cond3A_306 : i32
      scf.if %cond3A_307 {
        %sub3A_446 = arith.constant 1 : i32
        %sub3A_447 = arith.subi %sub3A_446, %arg0 : i32
        %dma_wait3A = arith.constant 1 : i32
        %dma_wait3A_448 = arith.constant 0 : i32
        %dma_wait3A_449 = tpu.memref_slice %arg8[%select_n3A_246, %sub3A_447, %dma_wait3A, %dma_wait3A_448] : memref<2x2x8x128xi32, #tpu.memory_space<vmem>> -> memref<1x1x1x128xi32, #tpu.memory_space<vmem>>
        %dma_wait3A_450 = tpu.memref_squeeze %dma_wait3A_449 : memref<1x1x1x128xi32, #tpu.memory_space<vmem>> -> memref<128xi32, #tpu.memory_space<vmem>>
        %dma_wait3A_451 = arith.constant 0 : i32
        %dma_wait3A_452 = arith.constant 0 : i32
        %dma_wait3A_453 = tpu.memref_slice %arg11[%dma_wait3A_451, %dma_wait3A_452] : memref<10000x128xf32, #tpu.memory_space<vmem_shared>> -> memref<10000x128xf32, #tpu.memory_space<vmem_shared>>
        tpu.wait_indirect_dma semaphore(%arg15 : memref<!tpu.dma_semaphore, #tpu.memory_space<semaphore_mem>>) src(%arg10 : memref<128x128xf32, #tpu.memory_space<vmem>>) dst(%dma_wait3A_453 : memref<10000x128xf32, #tpu.memory_space<vmem_shared>>)
      } else {
      }
      %add3A_308 = arith.constant 2 : i32
      %add3A_309 = arith.addi %mul3A_248, %add3A_308 : i32
      %add3A_310 = arith.constant 1 : i32
      %add3A_311 = arith.addi %add3A_309, %add3A_310 : i32
      %lt3A_312 = arith.constant 2500 : i32
      %lt3A_313 = arith.cmpi slt, %add3A_311, %lt3A_312 : i32
      %convert_element_type3A_314 = arith.extui %lt3A_313 : i1 to i32
      %cond3A_315 = arith.constant 0 : i32
      %cond3A_316 = arith.cmpi ne, %convert_element_type3A_314, %cond3A_315 : i32
      scf.if %cond3A_316 {
        %dma_start3A_446 = arith.constant 3 : i32
        %dma_start3A_447 = arith.constant 0 : i32
        %dma_start3A_448 = tpu.memref_slice %arg8[%select_n3A_246, %arg0, %dma_start3A_446, %dma_start3A_447] : memref<2x2x8x128xi32, #tpu.memory_space<vmem>> -> memref<1x1x1x128xi32, #tpu.memory_space<vmem>>
        %dma_start3A_449 = tpu.memref_squeeze %dma_start3A_448 : memref<1x1x1x128xi32, #tpu.memory_space<vmem>> -> memref<128xi32, #tpu.memory_space<vmem>>
        %dma_start3A_450 = arith.constant 0 : i32
        %dma_start3A_451 = arith.constant 0 : i32
        %dma_start3A_452 = tpu.memref_slice %arg2[%dma_start3A_450, %dma_start3A_451] : memref<10000x128xf32, #tpu.memory_space<hbm>> -> memref<10000x128xf32, #tpu.memory_space<hbm>>
        tpu.enqueue_indirect_dma source(%dma_start3A_452 : memref<10000x128xf32, #tpu.memory_space<hbm>>) target(%arg10 : memref<128x128xf32, #tpu.memory_space<vmem>>) offsets(%dma_start3A_449 : memref<128xi32, #tpu.memory_space<vmem>>) semaphore(%arg13 : memref<!tpu.dma_semaphore, #tpu.memory_space<semaphore_mem>>)
      } else {
      }
      %add3A_317 = arith.constant 2 : i32
      %add3A_318 = arith.addi %mul3A_248, %add3A_317 : i32
      %lt3A_319 = arith.constant 2500 : i32
      %lt3A_320 = arith.cmpi slt, %add3A_318, %lt3A_319 : i32
      %convert_element_type3A_321 = arith.extui %lt3A_320 : i1 to i32
      %cond3A_322 = arith.constant 0 : i32
      %cond3A_323 = arith.cmpi ne, %convert_element_type3A_321, %cond3A_322 : i32
      scf.if %cond3A_323 {
        %dma_wait3A = arith.constant 2 : i32
        %dma_wait3A_446 = arith.constant 0 : i32
        %dma_wait3A_447 = tpu.memref_slice %arg8[%select_n3A_246, %arg0, %dma_wait3A, %dma_wait3A_446] : memref<2x2x8x128xi32, #tpu.memory_space<vmem>> -> memref<1x1x1x128xi32, #tpu.memory_space<vmem>>
        %dma_wait3A_448 = tpu.memref_squeeze %dma_wait3A_447 : memref<1x1x1x128xi32, #tpu.memory_space<vmem>> -> memref<128xi32, #tpu.memory_space<vmem>>
        %dma_wait3A_449 = arith.constant 0 : i32
        %dma_wait3A_450 = arith.constant 0 : i32
        %dma_wait3A_451 = tpu.memref_slice %arg2[%dma_wait3A_449, %dma_wait3A_450] : memref<10000x128xf32, #tpu.memory_space<hbm>> -> memref<10000x128xf32, #tpu.memory_space<hbm>>
        tpu.wait_indirect_dma semaphore(%arg12 : memref<!tpu.dma_semaphore, #tpu.memory_space<semaphore_mem>>) src(%dma_wait3A_451 : memref<10000x128xf32, #tpu.memory_space<hbm>>) dst(%arg9 : memref<128x128xf32, #tpu.memory_space<vmem>>)
        %sub3A_452 = arith.constant 1 : i32
        %sub3A_453 = arith.subi %sub3A_452, %arg0 : i32
        %dma_start3A_454 = arith.constant 2 : i32
        %dma_start3A_455 = arith.constant 0 : i32
        %dma_start3A_456 = tpu.memref_slice %arg8[%select_n3A_246, %sub3A_453, %dma_start3A_454, %dma_start3A_455] : memref<2x2x8x128xi32, #tpu.memory_space<vmem>> -> memref<1x1x1x128xi32, #tpu.memory_space<vmem>>
        %dma_start3A_457 = tpu.memref_squeeze %dma_start3A_456 : memref<1x1x1x128xi32, #tpu.memory_space<vmem>> -> memref<128xi32, #tpu.memory_space<vmem>>
        %dma_start3A_458 = arith.constant 0 : i32
        %dma_start3A_459 = arith.constant 0 : i32
        %dma_start3A_460 = tpu.memref_slice %arg11[%dma_start3A_458, %dma_start3A_459] : memref<10000x128xf32, #tpu.memory_space<vmem_shared>> -> memref<10000x128xf32, #tpu.memory_space<vmem_shared>>
        tpu.enqueue_indirect_dma source(%arg9 : memref<128x128xf32, #tpu.memory_space<vmem>>) target(%dma_start3A_460 : memref<10000x128xf32, #tpu.memory_space<vmem_shared>>) offsets(%dma_start3A_457 : memref<128xi32, #tpu.memory_space<vmem>>) semaphore(%arg14 : memref<!tpu.dma_semaphore, #tpu.memory_space<semaphore_mem>>) {add = true}
        %sub3A_461 = arith.constant 1 : i32
        %sub3A_462 = arith.subi %sub3A_461, %arg0 : i32
        %dma_start3A_463 = arith.constant 2 : i32
        %dma_start3A_464 = arith.constant 0 : i32
        %dma_start3A_465 = tpu.memref_slice %arg8[%select_n3A_246, %sub3A_462, %dma_start3A_463, %dma_start3A_464] : memref<2x2x8x128xi32, #tpu.memory_space<vmem>> -> memref<1x1x1x128xi32, #tpu.memory_space<vmem>>
        %dma_start3A_466 = tpu.memref_squeeze %dma_start3A_465 : memref<1x1x1x128xi32, #tpu.memory_space<vmem>> -> memref<128xi32, #tpu.memory_space<vmem>>
        %dma_start3A_467 = arith.constant 0 : i32
        %dma_start3A_468 = tpu.memref_slice %arg18[%dma_start3A_467] : memref<10240xf32, #tpu.memory_space<vmem_shared>> -> memref<10240xf32, #tpu.memory_space<vmem_shared>>
        tpu.enqueue_indirect_dma source(%arg17 : memref<128xf32, #tpu.memory_space<vmem>>) target(%dma_start3A_468 : memref<10240xf32, #tpu.memory_space<vmem_shared>>) offsets(%dma_start3A_466 : memref<128xi32, #tpu.memory_space<vmem>>) semaphore(%arg19 : memref<!tpu.dma_semaphore, #tpu.memory_space<semaphore_mem>>) {add = true}
      } else {
      }
      %add3A_324 = arith.constant 3 : i32
      %add3A_325 = arith.addi %mul3A_248, %add3A_324 : i32
      %sub3A_326 = arith.constant 1 : i32
      %sub3A_327 = arith.subi %add3A_325, %sub3A_326 : i32
      %lt3A_328 = arith.constant 2500 : i32
      %lt3A_329 = arith.cmpi slt, %sub3A_327, %lt3A_328 : i32
      %convert_element_type3A_330 = arith.extui %lt3A_329 : i1 to i32
      %cond3A_331 = arith.constant 0 : i32
      %cond3A_332 = arith.cmpi ne, %convert_element_type3A_330, %cond3A_331 : i32
      scf.if %cond3A_332 {
        %sub3A_446 = arith.constant 1 : i32
        %sub3A_447 = arith.subi %sub3A_446, %arg0 : i32
        %dma_wait3A = arith.constant 2 : i32
        %dma_wait3A_448 = arith.constant 0 : i32
        %dma_wait3A_449 = tpu.memref_slice %arg8[%select_n3A_246, %sub3A_447, %dma_wait3A, %dma_wait3A_448] : memref<2x2x8x128xi32, #tpu.memory_space<vmem>> -> memref<1x1x1x128xi32, #tpu.memory_space<vmem>>
        %dma_wait3A_450 = tpu.memref_squeeze %dma_wait3A_449 : memref<1x1x1x128xi32, #tpu.memory_space<vmem>> -> memref<128xi32, #tpu.memory_space<vmem>>
        %dma_wait3A_451 = arith.constant 0 : i32
        %dma_wait3A_452 = arith.constant 0 : i32
        %dma_wait3A_453 = tpu.memref_slice %arg11[%dma_wait3A_451, %dma_wait3A_452] : memref<10000x128xf32, #tpu.memory_space<vmem_shared>> -> memref<10000x128xf32, #tpu.memory_space<vmem_shared>>
        tpu.wait_indirect_dma semaphore(%arg14 : memref<!tpu.dma_semaphore, #tpu.memory_space<semaphore_mem>>) src(%arg9 : memref<128x128xf32, #tpu.memory_space<vmem>>) dst(%dma_wait3A_453 : memref<10000x128xf32, #tpu.memory_space<vmem_shared>>)
      } else {
      }
      %add3A_333 = arith.constant 3 : i32
      %add3A_334 = arith.addi %mul3A_248, %add3A_333 : i32
      %add3A_335 = arith.constant 1 : i32
      %add3A_336 = arith.addi %add3A_334, %add3A_335 : i32
      %lt3A_337 = arith.constant 2500 : i32
      %lt3A_338 = arith.cmpi slt, %add3A_336, %lt3A_337 : i32
      %convert_element_type3A_339 = arith.extui %lt3A_338 : i1 to i32
      %cond3A_340 = arith.constant 0 : i32
      %cond3A_341 = arith.cmpi ne, %convert_element_type3A_339, %cond3A_340 : i32
      scf.if %cond3A_341 {
        %dma_start3A_446 = arith.constant 4 : i32
        %dma_start3A_447 = arith.constant 0 : i32
        %dma_start3A_448 = tpu.memref_slice %arg8[%select_n3A_246, %arg0, %dma_start3A_446, %dma_start3A_447] : memref<2x2x8x128xi32, #tpu.memory_space<vmem>> -> memref<1x1x1x128xi32, #tpu.memory_space<vmem>>
        %dma_start3A_449 = tpu.memref_squeeze %dma_start3A_448 : memref<1x1x1x128xi32, #tpu.memory_space<vmem>> -> memref<128xi32, #tpu.memory_space<vmem>>
        %dma_start3A_450 = arith.constant 0 : i32
        %dma_start3A_451 = arith.constant 0 : i32
        %dma_start3A_452 = tpu.memref_slice %arg2[%dma_start3A_450, %dma_start3A_451] : memref<10000x128xf32, #tpu.memory_space<hbm>> -> memref<10000x128xf32, #tpu.memory_space<hbm>>
        tpu.enqueue_indirect_dma source(%dma_start3A_452 : memref<10000x128xf32, #tpu.memory_space<hbm>>) target(%arg9 : memref<128x128xf32, #tpu.memory_space<vmem>>) offsets(%dma_start3A_449 : memref<128xi32, #tpu.memory_space<vmem>>) semaphore(%arg12 : memref<!tpu.dma_semaphore, #tpu.memory_space<semaphore_mem>>)
      } else {
      }
      %add3A_342 = arith.constant 3 : i32
      %add3A_343 = arith.addi %mul3A_248, %add3A_342 : i32
      %lt3A_344 = arith.constant 2500 : i32
      %lt3A_345 = arith.cmpi slt, %add3A_343, %lt3A_344 : i32
      %convert_element_type3A_346 = arith.extui %lt3A_345 : i1 to i32
      %cond3A_347 = arith.constant 0 : i32
      %cond3A_348 = arith.cmpi ne, %convert_element_type3A_346, %cond3A_347 : i32
      scf.if %cond3A_348 {
        %dma_wait3A = arith.constant 3 : i32
        %dma_wait3A_446 = arith.constant 0 : i32
        %dma_wait3A_447 = tpu.memref_slice %arg8[%select_n3A_246, %arg0, %dma_wait3A, %dma_wait3A_446] : memref<2x2x8x128xi32, #tpu.memory_space<vmem>> -> memref<1x1x1x128xi32, #tpu.memory_space<vmem>>
        %dma_wait3A_448 = tpu.memref_squeeze %dma_wait3A_447 : memref<1x1x1x128xi32, #tpu.memory_space<vmem>> -> memref<128xi32, #tpu.memory_space<vmem>>
        %dma_wait3A_449 = arith.constant 0 : i32
        %dma_wait3A_450 = arith.constant 0 : i32
        %dma_wait3A_451 = tpu.memref_slice %arg2[%dma_wait3A_449, %dma_wait3A_450] : memref<10000x128xf32, #tpu.memory_space<hbm>> -> memref<10000x128xf32, #tpu.memory_space<hbm>>
        tpu.wait_indirect_dma semaphore(%arg13 : memref<!tpu.dma_semaphore, #tpu.memory_space<semaphore_mem>>) src(%dma_wait3A_451 : memref<10000x128xf32, #tpu.memory_space<hbm>>) dst(%arg10 : memref<128x128xf32, #tpu.memory_space<vmem>>)
        %sub3A_452 = arith.constant 1 : i32
        %sub3A_453 = arith.subi %sub3A_452, %arg0 : i32
        %dma_start3A_454 = arith.constant 3 : i32
        %dma_start3A_455 = arith.constant 0 : i32
        %dma_start3A_456 = tpu.memref_slice %arg8[%select_n3A_246, %sub3A_453, %dma_start3A_454, %dma_start3A_455] : memref<2x2x8x128xi32, #tpu.memory_space<vmem>> -> memref<1x1x1x128xi32, #tpu.memory_space<vmem>>
        %dma_start3A_457 = tpu.memref_squeeze %dma_start3A_456 : memref<1x1x1x128xi32, #tpu.memory_space<vmem>> -> memref<128xi32, #tpu.memory_space<vmem>>
        %dma_start3A_458 = arith.constant 0 : i32
        %dma_start3A_459 = arith.constant 0 : i32
        %dma_start3A_460 = tpu.memref_slice %arg11[%dma_start3A_458, %dma_start3A_459] : memref<10000x128xf32, #tpu.memory_space<vmem_shared>> -> memref<10000x128xf32, #tpu.memory_space<vmem_shared>>
        tpu.enqueue_indirect_dma source(%arg10 : memref<128x128xf32, #tpu.memory_space<vmem>>) target(%dma_start3A_460 : memref<10000x128xf32, #tpu.memory_space<vmem_shared>>) offsets(%dma_start3A_457 : memref<128xi32, #tpu.memory_space<vmem>>) semaphore(%arg15 : memref<!tpu.dma_semaphore, #tpu.memory_space<semaphore_mem>>) {add = true}
        %sub3A_461 = arith.constant 1 : i32
        %sub3A_462 = arith.subi %sub3A_461, %arg0 : i32
        %dma_start3A_463 = arith.constant 3 : i32
        %dma_start3A_464 = arith.constant 0 : i32
        %dma_start3A_465 = tpu.memref_slice %arg8[%select_n3A_246, %sub3A_462, %dma_start3A_463, %dma_start3A_464] : memref<2x2x8x128xi32, #tpu.memory_space<vmem>> -> memref<1x1x1x128xi32, #tpu.memory_space<vmem>>
        %dma_start3A_466 = tpu.memref_squeeze %dma_start3A_465 : memref<1x1x1x128xi32, #tpu.memory_space<vmem>> -> memref<128xi32, #tpu.memory_space<vmem>>
        %dma_start3A_467 = arith.constant 0 : i32
        %dma_start3A_468 = tpu.memref_slice %arg18[%dma_start3A_467] : memref<10240xf32, #tpu.memory_space<vmem_shared>> -> memref<10240xf32, #tpu.memory_space<vmem_shared>>
        tpu.enqueue_indirect_dma source(%arg17 : memref<128xf32, #tpu.memory_space<vmem>>) target(%dma_start3A_468 : memref<10240xf32, #tpu.memory_space<vmem_shared>>) offsets(%dma_start3A_466 : memref<128xi32, #tpu.memory_space<vmem>>) semaphore(%arg19 : memref<!tpu.dma_semaphore, #tpu.memory_space<semaphore_mem>>) {add = true}
      } else {
      }
      %add3A_349 = arith.constant 4 : i32
      %add3A_350 = arith.addi %mul3A_248, %add3A_349 : i32
      %sub3A_351 = arith.constant 1 : i32
      %sub3A_352 = arith.subi %add3A_350, %sub3A_351 : i32
      %lt3A_353 = arith.constant 2500 : i32
      %lt3A_354 = arith.cmpi slt, %sub3A_352, %lt3A_353 : i32
      %convert_element_type3A_355 = arith.extui %lt3A_354 : i1 to i32
      %cond3A_356 = arith.constant 0 : i32
      %cond3A_357 = arith.cmpi ne, %convert_element_type3A_355, %cond3A_356 : i32
      scf.if %cond3A_357 {
        %sub3A_446 = arith.constant 1 : i32
        %sub3A_447 = arith.subi %sub3A_446, %arg0 : i32
        %dma_wait3A = arith.constant 3 : i32
        %dma_wait3A_448 = arith.constant 0 : i32
        %dma_wait3A_449 = tpu.memref_slice %arg8[%select_n3A_246, %sub3A_447, %dma_wait3A, %dma_wait3A_448] : memref<2x2x8x128xi32, #tpu.memory_space<vmem>> -> memref<1x1x1x128xi32, #tpu.memory_space<vmem>>
        %dma_wait3A_450 = tpu.memref_squeeze %dma_wait3A_449 : memref<1x1x1x128xi32, #tpu.memory_space<vmem>> -> memref<128xi32, #tpu.memory_space<vmem>>
        %dma_wait3A_451 = arith.constant 0 : i32
        %dma_wait3A_452 = arith.constant 0 : i32
        %dma_wait3A_453 = tpu.memref_slice %arg11[%dma_wait3A_451, %dma_wait3A_452] : memref<10000x128xf32, #tpu.memory_space<vmem_shared>> -> memref<10000x128xf32, #tpu.memory_space<vmem_shared>>
        tpu.wait_indirect_dma semaphore(%arg15 : memref<!tpu.dma_semaphore, #tpu.memory_space<semaphore_mem>>) src(%arg10 : memref<128x128xf32, #tpu.memory_space<vmem>>) dst(%dma_wait3A_453 : memref<10000x128xf32, #tpu.memory_space<vmem_shared>>)
      } else {
      }
      %add3A_358 = arith.constant 4 : i32
      %add3A_359 = arith.addi %mul3A_248, %add3A_358 : i32
      %add3A_360 = arith.constant 1 : i32
      %add3A_361 = arith.addi %add3A_359, %add3A_360 : i32
      %lt3A_362 = arith.constant 2500 : i32
      %lt3A_363 = arith.cmpi slt, %add3A_361, %lt3A_362 : i32
      %convert_element_type3A_364 = arith.extui %lt3A_363 : i1 to i32
      %cond3A_365 = arith.constant 0 : i32
      %cond3A_366 = arith.cmpi ne, %convert_element_type3A_364, %cond3A_365 : i32
      scf.if %cond3A_366 {
        %dma_start3A_446 = arith.constant 5 : i32
        %dma_start3A_447 = arith.constant 0 : i32
        %dma_start3A_448 = tpu.memref_slice %arg8[%select_n3A_246, %arg0, %dma_start3A_446, %dma_start3A_447] : memref<2x2x8x128xi32, #tpu.memory_space<vmem>> -> memref<1x1x1x128xi32, #tpu.memory_space<vmem>>
        %dma_start3A_449 = tpu.memref_squeeze %dma_start3A_448 : memref<1x1x1x128xi32, #tpu.memory_space<vmem>> -> memref<128xi32, #tpu.memory_space<vmem>>
        %dma_start3A_450 = arith.constant 0 : i32
        %dma_start3A_451 = arith.constant 0 : i32
        %dma_start3A_452 = tpu.memref_slice %arg2[%dma_start3A_450, %dma_start3A_451] : memref<10000x128xf32, #tpu.memory_space<hbm>> -> memref<10000x128xf32, #tpu.memory_space<hbm>>
        tpu.enqueue_indirect_dma source(%dma_start3A_452 : memref<10000x128xf32, #tpu.memory_space<hbm>>) target(%arg10 : memref<128x128xf32, #tpu.memory_space<vmem>>) offsets(%dma_start3A_449 : memref<128xi32, #tpu.memory_space<vmem>>) semaphore(%arg13 : memref<!tpu.dma_semaphore, #tpu.memory_space<semaphore_mem>>)
      } else {
      }
      %add3A_367 = arith.constant 4 : i32
      %add3A_368 = arith.addi %mul3A_248, %add3A_367 : i32
      %lt3A_369 = arith.constant 2500 : i32
      %lt3A_370 = arith.cmpi slt, %add3A_368, %lt3A_369 : i32
      %convert_element_type3A_371 = arith.extui %lt3A_370 : i1 to i32
      %cond3A_372 = arith.constant 0 : i32
      %cond3A_373 = arith.cmpi ne, %convert_element_type3A_371, %cond3A_372 : i32
      scf.if %cond3A_373 {
        %dma_wait3A = arith.constant 4 : i32
        %dma_wait3A_446 = arith.constant 0 : i32
        %dma_wait3A_447 = tpu.memref_slice %arg8[%select_n3A_246, %arg0, %dma_wait3A, %dma_wait3A_446] : memref<2x2x8x128xi32, #tpu.memory_space<vmem>> -> memref<1x1x1x128xi32, #tpu.memory_space<vmem>>
        %dma_wait3A_448 = tpu.memref_squeeze %dma_wait3A_447 : memref<1x1x1x128xi32, #tpu.memory_space<vmem>> -> memref<128xi32, #tpu.memory_space<vmem>>
        %dma_wait3A_449 = arith.constant 0 : i32
        %dma_wait3A_450 = arith.constant 0 : i32
        %dma_wait3A_451 = tpu.memref_slice %arg2[%dma_wait3A_449, %dma_wait3A_450] : memref<10000x128xf32, #tpu.memory_space<hbm>> -> memref<10000x128xf32, #tpu.memory_space<hbm>>
        tpu.wait_indirect_dma semaphore(%arg12 : memref<!tpu.dma_semaphore, #tpu.memory_space<semaphore_mem>>) src(%dma_wait3A_451 : memref<10000x128xf32, #tpu.memory_space<hbm>>) dst(%arg9 : memref<128x128xf32, #tpu.memory_space<vmem>>)
        %sub3A_452 = arith.constant 1 : i32
        %sub3A_453 = arith.subi %sub3A_452, %arg0 : i32
        %dma_start3A_454 = arith.constant 4 : i32
        %dma_start3A_455 = arith.constant 0 : i32
        %dma_start3A_456 = tpu.memref_slice %arg8[%select_n3A_246, %sub3A_453, %dma_start3A_454, %dma_start3A_455] : memref<2x2x8x128xi32, #tpu.memory_space<vmem>> -> memref<1x1x1x128xi32, #tpu.memory_space<vmem>>
        %dma_start3A_457 = tpu.memref_squeeze %dma_start3A_456 : memref<1x1x1x128xi32, #tpu.memory_space<vmem>> -> memref<128xi32, #tpu.memory_space<vmem>>
        %dma_start3A_458 = arith.constant 0 : i32
        %dma_start3A_459 = arith.constant 0 : i32
        %dma_start3A_460 = tpu.memref_slice %arg11[%dma_start3A_458, %dma_start3A_459] : memref<10000x128xf32, #tpu.memory_space<vmem_shared>> -> memref<10000x128xf32, #tpu.memory_space<vmem_shared>>
        tpu.enqueue_indirect_dma source(%arg9 : memref<128x128xf32, #tpu.memory_space<vmem>>) target(%dma_start3A_460 : memref<10000x128xf32, #tpu.memory_space<vmem_shared>>) offsets(%dma_start3A_457 : memref<128xi32, #tpu.memory_space<vmem>>) semaphore(%arg14 : memref<!tpu.dma_semaphore, #tpu.memory_space<semaphore_mem>>) {add = true}
        %sub3A_461 = arith.constant 1 : i32
        %sub3A_462 = arith.subi %sub3A_461, %arg0 : i32
        %dma_start3A_463 = arith.constant 4 : i32
        %dma_start3A_464 = arith.constant 0 : i32
        %dma_start3A_465 = tpu.memref_slice %arg8[%select_n3A_246, %sub3A_462, %dma_start3A_463, %dma_start3A_464] : memref<2x2x8x128xi32, #tpu.memory_space<vmem>> -> memref<1x1x1x128xi32, #tpu.memory_space<vmem>>
        %dma_start3A_466 = tpu.memref_squeeze %dma_start3A_465 : memref<1x1x1x128xi32, #tpu.memory_space<vmem>> -> memref<128xi32, #tpu.memory_space<vmem>>
        %dma_start3A_467 = arith.constant 0 : i32
        %dma_start3A_468 = tpu.memref_slice %arg18[%dma_start3A_467] : memref<10240xf32, #tpu.memory_space<vmem_shared>> -> memref<10240xf32, #tpu.memory_space<vmem_shared>>
        tpu.enqueue_indirect_dma source(%arg17 : memref<128xf32, #tpu.memory_space<vmem>>) target(%dma_start3A_468 : memref<10240xf32, #tpu.memory_space<vmem_shared>>) offsets(%dma_start3A_466 : memref<128xi32, #tpu.memory_space<vmem>>) semaphore(%arg19 : memref<!tpu.dma_semaphore, #tpu.memory_space<semaphore_mem>>) {add = true}
      } else {
      }
      %add3A_374 = arith.constant 5 : i32
      %add3A_375 = arith.addi %mul3A_248, %add3A_374 : i32
      %sub3A_376 = arith.constant 1 : i32
      %sub3A_377 = arith.subi %add3A_375, %sub3A_376 : i32
      %lt3A_378 = arith.constant 2500 : i32
      %lt3A_379 = arith.cmpi slt, %sub3A_377, %lt3A_378 : i32
      %convert_element_type3A_380 = arith.extui %lt3A_379 : i1 to i32
      %cond3A_381 = arith.constant 0 : i32
      %cond3A_382 = arith.cmpi ne, %convert_element_type3A_380, %cond3A_381 : i32
      scf.if %cond3A_382 {
        %sub3A_446 = arith.constant 1 : i32
        %sub3A_447 = arith.subi %sub3A_446, %arg0 : i32
        %dma_wait3A = arith.constant 4 : i32
        %dma_wait3A_448 = arith.constant 0 : i32
        %dma_wait3A_449 = tpu.memref_slice %arg8[%select_n3A_246, %sub3A_447, %dma_wait3A, %dma_wait3A_448] : memref<2x2x8x128xi32, #tpu.memory_space<vmem>> -> memref<1x1x1x128xi32, #tpu.memory_space<vmem>>
        %dma_wait3A_450 = tpu.memref_squeeze %dma_wait3A_449 : memref<1x1x1x128xi32, #tpu.memory_space<vmem>> -> memref<128xi32, #tpu.memory_space<vmem>>
        %dma_wait3A_451 = arith.constant 0 : i32
        %dma_wait3A_452 = arith.constant 0 : i32
        %dma_wait3A_453 = tpu.memref_slice %arg11[%dma_wait3A_451, %dma_wait3A_452] : memref<10000x128xf32, #tpu.memory_space<vmem_shared>> -> memref<10000x128xf32, #tpu.memory_space<vmem_shared>>
        tpu.wait_indirect_dma semaphore(%arg14 : memref<!tpu.dma_semaphore, #tpu.memory_space<semaphore_mem>>) src(%arg9 : memref<128x128xf32, #tpu.memory_space<vmem>>) dst(%dma_wait3A_453 : memref<10000x128xf32, #tpu.memory_space<vmem_shared>>)
      } else {
      }
      %add3A_383 = arith.constant 5 : i32
      %add3A_384 = arith.addi %mul3A_248, %add3A_383 : i32
      %add3A_385 = arith.constant 1 : i32
      %add3A_386 = arith.addi %add3A_384, %add3A_385 : i32
      %lt3A_387 = arith.constant 2500 : i32
      %lt3A_388 = arith.cmpi slt, %add3A_386, %lt3A_387 : i32
      %convert_element_type3A_389 = arith.extui %lt3A_388 : i1 to i32
      %cond3A_390 = arith.constant 0 : i32
      %cond3A_391 = arith.cmpi ne, %convert_element_type3A_389, %cond3A_390 : i32
      scf.if %cond3A_391 {
        %dma_start3A_446 = arith.constant 6 : i32
        %dma_start3A_447 = arith.constant 0 : i32
        %dma_start3A_448 = tpu.memref_slice %arg8[%select_n3A_246, %arg0, %dma_start3A_446, %dma_start3A_447] : memref<2x2x8x128xi32, #tpu.memory_space<vmem>> -> memref<1x1x1x128xi32, #tpu.memory_space<vmem>>
        %dma_start3A_449 = tpu.memref_squeeze %dma_start3A_448 : memref<1x1x1x128xi32, #tpu.memory_space<vmem>> -> memref<128xi32, #tpu.memory_space<vmem>>
        %dma_start3A_450 = arith.constant 0 : i32
        %dma_start3A_451 = arith.constant 0 : i32
        %dma_start3A_452 = tpu.memref_slice %arg2[%dma_start3A_450, %dma_start3A_451] : memref<10000x128xf32, #tpu.memory_space<hbm>> -> memref<10000x128xf32, #tpu.memory_space<hbm>>
        tpu.enqueue_indirect_dma source(%dma_start3A_452 : memref<10000x128xf32, #tpu.memory_space<hbm>>) target(%arg9 : memref<128x128xf32, #tpu.memory_space<vmem>>) offsets(%dma_start3A_449 : memref<128xi32, #tpu.memory_space<vmem>>) semaphore(%arg12 : memref<!tpu.dma_semaphore, #tpu.memory_space<semaphore_mem>>)
      } else {
      }
      %add3A_392 = arith.constant 5 : i32
      %add3A_393 = arith.addi %mul3A_248, %add3A_392 : i32
      %lt3A_394 = arith.constant 2500 : i32
      %lt3A_395 = arith.cmpi slt, %add3A_393, %lt3A_394 : i32
      %convert_element_type3A_396 = arith.extui %lt3A_395 : i1 to i32
      %cond3A_397 = arith.constant 0 : i32
      %cond3A_398 = arith.cmpi ne, %convert_element_type3A_396, %cond3A_397 : i32
      scf.if %cond3A_398 {
        %dma_wait3A = arith.constant 5 : i32
        %dma_wait3A_446 = arith.constant 0 : i32
        %dma_wait3A_447 = tpu.memref_slice %arg8[%select_n3A_246, %arg0, %dma_wait3A, %dma_wait3A_446] : memref<2x2x8x128xi32, #tpu.memory_space<vmem>> -> memref<1x1x1x128xi32, #tpu.memory_space<vmem>>
        %dma_wait3A_448 = tpu.memref_squeeze %dma_wait3A_447 : memref<1x1x1x128xi32, #tpu.memory_space<vmem>> -> memref<128xi32, #tpu.memory_space<vmem>>
        %dma_wait3A_449 = arith.constant 0 : i32
        %dma_wait3A_450 = arith.constant 0 : i32
        %dma_wait3A_451 = tpu.memref_slice %arg2[%dma_wait3A_449, %dma_wait3A_450] : memref<10000x128xf32, #tpu.memory_space<hbm>> -> memref<10000x128xf32, #tpu.memory_space<hbm>>
        tpu.wait_indirect_dma semaphore(%arg13 : memref<!tpu.dma_semaphore, #tpu.memory_space<semaphore_mem>>) src(%dma_wait3A_451 : memref<10000x128xf32, #tpu.memory_space<hbm>>) dst(%arg10 : memref<128x128xf32, #tpu.memory_space<vmem>>)
        %sub3A_452 = arith.constant 1 : i32
        %sub3A_453 = arith.subi %sub3A_452, %arg0 : i32
        %dma_start3A_454 = arith.constant 5 : i32
        %dma_start3A_455 = arith.constant 0 : i32
        %dma_start3A_456 = tpu.memref_slice %arg8[%select_n3A_246, %sub3A_453, %dma_start3A_454, %dma_start3A_455] : memref<2x2x8x128xi32, #tpu.memory_space<vmem>> -> memref<1x1x1x128xi32, #tpu.memory_space<vmem>>
        %dma_start3A_457 = tpu.memref_squeeze %dma_start3A_456 : memref<1x1x1x128xi32, #tpu.memory_space<vmem>> -> memref<128xi32, #tpu.memory_space<vmem>>
        %dma_start3A_458 = arith.constant 0 : i32
        %dma_start3A_459 = arith.constant 0 : i32
        %dma_start3A_460 = tpu.memref_slice %arg11[%dma_start3A_458, %dma_start3A_459] : memref<10000x128xf32, #tpu.memory_space<vmem_shared>> -> memref<10000x128xf32, #tpu.memory_space<vmem_shared>>
        tpu.enqueue_indirect_dma source(%arg10 : memref<128x128xf32, #tpu.memory_space<vmem>>) target(%dma_start3A_460 : memref<10000x128xf32, #tpu.memory_space<vmem_shared>>) offsets(%dma_start3A_457 : memref<128xi32, #tpu.memory_space<vmem>>) semaphore(%arg15 : memref<!tpu.dma_semaphore, #tpu.memory_space<semaphore_mem>>) {add = true}
        %sub3A_461 = arith.constant 1 : i32
        %sub3A_462 = arith.subi %sub3A_461, %arg0 : i32
        %dma_start3A_463 = arith.constant 5 : i32
        %dma_start3A_464 = arith.constant 0 : i32
        %dma_start3A_465 = tpu.memref_slice %arg8[%select_n3A_246, %sub3A_462, %dma_start3A_463, %dma_start3A_464] : memref<2x2x8x128xi32, #tpu.memory_space<vmem>> -> memref<1x1x1x128xi32, #tpu.memory_space<vmem>>
        %dma_start3A_466 = tpu.memref_squeeze %dma_start3A_465 : memref<1x1x1x128xi32, #tpu.memory_space<vmem>> -> memref<128xi32, #tpu.memory_space<vmem>>
        %dma_start3A_467 = arith.constant 0 : i32
        %dma_start3A_468 = tpu.memref_slice %arg18[%dma_start3A_467] : memref<10240xf32, #tpu.memory_space<vmem_shared>> -> memref<10240xf32, #tpu.memory_space<vmem_shared>>
        tpu.enqueue_indirect_dma source(%arg17 : memref<128xf32, #tpu.memory_space<vmem>>) target(%dma_start3A_468 : memref<10240xf32, #tpu.memory_space<vmem_shared>>) offsets(%dma_start3A_466 : memref<128xi32, #tpu.memory_space<vmem>>) semaphore(%arg19 : memref<!tpu.dma_semaphore, #tpu.memory_space<semaphore_mem>>) {add = true}
      } else {
      }
      %add3A_399 = arith.constant 6 : i32
      %add3A_400 = arith.addi %mul3A_248, %add3A_399 : i32
      %sub3A_401 = arith.constant 1 : i32
      %sub3A_402 = arith.subi %add3A_400, %sub3A_401 : i32
      %lt3A_403 = arith.constant 2500 : i32
      %lt3A_404 = arith.cmpi slt, %sub3A_402, %lt3A_403 : i32
      %convert_element_type3A_405 = arith.extui %lt3A_404 : i1 to i32
      %cond3A_406 = arith.constant 0 : i32
      %cond3A_407 = arith.cmpi ne, %convert_element_type3A_405, %cond3A_406 : i32
      scf.if %cond3A_407 {
        %sub3A_446 = arith.constant 1 : i32
        %sub3A_447 = arith.subi %sub3A_446, %arg0 : i32
        %dma_wait3A = arith.constant 5 : i32
        %dma_wait3A_448 = arith.constant 0 : i32
        %dma_wait3A_449 = tpu.memref_slice %arg8[%select_n3A_246, %sub3A_447, %dma_wait3A, %dma_wait3A_448] : memref<2x2x8x128xi32, #tpu.memory_space<vmem>> -> memref<1x1x1x128xi32, #tpu.memory_space<vmem>>
        %dma_wait3A_450 = tpu.memref_squeeze %dma_wait3A_449 : memref<1x1x1x128xi32, #tpu.memory_space<vmem>> -> memref<128xi32, #tpu.memory_space<vmem>>
        %dma_wait3A_451 = arith.constant 0 : i32
        %dma_wait3A_452 = arith.constant 0 : i32
        %dma_wait3A_453 = tpu.memref_slice %arg11[%dma_wait3A_451, %dma_wait3A_452] : memref<10000x128xf32, #tpu.memory_space<vmem_shared>> -> memref<10000x128xf32, #tpu.memory_space<vmem_shared>>
        tpu.wait_indirect_dma semaphore(%arg15 : memref<!tpu.dma_semaphore, #tpu.memory_space<semaphore_mem>>) src(%arg10 : memref<128x128xf32, #tpu.memory_space<vmem>>) dst(%dma_wait3A_453 : memref<10000x128xf32, #tpu.memory_space<vmem_shared>>)
      } else {
      }
      %add3A_408 = arith.constant 6 : i32
      %add3A_409 = arith.addi %mul3A_248, %add3A_408 : i32
      %add3A_410 = arith.constant 1 : i32
      %add3A_411 = arith.addi %add3A_409, %add3A_410 : i32
      %lt3A_412 = arith.constant 2500 : i32
      %lt3A_413 = arith.cmpi slt, %add3A_411, %lt3A_412 : i32
      %convert_element_type3A_414 = arith.extui %lt3A_413 : i1 to i32
      %cond3A_415 = arith.constant 0 : i32
      %cond3A_416 = arith.cmpi ne, %convert_element_type3A_414, %cond3A_415 : i32
      scf.if %cond3A_416 {
        %dma_start3A_446 = arith.constant 7 : i32
        %dma_start3A_447 = arith.constant 0 : i32
        %dma_start3A_448 = tpu.memref_slice %arg8[%select_n3A_246, %arg0, %dma_start3A_446, %dma_start3A_447] : memref<2x2x8x128xi32, #tpu.memory_space<vmem>> -> memref<1x1x1x128xi32, #tpu.memory_space<vmem>>
        %dma_start3A_449 = tpu.memref_squeeze %dma_start3A_448 : memref<1x1x1x128xi32, #tpu.memory_space<vmem>> -> memref<128xi32, #tpu.memory_space<vmem>>
        %dma_start3A_450 = arith.constant 0 : i32
        %dma_start3A_451 = arith.constant 0 : i32
        %dma_start3A_452 = tpu.memref_slice %arg2[%dma_start3A_450, %dma_start3A_451] : memref<10000x128xf32, #tpu.memory_space<hbm>> -> memref<10000x128xf32, #tpu.memory_space<hbm>>
        tpu.enqueue_indirect_dma source(%dma_start3A_452 : memref<10000x128xf32, #tpu.memory_space<hbm>>) target(%arg10 : memref<128x128xf32, #tpu.memory_space<vmem>>) offsets(%dma_start3A_449 : memref<128xi32, #tpu.memory_space<vmem>>) semaphore(%arg13 : memref<!tpu.dma_semaphore, #tpu.memory_space<semaphore_mem>>)
      } else {
      }
      %add3A_417 = arith.constant 6 : i32
      %add3A_418 = arith.addi %mul3A_248, %add3A_417 : i32
      %lt3A_419 = arith.constant 2500 : i32
      %lt3A_420 = arith.cmpi slt, %add3A_418, %lt3A_419 : i32
      %convert_element_type3A_421 = arith.extui %lt3A_420 : i1 to i32
      %cond3A_422 = arith.constant 0 : i32
      %cond3A_423 = arith.cmpi ne, %convert_element_type3A_421, %cond3A_422 : i32
      scf.if %cond3A_423 {
        %dma_wait3A = arith.constant 6 : i32
        %dma_wait3A_446 = arith.constant 0 : i32
        %dma_wait3A_447 = tpu.memref_slice %arg8[%select_n3A_246, %arg0, %dma_wait3A, %dma_wait3A_446] : memref<2x2x8x128xi32, #tpu.memory_space<vmem>> -> memref<1x1x1x128xi32, #tpu.memory_space<vmem>>
        %dma_wait3A_448 = tpu.memref_squeeze %dma_wait3A_447 : memref<1x1x1x128xi32, #tpu.memory_space<vmem>> -> memref<128xi32, #tpu.memory_space<vmem>>
        %dma_wait3A_449 = arith.constant 0 : i32
        %dma_wait3A_450 = arith.constant 0 : i32
        %dma_wait3A_451 = tpu.memref_slice %arg2[%dma_wait3A_449, %dma_wait3A_450] : memref<10000x128xf32, #tpu.memory_space<hbm>> -> memref<10000x128xf32, #tpu.memory_space<hbm>>
        tpu.wait_indirect_dma semaphore(%arg12 : memref<!tpu.dma_semaphore, #tpu.memory_space<semaphore_mem>>) src(%dma_wait3A_451 : memref<10000x128xf32, #tpu.memory_space<hbm>>) dst(%arg9 : memref<128x128xf32, #tpu.memory_space<vmem>>)
        %sub3A_452 = arith.constant 1 : i32
        %sub3A_453 = arith.subi %sub3A_452, %arg0 : i32
        %dma_start3A_454 = arith.constant 6 : i32
        %dma_start3A_455 = arith.constant 0 : i32
        %dma_start3A_456 = tpu.memref_slice %arg8[%select_n3A_246, %sub3A_453, %dma_start3A_454, %dma_start3A_455] : memref<2x2x8x128xi32, #tpu.memory_space<vmem>> -> memref<1x1x1x128xi32, #tpu.memory_space<vmem>>
        %dma_start3A_457 = tpu.memref_squeeze %dma_start3A_456 : memref<1x1x1x128xi32, #tpu.memory_space<vmem>> -> memref<128xi32, #tpu.memory_space<vmem>>
        %dma_start3A_458 = arith.constant 0 : i32
        %dma_start3A_459 = arith.constant 0 : i32
        %dma_start3A_460 = tpu.memref_slice %arg11[%dma_start3A_458, %dma_start3A_459] : memref<10000x128xf32, #tpu.memory_space<vmem_shared>> -> memref<10000x128xf32, #tpu.memory_space<vmem_shared>>
        tpu.enqueue_indirect_dma source(%arg9 : memref<128x128xf32, #tpu.memory_space<vmem>>) target(%dma_start3A_460 : memref<10000x128xf32, #tpu.memory_space<vmem_shared>>) offsets(%dma_start3A_457 : memref<128xi32, #tpu.memory_space<vmem>>) semaphore(%arg14 : memref<!tpu.dma_semaphore, #tpu.memory_space<semaphore_mem>>) {add = true}
        %sub3A_461 = arith.constant 1 : i32
        %sub3A_462 = arith.subi %sub3A_461, %arg0 : i32
        %dma_start3A_463 = arith.constant 6 : i32
        %dma_start3A_464 = arith.constant 0 : i32
        %dma_start3A_465 = tpu.memref_slice %arg8[%select_n3A_246, %sub3A_462, %dma_start3A_463, %dma_start3A_464] : memref<2x2x8x128xi32, #tpu.memory_space<vmem>> -> memref<1x1x1x128xi32, #tpu.memory_space<vmem>>
        %dma_start3A_466 = tpu.memref_squeeze %dma_start3A_465 : memref<1x1x1x128xi32, #tpu.memory_space<vmem>> -> memref<128xi32, #tpu.memory_space<vmem>>
        %dma_start3A_467 = arith.constant 0 : i32
        %dma_start3A_468 = tpu.memref_slice %arg18[%dma_start3A_467] : memref<10240xf32, #tpu.memory_space<vmem_shared>> -> memref<10240xf32, #tpu.memory_space<vmem_shared>>
        tpu.enqueue_indirect_dma source(%arg17 : memref<128xf32, #tpu.memory_space<vmem>>) target(%dma_start3A_468 : memref<10240xf32, #tpu.memory_space<vmem_shared>>) offsets(%dma_start3A_466 : memref<128xi32, #tpu.memory_space<vmem>>) semaphore(%arg19 : memref<!tpu.dma_semaphore, #tpu.memory_space<semaphore_mem>>) {add = true}
      } else {
      }
      %add3A_424 = arith.constant 7 : i32
      %add3A_425 = arith.addi %mul3A_248, %add3A_424 : i32
      %sub3A_426 = arith.constant 1 : i32
      %sub3A_427 = arith.subi %add3A_425, %sub3A_426 : i32
      %lt3A_428 = arith.constant 2500 : i32
      %lt3A_429 = arith.cmpi slt, %sub3A_427, %lt3A_428 : i32
      %convert_element_type3A_430 = arith.extui %lt3A_429 : i1 to i32
      %cond3A_431 = arith.constant 0 : i32
      %cond3A_432 = arith.cmpi ne, %convert_element_type3A_430, %cond3A_431 : i32
      scf.if %cond3A_432 {
        %sub3A_446 = arith.constant 1 : i32
        %sub3A_447 = arith.subi %sub3A_446, %arg0 : i32
        %dma_wait3A = arith.constant 6 : i32
        %dma_wait3A_448 = arith.constant 0 : i32
        %dma_wait3A_449 = tpu.memref_slice %arg8[%select_n3A_246, %sub3A_447, %dma_wait3A, %dma_wait3A_448] : memref<2x2x8x128xi32, #tpu.memory_space<vmem>> -> memref<1x1x1x128xi32, #tpu.memory_space<vmem>>
        %dma_wait3A_450 = tpu.memref_squeeze %dma_wait3A_449 : memref<1x1x1x128xi32, #tpu.memory_space<vmem>> -> memref<128xi32, #tpu.memory_space<vmem>>
        %dma_wait3A_451 = arith.constant 0 : i32
        %dma_wait3A_452 = arith.constant 0 : i32
        %dma_wait3A_453 = tpu.memref_slice %arg11[%dma_wait3A_451, %dma_wait3A_452] : memref<10000x128xf32, #tpu.memory_space<vmem_shared>> -> memref<10000x128xf32, #tpu.memory_space<vmem_shared>>
        tpu.wait_indirect_dma semaphore(%arg14 : memref<!tpu.dma_semaphore, #tpu.memory_space<semaphore_mem>>) src(%arg9 : memref<128x128xf32, #tpu.memory_space<vmem>>) dst(%dma_wait3A_453 : memref<10000x128xf32, #tpu.memory_space<vmem_shared>>)
      } else {
      }
      %add3A_433 = arith.constant 1 : i32
      %add3A_434 = arith.addi %while3A_229, %add3A_433 : i32
      %lt3A_435 = arith.cmpi slt, %add3A_434, %select_n3A_43 : i32
      %convert_element_type3A_436 = arith.extui %lt3A_435 : i1 to i32
      %cond3A_437 = arith.constant 0 : i32
      %cond3A_438 = arith.cmpi ne, %convert_element_type3A_436, %cond3A_437 : i32
      scf.if %cond3A_438 {
        %add3A_446 = arith.constant 1 : i32
        %add3A_447 = arith.addi %while3A_229, %add3A_446 : i32
        %mul3A_448 = arith.constant 8 : i32
        %mul3A_449 = arith.muli %add3A_447, %mul3A_448 : i32
        %sub3A_450 = arith.constant 1 : i32
        %sub3A_451 = arith.subi %sub3A_450, %select_n3A_246 : i32
        %dma_wait3A = arith.constant 0 : i32
        %dma_wait3A_452 = arith.constant 0 : i32
        %dma_wait3A_453 = arith.constant 0 : i32
        %dma_wait3A_454 = tpu.memref_slice %arg8[%sub3A_451, %dma_wait3A, %dma_wait3A_452, %dma_wait3A_453] : memref<2x2x8x128xi32, #tpu.memory_space<vmem>> -> memref<1x2x8x128xi32, #tpu.memory_space<vmem>>
        %dma_wait3A_455 = tpu.memref_squeeze %dma_wait3A_454 : memref<1x2x8x128xi32, #tpu.memory_space<vmem>> -> memref<2x8x128xi32, #tpu.memory_space<vmem>>
        %dma_wait3A_456 = arith.constant 0 : i32
        %dma_wait3A_457 = arith.constant 0 : i32
        %dma_wait3A_458 = tpu.memref_slice %arg3[%dma_wait3A_456, %mul3A_449, %dma_wait3A_457] : memref<2x2504x128xi32, #tpu.memory_space<hbm>> -> memref<2x8x128xi32, #tpu.memory_space<hbm>>
        %dma_wait3A_459 = arith.constant 0 : i32
        %dma_wait3A_460 = arith.constant 0 : i32
        %dma_wait3A_461 = arith.constant 0 : i32
        %dma_wait3A_462 = tpu.memref_slice %arg8[%sub3A_451, %dma_wait3A_459, %dma_wait3A_460, %dma_wait3A_461] : memref<2x2x8x128xi32, #tpu.memory_space<vmem>> -> memref<1x2x8x128xi32, #tpu.memory_space<vmem>>
        %dma_wait3A_463 = tpu.memref_squeeze %dma_wait3A_462 : memref<1x2x8x128xi32, #tpu.memory_space<vmem>> -> memref<2x8x128xi32, #tpu.memory_space<vmem>>
        %dma_wait3A_464 = arith.constant 0 : i32
        %dma_wait3A_465 = arith.constant 0 : i32
        %dma_wait3A_466 = tpu.memref_slice %arg3[%dma_wait3A_464, %mul3A_449, %dma_wait3A_465] : memref<2x2504x128xi32, #tpu.memory_space<hbm>> -> memref<2x8x128xi32, #tpu.memory_space<hbm>>
        tpu.wait_dma2 semaphore(%arg16 : memref<!tpu.dma_semaphore, #tpu.memory_space<semaphore_mem>>) src(%dma_wait3A_466 : memref<2x8x128xi32, #tpu.memory_space<hbm>>) dst(%dma_wait3A_463 : memref<2x8x128xi32, #tpu.memory_space<vmem>>)
        %sub3A_467 = arith.constant 1 : i32
        %sub3A_468 = arith.subi %sub3A_467, %select_n3A_246 : i32
        %dma_start3A_469 = arith.constant 0 : i32
        %dma_start3A_470 = arith.constant 0 : i32
        %dma_start3A_471 = tpu.memref_slice %arg8[%sub3A_468, %arg0, %dma_start3A_469, %dma_start3A_470] : memref<2x2x8x128xi32, #tpu.memory_space<vmem>> -> memref<1x1x1x128xi32, #tpu.memory_space<vmem>>
        %dma_start3A_472 = tpu.memref_squeeze %dma_start3A_471 : memref<1x1x1x128xi32, #tpu.memory_space<vmem>> -> memref<128xi32, #tpu.memory_space<vmem>>
        %dma_start3A_473 = arith.constant 0 : i32
        %dma_start3A_474 = arith.constant 0 : i32
        %dma_start3A_475 = tpu.memref_slice %arg2[%dma_start3A_473, %dma_start3A_474] : memref<10000x128xf32, #tpu.memory_space<hbm>> -> memref<10000x128xf32, #tpu.memory_space<hbm>>
        tpu.enqueue_indirect_dma source(%dma_start3A_475 : memref<10000x128xf32, #tpu.memory_space<hbm>>) target(%arg9 : memref<128x128xf32, #tpu.memory_space<vmem>>) offsets(%dma_start3A_472 : memref<128xi32, #tpu.memory_space<vmem>>) semaphore(%arg12 : memref<!tpu.dma_semaphore, #tpu.memory_space<semaphore_mem>>)
      } else {
      }
      %add3A_439 = arith.constant 7 : i32
      %add3A_440 = arith.addi %mul3A_248, %add3A_439 : i32
      %lt3A_441 = arith.constant 2500 : i32
      %lt3A_442 = arith.cmpi slt, %add3A_440, %lt3A_441 : i32
      %convert_element_type3A_443 = arith.extui %lt3A_442 : i1 to i32
      %cond3A_444 = arith.constant 0 : i32
      %cond3A_445 = arith.cmpi ne, %convert_element_type3A_443, %cond3A_444 : i32
      scf.if %cond3A_445 {
        %dma_wait3A = arith.constant 7 : i32
        %dma_wait3A_446 = arith.constant 0 : i32
        %dma_wait3A_447 = tpu.memref_slice %arg8[%select_n3A_246, %arg0, %dma_wait3A, %dma_wait3A_446] : memref<2x2x8x128xi32, #tpu.memory_space<vmem>> -> memref<1x1x1x128xi32, #tpu.memory_space<vmem>>
        %dma_wait3A_448 = tpu.memref_squeeze %dma_wait3A_447 : memref<1x1x1x128xi32, #tpu.memory_space<vmem>> -> memref<128xi32, #tpu.memory_space<vmem>>
        %dma_wait3A_449 = arith.constant 0 : i32
        %dma_wait3A_450 = arith.constant 0 : i32
        %dma_wait3A_451 = tpu.memref_slice %arg2[%dma_wait3A_449, %dma_wait3A_450] : memref<10000x128xf32, #tpu.memory_space<hbm>> -> memref<10000x128xf32, #tpu.memory_space<hbm>>
        tpu.wait_indirect_dma semaphore(%arg13 : memref<!tpu.dma_semaphore, #tpu.memory_space<semaphore_mem>>) src(%dma_wait3A_451 : memref<10000x128xf32, #tpu.memory_space<hbm>>) dst(%arg10 : memref<128x128xf32, #tpu.memory_space<vmem>>)
        %sub3A_452 = arith.constant 1 : i32
        %sub3A_453 = arith.subi %sub3A_452, %arg0 : i32
        %dma_start3A_454 = arith.constant 7 : i32
        %dma_start3A_455 = arith.constant 0 : i32
        %dma_start3A_456 = tpu.memref_slice %arg8[%select_n3A_246, %sub3A_453, %dma_start3A_454, %dma_start3A_455] : memref<2x2x8x128xi32, #tpu.memory_space<vmem>> -> memref<1x1x1x128xi32, #tpu.memory_space<vmem>>
        %dma_start3A_457 = tpu.memref_squeeze %dma_start3A_456 : memref<1x1x1x128xi32, #tpu.memory_space<vmem>> -> memref<128xi32, #tpu.memory_space<vmem>>
        %dma_start3A_458 = arith.constant 0 : i32
        %dma_start3A_459 = arith.constant 0 : i32
        %dma_start3A_460 = tpu.memref_slice %arg11[%dma_start3A_458, %dma_start3A_459] : memref<10000x128xf32, #tpu.memory_space<vmem_shared>> -> memref<10000x128xf32, #tpu.memory_space<vmem_shared>>
        tpu.enqueue_indirect_dma source(%arg10 : memref<128x128xf32, #tpu.memory_space<vmem>>) target(%dma_start3A_460 : memref<10000x128xf32, #tpu.memory_space<vmem_shared>>) offsets(%dma_start3A_457 : memref<128xi32, #tpu.memory_space<vmem>>) semaphore(%arg15 : memref<!tpu.dma_semaphore, #tpu.memory_space<semaphore_mem>>) {add = true}
        %sub3A_461 = arith.constant 1 : i32
        %sub3A_462 = arith.subi %sub3A_461, %arg0 : i32
        %dma_start3A_463 = arith.constant 7 : i32
        %dma_start3A_464 = arith.constant 0 : i32
        %dma_start3A_465 = tpu.memref_slice %arg8[%select_n3A_246, %sub3A_462, %dma_start3A_463, %dma_start3A_464] : memref<2x2x8x128xi32, #tpu.memory_space<vmem>> -> memref<1x1x1x128xi32, #tpu.memory_space<vmem>>
        %dma_start3A_466 = tpu.memref_squeeze %dma_start3A_465 : memref<1x1x1x128xi32, #tpu.memory_space<vmem>> -> memref<128xi32, #tpu.memory_space<vmem>>
        %dma_start3A_467 = arith.constant 0 : i32
        %dma_start3A_468 = tpu.memref_slice %arg18[%dma_start3A_467] : memref<10240xf32, #tpu.memory_space<vmem_shared>> -> memref<10240xf32, #tpu.memory_space<vmem_shared>>
        tpu.enqueue_indirect_dma source(%arg17 : memref<128xf32, #tpu.memory_space<vmem>>) target(%dma_start3A_468 : memref<10240xf32, #tpu.memory_space<vmem_shared>>) offsets(%dma_start3A_466 : memref<128xi32, #tpu.memory_space<vmem>>) semaphore(%arg19 : memref<!tpu.dma_semaphore, #tpu.memory_space<semaphore_mem>>) {add = true}
      } else {
      }
    }
    %while3A_110 = arith.constant 1 : i32
    scf.for %while3A_229 = %while3A_108 to %while3A_104 step %while3A_110  : i32 {
      %sub3A_230 = arith.subi %while3A_229, %select_n3A : i32
      %jit3A_231 = arith.constant 2 : i32
      %eq3A_232 = arith.constant 0 : i32
      %eq3A_233 = arith.cmpi eq, %jit3A_231, %eq3A_232 : i32
      %jit3A_234 = arith.constant 1 : i32
      %select_n3A_235 = arith.select %eq3A_233, %jit3A_234, %jit3A_231 : i32
      %rem3A_236 = arith.remsi %sub3A_230, %select_n3A_235 : i32
      %ne3A_237 = arith.constant 0 : i32
      %ne3A_238 = arith.cmpi ne, %rem3A_236, %ne3A_237 : i32
      %lt3A_239 = arith.constant 0 : i32
      %lt3A_240 = arith.cmpi slt, %rem3A_236, %lt3A_239 : i32
      %lt3A_241 = arith.constant 0 : i32
      %lt3A_242 = arith.cmpi slt, %select_n3A_235, %lt3A_241 : i32
      %ne3A_243 = arith.xori %lt3A_240, %lt3A_242 : i1
      %and3A_244 = arith.andi %ne3A_243, %ne3A_238 : i1
      %add3A_245 = arith.addi %rem3A_236, %select_n3A_235 : i32
      %select_n3A_246 = arith.select %and3A_244, %add3A_245, %rem3A_236 : i32
      %mul3A_247 = arith.constant 8 : i32
      %mul3A_248 = arith.muli %while3A_229, %mul3A_247 : i32
      %gt3A = arith.cmpi sgt, %while3A_229, %select_n3A : i32
      %convert_element_type3A_249 = arith.extui %gt3A : i1 to i32
      %cond3A_250 = arith.constant 0 : i32
      %cond3A_251 = arith.cmpi ne, %convert_element_type3A_249, %cond3A_250 : i32
      scf.if %cond3A_251 {
        %sub3A_446 = arith.constant 1 : i32
        %sub3A_447 = arith.subi %sub3A_446, %select_n3A_246 : i32
        %sub3A_448 = arith.constant 1 : i32
        %sub3A_449 = arith.subi %sub3A_448, %arg0 : i32
        %dma_wait3A = arith.constant 7 : i32
        %dma_wait3A_450 = arith.constant 0 : i32
        %dma_wait3A_451 = tpu.memref_slice %arg8[%sub3A_447, %sub3A_449, %dma_wait3A, %dma_wait3A_450] : memref<2x2x8x128xi32, #tpu.memory_space<vmem>> -> memref<1x1x1x128xi32, #tpu.memory_space<vmem>>
        %dma_wait3A_452 = tpu.memref_squeeze %dma_wait3A_451 : memref<1x1x1x128xi32, #tpu.memory_space<vmem>> -> memref<128xi32, #tpu.memory_space<vmem>>
        %dma_wait3A_453 = arith.constant 0 : i32
        %dma_wait3A_454 = arith.constant 0 : i32
        %dma_wait3A_455 = tpu.memref_slice %arg11[%dma_wait3A_453, %dma_wait3A_454] : memref<10000x128xf32, #tpu.memory_space<vmem_shared>> -> memref<10000x128xf32, #tpu.memory_space<vmem_shared>>
        tpu.wait_indirect_dma semaphore(%arg15 : memref<!tpu.dma_semaphore, #tpu.memory_space<semaphore_mem>>) src(%arg10 : memref<128x128xf32, #tpu.memory_space<vmem>>) dst(%dma_wait3A_455 : memref<10000x128xf32, #tpu.memory_space<vmem_shared>>)
        %sub3A_456 = arith.constant 1 : i32
        %sub3A_457 = arith.subi %sub3A_456, %select_n3A_246 : i32
        %sub3A_458 = arith.constant 1 : i32
        %sub3A_459 = arith.subi %sub3A_458, %arg0 : i32
        %dma_wait3A_460 = arith.constant 0 : i32
        %dma_wait3A_461 = arith.constant 0 : i32
        %dma_wait3A_462 = tpu.memref_slice %arg8[%sub3A_457, %sub3A_459, %dma_wait3A_460, %dma_wait3A_461] : memref<2x2x8x128xi32, #tpu.memory_space<vmem>> -> memref<1x1x1x128xi32, #tpu.memory_space<vmem>>
        %dma_wait3A_463 = tpu.memref_squeeze %dma_wait3A_462 : memref<1x1x1x128xi32, #tpu.memory_space<vmem>> -> memref<128xi32, #tpu.memory_space<vmem>>
        %dma_wait3A_464 = arith.constant 0 : i32
        %dma_wait3A_465 = tpu.memref_slice %arg18[%dma_wait3A_464] : memref<10240xf32, #tpu.memory_space<vmem_shared>> -> memref<10240xf32, #tpu.memory_space<vmem_shared>>
        tpu.wait_indirect_dma semaphore(%arg19 : memref<!tpu.dma_semaphore, #tpu.memory_space<semaphore_mem>>) src(%arg17 : memref<128xf32, #tpu.memory_space<vmem>>) dst(%dma_wait3A_465 : memref<10240xf32, #tpu.memory_space<vmem_shared>>)
        %sub3A_466 = arith.constant 1 : i32
        %sub3A_467 = arith.subi %sub3A_466, %select_n3A_246 : i32
        %sub3A_468 = arith.constant 1 : i32
        %sub3A_469 = arith.subi %sub3A_468, %arg0 : i32
        %dma_wait3A_470 = arith.constant 1 : i32
        %dma_wait3A_471 = arith.constant 0 : i32
        %dma_wait3A_472 = tpu.memref_slice %arg8[%sub3A_467, %sub3A_469, %dma_wait3A_470, %dma_wait3A_471] : memref<2x2x8x128xi32, #tpu.memory_space<vmem>> -> memref<1x1x1x128xi32, #tpu.memory_space<vmem>>
        %dma_wait3A_473 = tpu.memref_squeeze %dma_wait3A_472 : memref<1x1x1x128xi32, #tpu.memory_space<vmem>> -> memref<128xi32, #tpu.memory_space<vmem>>
        %dma_wait3A_474 = arith.constant 0 : i32
        %dma_wait3A_475 = tpu.memref_slice %arg18[%dma_wait3A_474] : memref<10240xf32, #tpu.memory_space<vmem_shared>> -> memref<10240xf32, #tpu.memory_space<vmem_shared>>
        tpu.wait_indirect_dma semaphore(%arg19 : memref<!tpu.dma_semaphore, #tpu.memory_space<semaphore_mem>>) src(%arg17 : memref<128xf32, #tpu.memory_space<vmem>>) dst(%dma_wait3A_475 : memref<10240xf32, #tpu.memory_space<vmem_shared>>)
        %sub3A_476 = arith.constant 1 : i32
        %sub3A_477 = arith.subi %sub3A_476, %select_n3A_246 : i32
        %sub3A_478 = arith.constant 1 : i32
        %sub3A_479 = arith.subi %sub3A_478, %arg0 : i32
        %dma_wait3A_480 = arith.constant 2 : i32
        %dma_wait3A_481 = arith.constant 0 : i32
        %dma_wait3A_482 = tpu.memref_slice %arg8[%sub3A_477, %sub3A_479, %dma_wait3A_480, %dma_wait3A_481] : memref<2x2x8x128xi32, #tpu.memory_space<vmem>> -> memref<1x1x1x128xi32, #tpu.memory_space<vmem>>
        %dma_wait3A_483 = tpu.memref_squeeze %dma_wait3A_482 : memref<1x1x1x128xi32, #tpu.memory_space<vmem>> -> memref<128xi32, #tpu.memory_space<vmem>>
        %dma_wait3A_484 = arith.constant 0 : i32
        %dma_wait3A_485 = tpu.memref_slice %arg18[%dma_wait3A_484] : memref<10240xf32, #tpu.memory_space<vmem_shared>> -> memref<10240xf32, #tpu.memory_space<vmem_shared>>
        tpu.wait_indirect_dma semaphore(%arg19 : memref<!tpu.dma_semaphore, #tpu.memory_space<semaphore_mem>>) src(%arg17 : memref<128xf32, #tpu.memory_space<vmem>>) dst(%dma_wait3A_485 : memref<10240xf32, #tpu.memory_space<vmem_shared>>)
        %sub3A_486 = arith.constant 1 : i32
        %sub3A_487 = arith.subi %sub3A_486, %select_n3A_246 : i32
        %sub3A_488 = arith.constant 1 : i32
        %sub3A_489 = arith.subi %sub3A_488, %arg0 : i32
        %dma_wait3A_490 = arith.constant 3 : i32
        %dma_wait3A_491 = arith.constant 0 : i32
        %dma_wait3A_492 = tpu.memref_slice %arg8[%sub3A_487, %sub3A_489, %dma_wait3A_490, %dma_wait3A_491] : memref<2x2x8x128xi32, #tpu.memory_space<vmem>> -> memref<1x1x1x128xi32, #tpu.memory_space<vmem>>
        %dma_wait3A_493 = tpu.memref_squeeze %dma_wait3A_492 : memref<1x1x1x128xi32, #tpu.memory_space<vmem>> -> memref<128xi32, #tpu.memory_space<vmem>>
        %dma_wait3A_494 = arith.constant 0 : i32
        %dma_wait3A_495 = tpu.memref_slice %arg18[%dma_wait3A_494] : memref<10240xf32, #tpu.memory_space<vmem_shared>> -> memref<10240xf32, #tpu.memory_space<vmem_shared>>
        tpu.wait_indirect_dma semaphore(%arg19 : memref<!tpu.dma_semaphore, #tpu.memory_space<semaphore_mem>>) src(%arg17 : memref<128xf32, #tpu.memory_space<vmem>>) dst(%dma_wait3A_495 : memref<10240xf32, #tpu.memory_space<vmem_shared>>)
        %sub3A_496 = arith.constant 1 : i32
        %sub3A_497 = arith.subi %sub3A_496, %select_n3A_246 : i32
        %sub3A_498 = arith.constant 1 : i32
        %sub3A_499 = arith.subi %sub3A_498, %arg0 : i32
        %dma_wait3A_500 = arith.constant 4 : i32
        %dma_wait3A_501 = arith.constant 0 : i32
        %dma_wait3A_502 = tpu.memref_slice %arg8[%sub3A_497, %sub3A_499, %dma_wait3A_500, %dma_wait3A_501] : memref<2x2x8x128xi32, #tpu.memory_space<vmem>> -> memref<1x1x1x128xi32, #tpu.memory_space<vmem>>
        %dma_wait3A_503 = tpu.memref_squeeze %dma_wait3A_502 : memref<1x1x1x128xi32, #tpu.memory_space<vmem>> -> memref<128xi32, #tpu.memory_space<vmem>>
        %dma_wait3A_504 = arith.constant 0 : i32
        %dma_wait3A_505 = tpu.memref_slice %arg18[%dma_wait3A_504] : memref<10240xf32, #tpu.memory_space<vmem_shared>> -> memref<10240xf32, #tpu.memory_space<vmem_shared>>
        tpu.wait_indirect_dma semaphore(%arg19 : memref<!tpu.dma_semaphore, #tpu.memory_space<semaphore_mem>>) src(%arg17 : memref<128xf32, #tpu.memory_space<vmem>>) dst(%dma_wait3A_505 : memref<10240xf32, #tpu.memory_space<vmem_shared>>)
        %sub3A_506 = arith.constant 1 : i32
        %sub3A_507 = arith.subi %sub3A_506, %select_n3A_246 : i32
        %sub3A_508 = arith.constant 1 : i32
        %sub3A_509 = arith.subi %sub3A_508, %arg0 : i32
        %dma_wait3A_510 = arith.constant 5 : i32
        %dma_wait3A_511 = arith.constant 0 : i32
        %dma_wait3A_512 = tpu.memref_slice %arg8[%sub3A_507, %sub3A_509, %dma_wait3A_510, %dma_wait3A_511] : memref<2x2x8x128xi32, #tpu.memory_space<vmem>> -> memref<1x1x1x128xi32, #tpu.memory_space<vmem>>
        %dma_wait3A_513 = tpu.memref_squeeze %dma_wait3A_512 : memref<1x1x1x128xi32, #tpu.memory_space<vmem>> -> memref<128xi32, #tpu.memory_space<vmem>>
        %dma_wait3A_514 = arith.constant 0 : i32
        %dma_wait3A_515 = tpu.memref_slice %arg18[%dma_wait3A_514] : memref<10240xf32, #tpu.memory_space<vmem_shared>> -> memref<10240xf32, #tpu.memory_space<vmem_shared>>
        tpu.wait_indirect_dma semaphore(%arg19 : memref<!tpu.dma_semaphore, #tpu.memory_space<semaphore_mem>>) src(%arg17 : memref<128xf32, #tpu.memory_space<vmem>>) dst(%dma_wait3A_515 : memref<10240xf32, #tpu.memory_space<vmem_shared>>)
        %sub3A_516 = arith.constant 1 : i32
        %sub3A_517 = arith.subi %sub3A_516, %select_n3A_246 : i32
        %sub3A_518 = arith.constant 1 : i32
        %sub3A_519 = arith.subi %sub3A_518, %arg0 : i32
        %dma_wait3A_520 = arith.constant 6 : i32
        %dma_wait3A_521 = arith.constant 0 : i32
        %dma_wait3A_522 = tpu.memref_slice %arg8[%sub3A_517, %sub3A_519, %dma_wait3A_520, %dma_wait3A_521] : memref<2x2x8x128xi32, #tpu.memory_space<vmem>> -> memref<1x1x1x128xi32, #tpu.memory_space<vmem>>
        %dma_wait3A_523 = tpu.memref_squeeze %dma_wait3A_522 : memref<1x1x1x128xi32, #tpu.memory_space<vmem>> -> memref<128xi32, #tpu.memory_space<vmem>>
        %dma_wait3A_524 = arith.constant 0 : i32
        %dma_wait3A_525 = tpu.memref_slice %arg18[%dma_wait3A_524] : memref<10240xf32, #tpu.memory_space<vmem_shared>> -> memref<10240xf32, #tpu.memory_space<vmem_shared>>
        tpu.wait_indirect_dma semaphore(%arg19 : memref<!tpu.dma_semaphore, #tpu.memory_space<semaphore_mem>>) src(%arg17 : memref<128xf32, #tpu.memory_space<vmem>>) dst(%dma_wait3A_525 : memref<10240xf32, #tpu.memory_space<vmem_shared>>)
        %sub3A_526 = arith.constant 1 : i32
        %sub3A_527 = arith.subi %sub3A_526, %select_n3A_246 : i32
        %sub3A_528 = arith.constant 1 : i32
        %sub3A_529 = arith.subi %sub3A_528, %arg0 : i32
        %dma_wait3A_530 = arith.constant 7 : i32
        %dma_wait3A_531 = arith.constant 0 : i32
        %dma_wait3A_532 = tpu.memref_slice %arg8[%sub3A_527, %sub3A_529, %dma_wait3A_530, %dma_wait3A_531] : memref<2x2x8x128xi32, #tpu.memory_space<vmem>> -> memref<1x1x1x128xi32, #tpu.memory_space<vmem>>
        %dma_wait3A_533 = tpu.memref_squeeze %dma_wait3A_532 : memref<1x1x1x128xi32, #tpu.memory_space<vmem>> -> memref<128xi32, #tpu.memory_space<vmem>>
        %dma_wait3A_534 = arith.constant 0 : i32
        %dma_wait3A_535 = tpu.memref_slice %arg18[%dma_wait3A_534] : memref<10240xf32, #tpu.memory_space<vmem_shared>> -> memref<10240xf32, #tpu.memory_space<vmem_shared>>
        tpu.wait_indirect_dma semaphore(%arg19 : memref<!tpu.dma_semaphore, #tpu.memory_space<semaphore_mem>>) src(%arg17 : memref<128xf32, #tpu.memory_space<vmem>>) dst(%dma_wait3A_535 : memref<10240xf32, #tpu.memory_space<vmem_shared>>)
      } else {
      }
      %add3A_252 = arith.constant 1 : i32
      %add3A_253 = arith.addi %while3A_229, %add3A_252 : i32
      %lt3A_254 = arith.cmpi slt, %add3A_253, %select_n3A_43 : i32
      %convert_element_type3A_255 = arith.extui %lt3A_254 : i1 to i32
      %cond3A_256 = arith.constant 0 : i32
      %cond3A_257 = arith.cmpi ne, %convert_element_type3A_255, %cond3A_256 : i32
      scf.if %cond3A_257 {
        %add3A_446 = arith.constant 1 : i32
        %add3A_447 = arith.addi %while3A_229, %add3A_446 : i32
        %mul3A_448 = arith.constant 8 : i32
        %mul3A_449 = arith.muli %add3A_447, %mul3A_448 : i32
        %sub3A_450 = arith.constant 1 : i32
        %sub3A_451 = arith.subi %sub3A_450, %select_n3A_246 : i32
        %dma_start3A_452 = arith.constant 0 : i32
        %dma_start3A_453 = arith.constant 0 : i32
        %dma_start3A_454 = arith.constant 0 : i32
        %dma_start3A_455 = tpu.memref_slice %arg8[%sub3A_451, %dma_start3A_452, %dma_start3A_453, %dma_start3A_454] : memref<2x2x8x128xi32, #tpu.memory_space<vmem>> -> memref<1x2x8x128xi32, #tpu.memory_space<vmem>>
        %dma_start3A_456 = tpu.memref_squeeze %dma_start3A_455 : memref<1x2x8x128xi32, #tpu.memory_space<vmem>> -> memref<2x8x128xi32, #tpu.memory_space<vmem>>
        %dma_start3A_457 = arith.constant 0 : i32
        %dma_start3A_458 = arith.constant 0 : i32
        %dma_start3A_459 = tpu.memref_slice %arg3[%dma_start3A_457, %mul3A_449, %dma_start3A_458] : memref<2x2504x128xi32, #tpu.memory_space<hbm>> -> memref<2x8x128xi32, #tpu.memory_space<hbm>>
        %dma_start3A_460 = arith.constant 0 : i32
        %dma_start3A_461 = arith.constant 0 : i32
        %dma_start3A_462 = arith.constant 0 : i32
        %dma_start3A_463 = tpu.memref_slice %arg8[%sub3A_451, %dma_start3A_460, %dma_start3A_461, %dma_start3A_462] : memref<2x2x8x128xi32, #tpu.memory_space<vmem>> -> memref<1x2x8x128xi32, #tpu.memory_space<vmem>>
        %dma_start3A_464 = tpu.memref_squeeze %dma_start3A_463 : memref<1x2x8x128xi32, #tpu.memory_space<vmem>> -> memref<2x8x128xi32, #tpu.memory_space<vmem>>
        %dma_start3A_465 = arith.constant 0 : i32
        %dma_start3A_466 = arith.constant 0 : i32
        %dma_start3A_467 = tpu.memref_slice %arg3[%dma_start3A_465, %mul3A_449, %dma_start3A_466] : memref<2x2504x128xi32, #tpu.memory_space<hbm>> -> memref<2x8x128xi32, #tpu.memory_space<hbm>>
        tpu.enqueue_dma source(%dma_start3A_467 : memref<2x8x128xi32, #tpu.memory_space<hbm>>) target(%dma_start3A_464 : memref<2x8x128xi32, #tpu.memory_space<vmem>>) target_semaphore(%arg16 : memref<!tpu.dma_semaphore, #tpu.memory_space<semaphore_mem>>)
      } else {
      }
      %add3A_258 = arith.constant 0 : i32
      %add3A_259 = arith.addi %mul3A_248, %add3A_258 : i32
      %add3A_260 = arith.constant 1 : i32
      %add3A_261 = arith.addi %add3A_259, %add3A_260 : i32
      %lt3A_262 = arith.constant 2500 : i32
      %lt3A_263 = arith.cmpi slt, %add3A_261, %lt3A_262 : i32
      %convert_element_type3A_264 = arith.extui %lt3A_263 : i1 to i32
      %cond3A_265 = arith.constant 0 : i32
      %cond3A_266 = arith.cmpi ne, %convert_element_type3A_264, %cond3A_265 : i32
      scf.if %cond3A_266 {
        %dma_start3A_446 = arith.constant 1 : i32
        %dma_start3A_447 = arith.constant 0 : i32
        %dma_start3A_448 = tpu.memref_slice %arg8[%select_n3A_246, %arg0, %dma_start3A_446, %dma_start3A_447] : memref<2x2x8x128xi32, #tpu.memory_space<vmem>> -> memref<1x1x1x128xi32, #tpu.memory_space<vmem>>
        %dma_start3A_449 = tpu.memref_squeeze %dma_start3A_448 : memref<1x1x1x128xi32, #tpu.memory_space<vmem>> -> memref<128xi32, #tpu.memory_space<vmem>>
        %dma_start3A_450 = arith.constant 0 : i32
        %dma_start3A_451 = arith.constant 0 : i32
        %dma_start3A_452 = tpu.memref_slice %arg2[%dma_start3A_450, %dma_start3A_451] : memref<10000x128xf32, #tpu.memory_space<hbm>> -> memref<10000x128xf32, #tpu.memory_space<hbm>>
        tpu.enqueue_indirect_dma source(%dma_start3A_452 : memref<10000x128xf32, #tpu.memory_space<hbm>>) target(%arg10 : memref<128x128xf32, #tpu.memory_space<vmem>>) offsets(%dma_start3A_449 : memref<128xi32, #tpu.memory_space<vmem>>) semaphore(%arg13 : memref<!tpu.dma_semaphore, #tpu.memory_space<semaphore_mem>>)
      } else {
      }
      %add3A_267 = arith.constant 0 : i32
      %add3A_268 = arith.addi %mul3A_248, %add3A_267 : i32
      %lt3A_269 = arith.constant 2500 : i32
      %lt3A_270 = arith.cmpi slt, %add3A_268, %lt3A_269 : i32
      %convert_element_type3A_271 = arith.extui %lt3A_270 : i1 to i32
      %cond3A_272 = arith.constant 0 : i32
      %cond3A_273 = arith.cmpi ne, %convert_element_type3A_271, %cond3A_272 : i32
      scf.if %cond3A_273 {
        %dma_wait3A = arith.constant 0 : i32
        %dma_wait3A_446 = arith.constant 0 : i32
        %dma_wait3A_447 = tpu.memref_slice %arg8[%select_n3A_246, %arg0, %dma_wait3A, %dma_wait3A_446] : memref<2x2x8x128xi32, #tpu.memory_space<vmem>> -> memref<1x1x1x128xi32, #tpu.memory_space<vmem>>
        %dma_wait3A_448 = tpu.memref_squeeze %dma_wait3A_447 : memref<1x1x1x128xi32, #tpu.memory_space<vmem>> -> memref<128xi32, #tpu.memory_space<vmem>>
        %dma_wait3A_449 = arith.constant 0 : i32
        %dma_wait3A_450 = arith.constant 0 : i32
        %dma_wait3A_451 = tpu.memref_slice %arg2[%dma_wait3A_449, %dma_wait3A_450] : memref<10000x128xf32, #tpu.memory_space<hbm>> -> memref<10000x128xf32, #tpu.memory_space<hbm>>
        tpu.wait_indirect_dma semaphore(%arg12 : memref<!tpu.dma_semaphore, #tpu.memory_space<semaphore_mem>>) src(%dma_wait3A_451 : memref<10000x128xf32, #tpu.memory_space<hbm>>) dst(%arg9 : memref<128x128xf32, #tpu.memory_space<vmem>>)
        %sub3A_452 = arith.constant 1 : i32
        %sub3A_453 = arith.subi %sub3A_452, %arg0 : i32
        %dma_start3A_454 = arith.constant 0 : i32
        %dma_start3A_455 = arith.constant 0 : i32
        %dma_start3A_456 = tpu.memref_slice %arg8[%select_n3A_246, %sub3A_453, %dma_start3A_454, %dma_start3A_455] : memref<2x2x8x128xi32, #tpu.memory_space<vmem>> -> memref<1x1x1x128xi32, #tpu.memory_space<vmem>>
        %dma_start3A_457 = tpu.memref_squeeze %dma_start3A_456 : memref<1x1x1x128xi32, #tpu.memory_space<vmem>> -> memref<128xi32, #tpu.memory_space<vmem>>
        %dma_start3A_458 = arith.constant 0 : i32
        %dma_start3A_459 = arith.constant 0 : i32
        %dma_start3A_460 = tpu.memref_slice %arg11[%dma_start3A_458, %dma_start3A_459] : memref<10000x128xf32, #tpu.memory_space<vmem_shared>> -> memref<10000x128xf32, #tpu.memory_space<vmem_shared>>
        tpu.enqueue_indirect_dma source(%arg9 : memref<128x128xf32, #tpu.memory_space<vmem>>) target(%dma_start3A_460 : memref<10000x128xf32, #tpu.memory_space<vmem_shared>>) offsets(%dma_start3A_457 : memref<128xi32, #tpu.memory_space<vmem>>) semaphore(%arg14 : memref<!tpu.dma_semaphore, #tpu.memory_space<semaphore_mem>>) {add = true}
        %sub3A_461 = arith.constant 1 : i32
        %sub3A_462 = arith.subi %sub3A_461, %arg0 : i32
        %dma_start3A_463 = arith.constant 0 : i32
        %dma_start3A_464 = arith.constant 0 : i32
        %dma_start3A_465 = tpu.memref_slice %arg8[%select_n3A_246, %sub3A_462, %dma_start3A_463, %dma_start3A_464] : memref<2x2x8x128xi32, #tpu.memory_space<vmem>> -> memref<1x1x1x128xi32, #tpu.memory_space<vmem>>
        %dma_start3A_466 = tpu.memref_squeeze %dma_start3A_465 : memref<1x1x1x128xi32, #tpu.memory_space<vmem>> -> memref<128xi32, #tpu.memory_space<vmem>>
        %dma_start3A_467 = arith.constant 0 : i32
        %dma_start3A_468 = tpu.memref_slice %arg18[%dma_start3A_467] : memref<10240xf32, #tpu.memory_space<vmem_shared>> -> memref<10240xf32, #tpu.memory_space<vmem_shared>>
        tpu.enqueue_indirect_dma source(%arg17 : memref<128xf32, #tpu.memory_space<vmem>>) target(%dma_start3A_468 : memref<10240xf32, #tpu.memory_space<vmem_shared>>) offsets(%dma_start3A_466 : memref<128xi32, #tpu.memory_space<vmem>>) semaphore(%arg19 : memref<!tpu.dma_semaphore, #tpu.memory_space<semaphore_mem>>) {add = true}
      } else {
      }
      %add3A_274 = arith.constant 1 : i32
      %add3A_275 = arith.addi %mul3A_248, %add3A_274 : i32
      %sub3A_276 = arith.constant 1 : i32
      %sub3A_277 = arith.subi %add3A_275, %sub3A_276 : i32
      %lt3A_278 = arith.constant 2500 : i32
      %lt3A_279 = arith.cmpi slt, %sub3A_277, %lt3A_278 : i32
      %convert_element_type3A_280 = arith.extui %lt3A_279 : i1 to i32
      %cond3A_281 = arith.constant 0 : i32
      %cond3A_282 = arith.cmpi ne, %convert_element_type3A_280, %cond3A_281 : i32
      scf.if %cond3A_282 {
        %sub3A_446 = arith.constant 1 : i32
        %sub3A_447 = arith.subi %sub3A_446, %arg0 : i32
        %dma_wait3A = arith.constant 0 : i32
        %dma_wait3A_448 = arith.constant 0 : i32
        %dma_wait3A_449 = tpu.memref_slice %arg8[%select_n3A_246, %sub3A_447, %dma_wait3A, %dma_wait3A_448] : memref<2x2x8x128xi32, #tpu.memory_space<vmem>> -> memref<1x1x1x128xi32, #tpu.memory_space<vmem>>
        %dma_wait3A_450 = tpu.memref_squeeze %dma_wait3A_449 : memref<1x1x1x128xi32, #tpu.memory_space<vmem>> -> memref<128xi32, #tpu.memory_space<vmem>>
        %dma_wait3A_451 = arith.constant 0 : i32
        %dma_wait3A_452 = arith.constant 0 : i32
        %dma_wait3A_453 = tpu.memref_slice %arg11[%dma_wait3A_451, %dma_wait3A_452] : memref<10000x128xf32, #tpu.memory_space<vmem_shared>> -> memref<10000x128xf32, #tpu.memory_space<vmem_shared>>
        tpu.wait_indirect_dma semaphore(%arg14 : memref<!tpu.dma_semaphore, #tpu.memory_space<semaphore_mem>>) src(%arg9 : memref<128x128xf32, #tpu.memory_space<vmem>>) dst(%dma_wait3A_453 : memref<10000x128xf32, #tpu.memory_space<vmem_shared>>)
      } else {
      }
      %add3A_283 = arith.constant 1 : i32
      %add3A_284 = arith.addi %mul3A_248, %add3A_283 : i32
      %add3A_285 = arith.constant 1 : i32
      %add3A_286 = arith.addi %add3A_284, %add3A_285 : i32
      %lt3A_287 = arith.constant 2500 : i32
      %lt3A_288 = arith.cmpi slt, %add3A_286, %lt3A_287 : i32
      %convert_element_type3A_289 = arith.extui %lt3A_288 : i1 to i32
      %cond3A_290 = arith.constant 0 : i32
      %cond3A_291 = arith.cmpi ne, %convert_element_type3A_289, %cond3A_290 : i32
      scf.if %cond3A_291 {
        %dma_start3A_446 = arith.constant 2 : i32
        %dma_start3A_447 = arith.constant 0 : i32
        %dma_start3A_448 = tpu.memref_slice %arg8[%select_n3A_246, %arg0, %dma_start3A_446, %dma_start3A_447] : memref<2x2x8x128xi32, #tpu.memory_space<vmem>> -> memref<1x1x1x128xi32, #tpu.memory_space<vmem>>
        %dma_start3A_449 = tpu.memref_squeeze %dma_start3A_448 : memref<1x1x1x128xi32, #tpu.memory_space<vmem>> -> memref<128xi32, #tpu.memory_space<vmem>>
        %dma_start3A_450 = arith.constant 0 : i32
        %dma_start3A_451 = arith.constant 0 : i32
        %dma_start3A_452 = tpu.memref_slice %arg2[%dma_start3A_450, %dma_start3A_451] : memref<10000x128xf32, #tpu.memory_space<hbm>> -> memref<10000x128xf32, #tpu.memory_space<hbm>>
        tpu.enqueue_indirect_dma source(%dma_start3A_452 : memref<10000x128xf32, #tpu.memory_space<hbm>>) target(%arg9 : memref<128x128xf32, #tpu.memory_space<vmem>>) offsets(%dma_start3A_449 : memref<128xi32, #tpu.memory_space<vmem>>) semaphore(%arg12 : memref<!tpu.dma_semaphore, #tpu.memory_space<semaphore_mem>>)
      } else {
      }
      %add3A_292 = arith.constant 1 : i32
      %add3A_293 = arith.addi %mul3A_248, %add3A_292 : i32
      %lt3A_294 = arith.constant 2500 : i32
      %lt3A_295 = arith.cmpi slt, %add3A_293, %lt3A_294 : i32
      %convert_element_type3A_296 = arith.extui %lt3A_295 : i1 to i32
      %cond3A_297 = arith.constant 0 : i32
      %cond3A_298 = arith.cmpi ne, %convert_element_type3A_296, %cond3A_297 : i32
      scf.if %cond3A_298 {
        %dma_wait3A = arith.constant 1 : i32
        %dma_wait3A_446 = arith.constant 0 : i32
        %dma_wait3A_447 = tpu.memref_slice %arg8[%select_n3A_246, %arg0, %dma_wait3A, %dma_wait3A_446] : memref<2x2x8x128xi32, #tpu.memory_space<vmem>> -> memref<1x1x1x128xi32, #tpu.memory_space<vmem>>
        %dma_wait3A_448 = tpu.memref_squeeze %dma_wait3A_447 : memref<1x1x1x128xi32, #tpu.memory_space<vmem>> -> memref<128xi32, #tpu.memory_space<vmem>>
        %dma_wait3A_449 = arith.constant 0 : i32
        %dma_wait3A_450 = arith.constant 0 : i32
        %dma_wait3A_451 = tpu.memref_slice %arg2[%dma_wait3A_449, %dma_wait3A_450] : memref<10000x128xf32, #tpu.memory_space<hbm>> -> memref<10000x128xf32, #tpu.memory_space<hbm>>
        tpu.wait_indirect_dma semaphore(%arg13 : memref<!tpu.dma_semaphore, #tpu.memory_space<semaphore_mem>>) src(%dma_wait3A_451 : memref<10000x128xf32, #tpu.memory_space<hbm>>) dst(%arg10 : memref<128x128xf32, #tpu.memory_space<vmem>>)
        %sub3A_452 = arith.constant 1 : i32
        %sub3A_453 = arith.subi %sub3A_452, %arg0 : i32
        %dma_start3A_454 = arith.constant 1 : i32
        %dma_start3A_455 = arith.constant 0 : i32
        %dma_start3A_456 = tpu.memref_slice %arg8[%select_n3A_246, %sub3A_453, %dma_start3A_454, %dma_start3A_455] : memref<2x2x8x128xi32, #tpu.memory_space<vmem>> -> memref<1x1x1x128xi32, #tpu.memory_space<vmem>>
        %dma_start3A_457 = tpu.memref_squeeze %dma_start3A_456 : memref<1x1x1x128xi32, #tpu.memory_space<vmem>> -> memref<128xi32, #tpu.memory_space<vmem>>
        %dma_start3A_458 = arith.constant 0 : i32
        %dma_start3A_459 = arith.constant 0 : i32
        %dma_start3A_460 = tpu.memref_slice %arg11[%dma_start3A_458, %dma_start3A_459] : memref<10000x128xf32, #tpu.memory_space<vmem_shared>> -> memref<10000x128xf32, #tpu.memory_space<vmem_shared>>
        tpu.enqueue_indirect_dma source(%arg10 : memref<128x128xf32, #tpu.memory_space<vmem>>) target(%dma_start3A_460 : memref<10000x128xf32, #tpu.memory_space<vmem_shared>>) offsets(%dma_start3A_457 : memref<128xi32, #tpu.memory_space<vmem>>) semaphore(%arg15 : memref<!tpu.dma_semaphore, #tpu.memory_space<semaphore_mem>>) {add = true}
        %sub3A_461 = arith.constant 1 : i32
        %sub3A_462 = arith.subi %sub3A_461, %arg0 : i32
        %dma_start3A_463 = arith.constant 1 : i32
        %dma_start3A_464 = arith.constant 0 : i32
        %dma_start3A_465 = tpu.memref_slice %arg8[%select_n3A_246, %sub3A_462, %dma_start3A_463, %dma_start3A_464] : memref<2x2x8x128xi32, #tpu.memory_space<vmem>> -> memref<1x1x1x128xi32, #tpu.memory_space<vmem>>
        %dma_start3A_466 = tpu.memref_squeeze %dma_start3A_465 : memref<1x1x1x128xi32, #tpu.memory_space<vmem>> -> memref<128xi32, #tpu.memory_space<vmem>>
        %dma_start3A_467 = arith.constant 0 : i32
        %dma_start3A_468 = tpu.memref_slice %arg18[%dma_start3A_467] : memref<10240xf32, #tpu.memory_space<vmem_shared>> -> memref<10240xf32, #tpu.memory_space<vmem_shared>>
        tpu.enqueue_indirect_dma source(%arg17 : memref<128xf32, #tpu.memory_space<vmem>>) target(%dma_start3A_468 : memref<10240xf32, #tpu.memory_space<vmem_shared>>) offsets(%dma_start3A_466 : memref<128xi32, #tpu.memory_space<vmem>>) semaphore(%arg19 : memref<!tpu.dma_semaphore, #tpu.memory_space<semaphore_mem>>) {add = true}
      } else {
      }
      %add3A_299 = arith.constant 2 : i32
      %add3A_300 = arith.addi %mul3A_248, %add3A_299 : i32
      %sub3A_301 = arith.constant 1 : i32
      %sub3A_302 = arith.subi %add3A_300, %sub3A_301 : i32
      %lt3A_303 = arith.constant 2500 : i32
      %lt3A_304 = arith.cmpi slt, %sub3A_302, %lt3A_303 : i32
      %convert_element_type3A_305 = arith.extui %lt3A_304 : i1 to i32
      %cond3A_306 = arith.constant 0 : i32
      %cond3A_307 = arith.cmpi ne, %convert_element_type3A_305, %cond3A_306 : i32
      scf.if %cond3A_307 {
        %sub3A_446 = arith.constant 1 : i32
        %sub3A_447 = arith.subi %sub3A_446, %arg0 : i32
        %dma_wait3A = arith.constant 1 : i32
        %dma_wait3A_448 = arith.constant 0 : i32
        %dma_wait3A_449 = tpu.memref_slice %arg8[%select_n3A_246, %sub3A_447, %dma_wait3A, %dma_wait3A_448] : memref<2x2x8x128xi32, #tpu.memory_space<vmem>> -> memref<1x1x1x128xi32, #tpu.memory_space<vmem>>
        %dma_wait3A_450 = tpu.memref_squeeze %dma_wait3A_449 : memref<1x1x1x128xi32, #tpu.memory_space<vmem>> -> memref<128xi32, #tpu.memory_space<vmem>>
        %dma_wait3A_451 = arith.constant 0 : i32
        %dma_wait3A_452 = arith.constant 0 : i32
        %dma_wait3A_453 = tpu.memref_slice %arg11[%dma_wait3A_451, %dma_wait3A_452] : memref<10000x128xf32, #tpu.memory_space<vmem_shared>> -> memref<10000x128xf32, #tpu.memory_space<vmem_shared>>
        tpu.wait_indirect_dma semaphore(%arg15 : memref<!tpu.dma_semaphore, #tpu.memory_space<semaphore_mem>>) src(%arg10 : memref<128x128xf32, #tpu.memory_space<vmem>>) dst(%dma_wait3A_453 : memref<10000x128xf32, #tpu.memory_space<vmem_shared>>)
      } else {
      }
      %add3A_308 = arith.constant 2 : i32
      %add3A_309 = arith.addi %mul3A_248, %add3A_308 : i32
      %add3A_310 = arith.constant 1 : i32
      %add3A_311 = arith.addi %add3A_309, %add3A_310 : i32
      %lt3A_312 = arith.constant 2500 : i32
      %lt3A_313 = arith.cmpi slt, %add3A_311, %lt3A_312 : i32
      %convert_element_type3A_314 = arith.extui %lt3A_313 : i1 to i32
      %cond3A_315 = arith.constant 0 : i32
      %cond3A_316 = arith.cmpi ne, %convert_element_type3A_314, %cond3A_315 : i32
      scf.if %cond3A_316 {
        %dma_start3A_446 = arith.constant 3 : i32
        %dma_start3A_447 = arith.constant 0 : i32
        %dma_start3A_448 = tpu.memref_slice %arg8[%select_n3A_246, %arg0, %dma_start3A_446, %dma_start3A_447] : memref<2x2x8x128xi32, #tpu.memory_space<vmem>> -> memref<1x1x1x128xi32, #tpu.memory_space<vmem>>
        %dma_start3A_449 = tpu.memref_squeeze %dma_start3A_448 : memref<1x1x1x128xi32, #tpu.memory_space<vmem>> -> memref<128xi32, #tpu.memory_space<vmem>>
        %dma_start3A_450 = arith.constant 0 : i32
        %dma_start3A_451 = arith.constant 0 : i32
        %dma_start3A_452 = tpu.memref_slice %arg2[%dma_start3A_450, %dma_start3A_451] : memref<10000x128xf32, #tpu.memory_space<hbm>> -> memref<10000x128xf32, #tpu.memory_space<hbm>>
        tpu.enqueue_indirect_dma source(%dma_start3A_452 : memref<10000x128xf32, #tpu.memory_space<hbm>>) target(%arg10 : memref<128x128xf32, #tpu.memory_space<vmem>>) offsets(%dma_start3A_449 : memref<128xi32, #tpu.memory_space<vmem>>) semaphore(%arg13 : memref<!tpu.dma_semaphore, #tpu.memory_space<semaphore_mem>>)
      } else {
      }
      %add3A_317 = arith.constant 2 : i32
      %add3A_318 = arith.addi %mul3A_248, %add3A_317 : i32
      %lt3A_319 = arith.constant 2500 : i32
      %lt3A_320 = arith.cmpi slt, %add3A_318, %lt3A_319 : i32
      %convert_element_type3A_321 = arith.extui %lt3A_320 : i1 to i32
      %cond3A_322 = arith.constant 0 : i32
      %cond3A_323 = arith.cmpi ne, %convert_element_type3A_321, %cond3A_322 : i32
      scf.if %cond3A_323 {
        %dma_wait3A = arith.constant 2 : i32
        %dma_wait3A_446 = arith.constant 0 : i32
        %dma_wait3A_447 = tpu.memref_slice %arg8[%select_n3A_246, %arg0, %dma_wait3A, %dma_wait3A_446] : memref<2x2x8x128xi32, #tpu.memory_space<vmem>> -> memref<1x1x1x128xi32, #tpu.memory_space<vmem>>
        %dma_wait3A_448 = tpu.memref_squeeze %dma_wait3A_447 : memref<1x1x1x128xi32, #tpu.memory_space<vmem>> -> memref<128xi32, #tpu.memory_space<vmem>>
        %dma_wait3A_449 = arith.constant 0 : i32
        %dma_wait3A_450 = arith.constant 0 : i32
        %dma_wait3A_451 = tpu.memref_slice %arg2[%dma_wait3A_449, %dma_wait3A_450] : memref<10000x128xf32, #tpu.memory_space<hbm>> -> memref<10000x128xf32, #tpu.memory_space<hbm>>
        tpu.wait_indirect_dma semaphore(%arg12 : memref<!tpu.dma_semaphore, #tpu.memory_space<semaphore_mem>>) src(%dma_wait3A_451 : memref<10000x128xf32, #tpu.memory_space<hbm>>) dst(%arg9 : memref<128x128xf32, #tpu.memory_space<vmem>>)
        %sub3A_452 = arith.constant 1 : i32
        %sub3A_453 = arith.subi %sub3A_452, %arg0 : i32
        %dma_start3A_454 = arith.constant 2 : i32
        %dma_start3A_455 = arith.constant 0 : i32
        %dma_start3A_456 = tpu.memref_slice %arg8[%select_n3A_246, %sub3A_453, %dma_start3A_454, %dma_start3A_455] : memref<2x2x8x128xi32, #tpu.memory_space<vmem>> -> memref<1x1x1x128xi32, #tpu.memory_space<vmem>>
        %dma_start3A_457 = tpu.memref_squeeze %dma_start3A_456 : memref<1x1x1x128xi32, #tpu.memory_space<vmem>> -> memref<128xi32, #tpu.memory_space<vmem>>
        %dma_start3A_458 = arith.constant 0 : i32
        %dma_start3A_459 = arith.constant 0 : i32
        %dma_start3A_460 = tpu.memref_slice %arg11[%dma_start3A_458, %dma_start3A_459] : memref<10000x128xf32, #tpu.memory_space<vmem_shared>> -> memref<10000x128xf32, #tpu.memory_space<vmem_shared>>
        tpu.enqueue_indirect_dma source(%arg9 : memref<128x128xf32, #tpu.memory_space<vmem>>) target(%dma_start3A_460 : memref<10000x128xf32, #tpu.memory_space<vmem_shared>>) offsets(%dma_start3A_457 : memref<128xi32, #tpu.memory_space<vmem>>) semaphore(%arg14 : memref<!tpu.dma_semaphore, #tpu.memory_space<semaphore_mem>>) {add = true}
        %sub3A_461 = arith.constant 1 : i32
        %sub3A_462 = arith.subi %sub3A_461, %arg0 : i32
        %dma_start3A_463 = arith.constant 2 : i32
        %dma_start3A_464 = arith.constant 0 : i32
        %dma_start3A_465 = tpu.memref_slice %arg8[%select_n3A_246, %sub3A_462, %dma_start3A_463, %dma_start3A_464] : memref<2x2x8x128xi32, #tpu.memory_space<vmem>> -> memref<1x1x1x128xi32, #tpu.memory_space<vmem>>
        %dma_start3A_466 = tpu.memref_squeeze %dma_start3A_465 : memref<1x1x1x128xi32, #tpu.memory_space<vmem>> -> memref<128xi32, #tpu.memory_space<vmem>>
        %dma_start3A_467 = arith.constant 0 : i32
        %dma_start3A_468 = tpu.memref_slice %arg18[%dma_start3A_467] : memref<10240xf32, #tpu.memory_space<vmem_shared>> -> memref<10240xf32, #tpu.memory_space<vmem_shared>>
        tpu.enqueue_indirect_dma source(%arg17 : memref<128xf32, #tpu.memory_space<vmem>>) target(%dma_start3A_468 : memref<10240xf32, #tpu.memory_space<vmem_shared>>) offsets(%dma_start3A_466 : memref<128xi32, #tpu.memory_space<vmem>>) semaphore(%arg19 : memref<!tpu.dma_semaphore, #tpu.memory_space<semaphore_mem>>) {add = true}
      } else {
      }
      %add3A_324 = arith.constant 3 : i32
      %add3A_325 = arith.addi %mul3A_248, %add3A_324 : i32
      %sub3A_326 = arith.constant 1 : i32
      %sub3A_327 = arith.subi %add3A_325, %sub3A_326 : i32
      %lt3A_328 = arith.constant 2500 : i32
      %lt3A_329 = arith.cmpi slt, %sub3A_327, %lt3A_328 : i32
      %convert_element_type3A_330 = arith.extui %lt3A_329 : i1 to i32
      %cond3A_331 = arith.constant 0 : i32
      %cond3A_332 = arith.cmpi ne, %convert_element_type3A_330, %cond3A_331 : i32
      scf.if %cond3A_332 {
        %sub3A_446 = arith.constant 1 : i32
        %sub3A_447 = arith.subi %sub3A_446, %arg0 : i32
        %dma_wait3A = arith.constant 2 : i32
        %dma_wait3A_448 = arith.constant 0 : i32
        %dma_wait3A_449 = tpu.memref_slice %arg8[%select_n3A_246, %sub3A_447, %dma_wait3A, %dma_wait3A_448] : memref<2x2x8x128xi32, #tpu.memory_space<vmem>> -> memref<1x1x1x128xi32, #tpu.memory_space<vmem>>
        %dma_wait3A_450 = tpu.memref_squeeze %dma_wait3A_449 : memref<1x1x1x128xi32, #tpu.memory_space<vmem>> -> memref<128xi32, #tpu.memory_space<vmem>>
        %dma_wait3A_451 = arith.constant 0 : i32
        %dma_wait3A_452 = arith.constant 0 : i32
        %dma_wait3A_453 = tpu.memref_slice %arg11[%dma_wait3A_451, %dma_wait3A_452] : memref<10000x128xf32, #tpu.memory_space<vmem_shared>> -> memref<10000x128xf32, #tpu.memory_space<vmem_shared>>
        tpu.wait_indirect_dma semaphore(%arg14 : memref<!tpu.dma_semaphore, #tpu.memory_space<semaphore_mem>>) src(%arg9 : memref<128x128xf32, #tpu.memory_space<vmem>>) dst(%dma_wait3A_453 : memref<10000x128xf32, #tpu.memory_space<vmem_shared>>)
      } else {
      }
      %add3A_333 = arith.constant 3 : i32
      %add3A_334 = arith.addi %mul3A_248, %add3A_333 : i32
      %add3A_335 = arith.constant 1 : i32
      %add3A_336 = arith.addi %add3A_334, %add3A_335 : i32
      %lt3A_337 = arith.constant 2500 : i32
      %lt3A_338 = arith.cmpi slt, %add3A_336, %lt3A_337 : i32
      %convert_element_type3A_339 = arith.extui %lt3A_338 : i1 to i32
      %cond3A_340 = arith.constant 0 : i32
      %cond3A_341 = arith.cmpi ne, %convert_element_type3A_339, %cond3A_340 : i32
      scf.if %cond3A_341 {
        %dma_start3A_446 = arith.constant 4 : i32
        %dma_start3A_447 = arith.constant 0 : i32
        %dma_start3A_448 = tpu.memref_slice %arg8[%select_n3A_246, %arg0, %dma_start3A_446, %dma_start3A_447] : memref<2x2x8x128xi32, #tpu.memory_space<vmem>> -> memref<1x1x1x128xi32, #tpu.memory_space<vmem>>
        %dma_start3A_449 = tpu.memref_squeeze %dma_start3A_448 : memref<1x1x1x128xi32, #tpu.memory_space<vmem>> -> memref<128xi32, #tpu.memory_space<vmem>>
        %dma_start3A_450 = arith.constant 0 : i32
        %dma_start3A_451 = arith.constant 0 : i32
        %dma_start3A_452 = tpu.memref_slice %arg2[%dma_start3A_450, %dma_start3A_451] : memref<10000x128xf32, #tpu.memory_space<hbm>> -> memref<10000x128xf32, #tpu.memory_space<hbm>>
        tpu.enqueue_indirect_dma source(%dma_start3A_452 : memref<10000x128xf32, #tpu.memory_space<hbm>>) target(%arg9 : memref<128x128xf32, #tpu.memory_space<vmem>>) offsets(%dma_start3A_449 : memref<128xi32, #tpu.memory_space<vmem>>) semaphore(%arg12 : memref<!tpu.dma_semaphore, #tpu.memory_space<semaphore_mem>>)
      } else {
      }
      %add3A_342 = arith.constant 3 : i32
      %add3A_343 = arith.addi %mul3A_248, %add3A_342 : i32
      %lt3A_344 = arith.constant 2500 : i32
      %lt3A_345 = arith.cmpi slt, %add3A_343, %lt3A_344 : i32
      %convert_element_type3A_346 = arith.extui %lt3A_345 : i1 to i32
      %cond3A_347 = arith.constant 0 : i32
      %cond3A_348 = arith.cmpi ne, %convert_element_type3A_346, %cond3A_347 : i32
      scf.if %cond3A_348 {
        %dma_wait3A = arith.constant 3 : i32
        %dma_wait3A_446 = arith.constant 0 : i32
        %dma_wait3A_447 = tpu.memref_slice %arg8[%select_n3A_246, %arg0, %dma_wait3A, %dma_wait3A_446] : memref<2x2x8x128xi32, #tpu.memory_space<vmem>> -> memref<1x1x1x128xi32, #tpu.memory_space<vmem>>
        %dma_wait3A_448 = tpu.memref_squeeze %dma_wait3A_447 : memref<1x1x1x128xi32, #tpu.memory_space<vmem>> -> memref<128xi32, #tpu.memory_space<vmem>>
        %dma_wait3A_449 = arith.constant 0 : i32
        %dma_wait3A_450 = arith.constant 0 : i32
        %dma_wait3A_451 = tpu.memref_slice %arg2[%dma_wait3A_449, %dma_wait3A_450] : memref<10000x128xf32, #tpu.memory_space<hbm>> -> memref<10000x128xf32, #tpu.memory_space<hbm>>
        tpu.wait_indirect_dma semaphore(%arg13 : memref<!tpu.dma_semaphore, #tpu.memory_space<semaphore_mem>>) src(%dma_wait3A_451 : memref<10000x128xf32, #tpu.memory_space<hbm>>) dst(%arg10 : memref<128x128xf32, #tpu.memory_space<vmem>>)
        %sub3A_452 = arith.constant 1 : i32
        %sub3A_453 = arith.subi %sub3A_452, %arg0 : i32
        %dma_start3A_454 = arith.constant 3 : i32
        %dma_start3A_455 = arith.constant 0 : i32
        %dma_start3A_456 = tpu.memref_slice %arg8[%select_n3A_246, %sub3A_453, %dma_start3A_454, %dma_start3A_455] : memref<2x2x8x128xi32, #tpu.memory_space<vmem>> -> memref<1x1x1x128xi32, #tpu.memory_space<vmem>>
        %dma_start3A_457 = tpu.memref_squeeze %dma_start3A_456 : memref<1x1x1x128xi32, #tpu.memory_space<vmem>> -> memref<128xi32, #tpu.memory_space<vmem>>
        %dma_start3A_458 = arith.constant 0 : i32
        %dma_start3A_459 = arith.constant 0 : i32
        %dma_start3A_460 = tpu.memref_slice %arg11[%dma_start3A_458, %dma_start3A_459] : memref<10000x128xf32, #tpu.memory_space<vmem_shared>> -> memref<10000x128xf32, #tpu.memory_space<vmem_shared>>
        tpu.enqueue_indirect_dma source(%arg10 : memref<128x128xf32, #tpu.memory_space<vmem>>) target(%dma_start3A_460 : memref<10000x128xf32, #tpu.memory_space<vmem_shared>>) offsets(%dma_start3A_457 : memref<128xi32, #tpu.memory_space<vmem>>) semaphore(%arg15 : memref<!tpu.dma_semaphore, #tpu.memory_space<semaphore_mem>>) {add = true}
        %sub3A_461 = arith.constant 1 : i32
        %sub3A_462 = arith.subi %sub3A_461, %arg0 : i32
        %dma_start3A_463 = arith.constant 3 : i32
        %dma_start3A_464 = arith.constant 0 : i32
        %dma_start3A_465 = tpu.memref_slice %arg8[%select_n3A_246, %sub3A_462, %dma_start3A_463, %dma_start3A_464] : memref<2x2x8x128xi32, #tpu.memory_space<vmem>> -> memref<1x1x1x128xi32, #tpu.memory_space<vmem>>
        %dma_start3A_466 = tpu.memref_squeeze %dma_start3A_465 : memref<1x1x1x128xi32, #tpu.memory_space<vmem>> -> memref<128xi32, #tpu.memory_space<vmem>>
        %dma_start3A_467 = arith.constant 0 : i32
        %dma_start3A_468 = tpu.memref_slice %arg18[%dma_start3A_467] : memref<10240xf32, #tpu.memory_space<vmem_shared>> -> memref<10240xf32, #tpu.memory_space<vmem_shared>>
        tpu.enqueue_indirect_dma source(%arg17 : memref<128xf32, #tpu.memory_space<vmem>>) target(%dma_start3A_468 : memref<10240xf32, #tpu.memory_space<vmem_shared>>) offsets(%dma_start3A_466 : memref<128xi32, #tpu.memory_space<vmem>>) semaphore(%arg19 : memref<!tpu.dma_semaphore, #tpu.memory_space<semaphore_mem>>) {add = true}
      } else {
      }
      %add3A_349 = arith.constant 4 : i32
      %add3A_350 = arith.addi %mul3A_248, %add3A_349 : i32
      %sub3A_351 = arith.constant 1 : i32
      %sub3A_352 = arith.subi %add3A_350, %sub3A_351 : i32
      %lt3A_353 = arith.constant 2500 : i32
      %lt3A_354 = arith.cmpi slt, %sub3A_352, %lt3A_353 : i32
      %convert_element_type3A_355 = arith.extui %lt3A_354 : i1 to i32
      %cond3A_356 = arith.constant 0 : i32
      %cond3A_357 = arith.cmpi ne, %convert_element_type3A_355, %cond3A_356 : i32
      scf.if %cond3A_357 {
        %sub3A_446 = arith.constant 1 : i32
        %sub3A_447 = arith.subi %sub3A_446, %arg0 : i32
        %dma_wait3A = arith.constant 3 : i32
        %dma_wait3A_448 = arith.constant 0 : i32
        %dma_wait3A_449 = tpu.memref_slice %arg8[%select_n3A_246, %sub3A_447, %dma_wait3A, %dma_wait3A_448] : memref<2x2x8x128xi32, #tpu.memory_space<vmem>> -> memref<1x1x1x128xi32, #tpu.memory_space<vmem>>
        %dma_wait3A_450 = tpu.memref_squeeze %dma_wait3A_449 : memref<1x1x1x128xi32, #tpu.memory_space<vmem>> -> memref<128xi32, #tpu.memory_space<vmem>>
        %dma_wait3A_451 = arith.constant 0 : i32
        %dma_wait3A_452 = arith.constant 0 : i32
        %dma_wait3A_453 = tpu.memref_slice %arg11[%dma_wait3A_451, %dma_wait3A_452] : memref<10000x128xf32, #tpu.memory_space<vmem_shared>> -> memref<10000x128xf32, #tpu.memory_space<vmem_shared>>
        tpu.wait_indirect_dma semaphore(%arg15 : memref<!tpu.dma_semaphore, #tpu.memory_space<semaphore_mem>>) src(%arg10 : memref<128x128xf32, #tpu.memory_space<vmem>>) dst(%dma_wait3A_453 : memref<10000x128xf32, #tpu.memory_space<vmem_shared>>)
      } else {
      }
      %add3A_358 = arith.constant 4 : i32
      %add3A_359 = arith.addi %mul3A_248, %add3A_358 : i32
      %add3A_360 = arith.constant 1 : i32
      %add3A_361 = arith.addi %add3A_359, %add3A_360 : i32
      %lt3A_362 = arith.constant 2500 : i32
      %lt3A_363 = arith.cmpi slt, %add3A_361, %lt3A_362 : i32
      %convert_element_type3A_364 = arith.extui %lt3A_363 : i1 to i32
      %cond3A_365 = arith.constant 0 : i32
      %cond3A_366 = arith.cmpi ne, %convert_element_type3A_364, %cond3A_365 : i32
      scf.if %cond3A_366 {
        %dma_start3A_446 = arith.constant 5 : i32
        %dma_start3A_447 = arith.constant 0 : i32
        %dma_start3A_448 = tpu.memref_slice %arg8[%select_n3A_246, %arg0, %dma_start3A_446, %dma_start3A_447] : memref<2x2x8x128xi32, #tpu.memory_space<vmem>> -> memref<1x1x1x128xi32, #tpu.memory_space<vmem>>
        %dma_start3A_449 = tpu.memref_squeeze %dma_start3A_448 : memref<1x1x1x128xi32, #tpu.memory_space<vmem>> -> memref<128xi32, #tpu.memory_space<vmem>>
        %dma_start3A_450 = arith.constant 0 : i32
        %dma_start3A_451 = arith.constant 0 : i32
        %dma_start3A_452 = tpu.memref_slice %arg2[%dma_start3A_450, %dma_start3A_451] : memref<10000x128xf32, #tpu.memory_space<hbm>> -> memref<10000x128xf32, #tpu.memory_space<hbm>>
        tpu.enqueue_indirect_dma source(%dma_start3A_452 : memref<10000x128xf32, #tpu.memory_space<hbm>>) target(%arg10 : memref<128x128xf32, #tpu.memory_space<vmem>>) offsets(%dma_start3A_449 : memref<128xi32, #tpu.memory_space<vmem>>) semaphore(%arg13 : memref<!tpu.dma_semaphore, #tpu.memory_space<semaphore_mem>>)
      } else {
      }
      %add3A_367 = arith.constant 4 : i32
      %add3A_368 = arith.addi %mul3A_248, %add3A_367 : i32
      %lt3A_369 = arith.constant 2500 : i32
      %lt3A_370 = arith.cmpi slt, %add3A_368, %lt3A_369 : i32
      %convert_element_type3A_371 = arith.extui %lt3A_370 : i1 to i32
      %cond3A_372 = arith.constant 0 : i32
      %cond3A_373 = arith.cmpi ne, %convert_element_type3A_371, %cond3A_372 : i32
      scf.if %cond3A_373 {
        %dma_wait3A = arith.constant 4 : i32
        %dma_wait3A_446 = arith.constant 0 : i32
        %dma_wait3A_447 = tpu.memref_slice %arg8[%select_n3A_246, %arg0, %dma_wait3A, %dma_wait3A_446] : memref<2x2x8x128xi32, #tpu.memory_space<vmem>> -> memref<1x1x1x128xi32, #tpu.memory_space<vmem>>
        %dma_wait3A_448 = tpu.memref_squeeze %dma_wait3A_447 : memref<1x1x1x128xi32, #tpu.memory_space<vmem>> -> memref<128xi32, #tpu.memory_space<vmem>>
        %dma_wait3A_449 = arith.constant 0 : i32
        %dma_wait3A_450 = arith.constant 0 : i32
        %dma_wait3A_451 = tpu.memref_slice %arg2[%dma_wait3A_449, %dma_wait3A_450] : memref<10000x128xf32, #tpu.memory_space<hbm>> -> memref<10000x128xf32, #tpu.memory_space<hbm>>
        tpu.wait_indirect_dma semaphore(%arg12 : memref<!tpu.dma_semaphore, #tpu.memory_space<semaphore_mem>>) src(%dma_wait3A_451 : memref<10000x128xf32, #tpu.memory_space<hbm>>) dst(%arg9 : memref<128x128xf32, #tpu.memory_space<vmem>>)
        %sub3A_452 = arith.constant 1 : i32
        %sub3A_453 = arith.subi %sub3A_452, %arg0 : i32
        %dma_start3A_454 = arith.constant 4 : i32
        %dma_start3A_455 = arith.constant 0 : i32
        %dma_start3A_456 = tpu.memref_slice %arg8[%select_n3A_246, %sub3A_453, %dma_start3A_454, %dma_start3A_455] : memref<2x2x8x128xi32, #tpu.memory_space<vmem>> -> memref<1x1x1x128xi32, #tpu.memory_space<vmem>>
        %dma_start3A_457 = tpu.memref_squeeze %dma_start3A_456 : memref<1x1x1x128xi32, #tpu.memory_space<vmem>> -> memref<128xi32, #tpu.memory_space<vmem>>
        %dma_start3A_458 = arith.constant 0 : i32
        %dma_start3A_459 = arith.constant 0 : i32
        %dma_start3A_460 = tpu.memref_slice %arg11[%dma_start3A_458, %dma_start3A_459] : memref<10000x128xf32, #tpu.memory_space<vmem_shared>> -> memref<10000x128xf32, #tpu.memory_space<vmem_shared>>
        tpu.enqueue_indirect_dma source(%arg9 : memref<128x128xf32, #tpu.memory_space<vmem>>) target(%dma_start3A_460 : memref<10000x128xf32, #tpu.memory_space<vmem_shared>>) offsets(%dma_start3A_457 : memref<128xi32, #tpu.memory_space<vmem>>) semaphore(%arg14 : memref<!tpu.dma_semaphore, #tpu.memory_space<semaphore_mem>>) {add = true}
        %sub3A_461 = arith.constant 1 : i32
        %sub3A_462 = arith.subi %sub3A_461, %arg0 : i32
        %dma_start3A_463 = arith.constant 4 : i32
        %dma_start3A_464 = arith.constant 0 : i32
        %dma_start3A_465 = tpu.memref_slice %arg8[%select_n3A_246, %sub3A_462, %dma_start3A_463, %dma_start3A_464] : memref<2x2x8x128xi32, #tpu.memory_space<vmem>> -> memref<1x1x1x128xi32, #tpu.memory_space<vmem>>
        %dma_start3A_466 = tpu.memref_squeeze %dma_start3A_465 : memref<1x1x1x128xi32, #tpu.memory_space<vmem>> -> memref<128xi32, #tpu.memory_space<vmem>>
        %dma_start3A_467 = arith.constant 0 : i32
        %dma_start3A_468 = tpu.memref_slice %arg18[%dma_start3A_467] : memref<10240xf32, #tpu.memory_space<vmem_shared>> -> memref<10240xf32, #tpu.memory_space<vmem_shared>>
        tpu.enqueue_indirect_dma source(%arg17 : memref<128xf32, #tpu.memory_space<vmem>>) target(%dma_start3A_468 : memref<10240xf32, #tpu.memory_space<vmem_shared>>) offsets(%dma_start3A_466 : memref<128xi32, #tpu.memory_space<vmem>>) semaphore(%arg19 : memref<!tpu.dma_semaphore, #tpu.memory_space<semaphore_mem>>) {add = true}
      } else {
      }
      %add3A_374 = arith.constant 5 : i32
      %add3A_375 = arith.addi %mul3A_248, %add3A_374 : i32
      %sub3A_376 = arith.constant 1 : i32
      %sub3A_377 = arith.subi %add3A_375, %sub3A_376 : i32
      %lt3A_378 = arith.constant 2500 : i32
      %lt3A_379 = arith.cmpi slt, %sub3A_377, %lt3A_378 : i32
      %convert_element_type3A_380 = arith.extui %lt3A_379 : i1 to i32
      %cond3A_381 = arith.constant 0 : i32
      %cond3A_382 = arith.cmpi ne, %convert_element_type3A_380, %cond3A_381 : i32
      scf.if %cond3A_382 {
        %sub3A_446 = arith.constant 1 : i32
        %sub3A_447 = arith.subi %sub3A_446, %arg0 : i32
        %dma_wait3A = arith.constant 4 : i32
        %dma_wait3A_448 = arith.constant 0 : i32
        %dma_wait3A_449 = tpu.memref_slice %arg8[%select_n3A_246, %sub3A_447, %dma_wait3A, %dma_wait3A_448] : memref<2x2x8x128xi32, #tpu.memory_space<vmem>> -> memref<1x1x1x128xi32, #tpu.memory_space<vmem>>
        %dma_wait3A_450 = tpu.memref_squeeze %dma_wait3A_449 : memref<1x1x1x128xi32, #tpu.memory_space<vmem>> -> memref<128xi32, #tpu.memory_space<vmem>>
        %dma_wait3A_451 = arith.constant 0 : i32
        %dma_wait3A_452 = arith.constant 0 : i32
        %dma_wait3A_453 = tpu.memref_slice %arg11[%dma_wait3A_451, %dma_wait3A_452] : memref<10000x128xf32, #tpu.memory_space<vmem_shared>> -> memref<10000x128xf32, #tpu.memory_space<vmem_shared>>
        tpu.wait_indirect_dma semaphore(%arg14 : memref<!tpu.dma_semaphore, #tpu.memory_space<semaphore_mem>>) src(%arg9 : memref<128x128xf32, #tpu.memory_space<vmem>>) dst(%dma_wait3A_453 : memref<10000x128xf32, #tpu.memory_space<vmem_shared>>)
      } else {
      }
      %add3A_383 = arith.constant 5 : i32
      %add3A_384 = arith.addi %mul3A_248, %add3A_383 : i32
      %add3A_385 = arith.constant 1 : i32
      %add3A_386 = arith.addi %add3A_384, %add3A_385 : i32
      %lt3A_387 = arith.constant 2500 : i32
      %lt3A_388 = arith.cmpi slt, %add3A_386, %lt3A_387 : i32
      %convert_element_type3A_389 = arith.extui %lt3A_388 : i1 to i32
      %cond3A_390 = arith.constant 0 : i32
      %cond3A_391 = arith.cmpi ne, %convert_element_type3A_389, %cond3A_390 : i32
      scf.if %cond3A_391 {
        %dma_start3A_446 = arith.constant 6 : i32
        %dma_start3A_447 = arith.constant 0 : i32
        %dma_start3A_448 = tpu.memref_slice %arg8[%select_n3A_246, %arg0, %dma_start3A_446, %dma_start3A_447] : memref<2x2x8x128xi32, #tpu.memory_space<vmem>> -> memref<1x1x1x128xi32, #tpu.memory_space<vmem>>
        %dma_start3A_449 = tpu.memref_squeeze %dma_start3A_448 : memref<1x1x1x128xi32, #tpu.memory_space<vmem>> -> memref<128xi32, #tpu.memory_space<vmem>>
        %dma_start3A_450 = arith.constant 0 : i32
        %dma_start3A_451 = arith.constant 0 : i32
        %dma_start3A_452 = tpu.memref_slice %arg2[%dma_start3A_450, %dma_start3A_451] : memref<10000x128xf32, #tpu.memory_space<hbm>> -> memref<10000x128xf32, #tpu.memory_space<hbm>>
        tpu.enqueue_indirect_dma source(%dma_start3A_452 : memref<10000x128xf32, #tpu.memory_space<hbm>>) target(%arg9 : memref<128x128xf32, #tpu.memory_space<vmem>>) offsets(%dma_start3A_449 : memref<128xi32, #tpu.memory_space<vmem>>) semaphore(%arg12 : memref<!tpu.dma_semaphore, #tpu.memory_space<semaphore_mem>>)
      } else {
      }
      %add3A_392 = arith.constant 5 : i32
      %add3A_393 = arith.addi %mul3A_248, %add3A_392 : i32
      %lt3A_394 = arith.constant 2500 : i32
      %lt3A_395 = arith.cmpi slt, %add3A_393, %lt3A_394 : i32
      %convert_element_type3A_396 = arith.extui %lt3A_395 : i1 to i32
      %cond3A_397 = arith.constant 0 : i32
      %cond3A_398 = arith.cmpi ne, %convert_element_type3A_396, %cond3A_397 : i32
      scf.if %cond3A_398 {
        %dma_wait3A = arith.constant 5 : i32
        %dma_wait3A_446 = arith.constant 0 : i32
        %dma_wait3A_447 = tpu.memref_slice %arg8[%select_n3A_246, %arg0, %dma_wait3A, %dma_wait3A_446] : memref<2x2x8x128xi32, #tpu.memory_space<vmem>> -> memref<1x1x1x128xi32, #tpu.memory_space<vmem>>
        %dma_wait3A_448 = tpu.memref_squeeze %dma_wait3A_447 : memref<1x1x1x128xi32, #tpu.memory_space<vmem>> -> memref<128xi32, #tpu.memory_space<vmem>>
        %dma_wait3A_449 = arith.constant 0 : i32
        %dma_wait3A_450 = arith.constant 0 : i32
        %dma_wait3A_451 = tpu.memref_slice %arg2[%dma_wait3A_449, %dma_wait3A_450] : memref<10000x128xf32, #tpu.memory_space<hbm>> -> memref<10000x128xf32, #tpu.memory_space<hbm>>
        tpu.wait_indirect_dma semaphore(%arg13 : memref<!tpu.dma_semaphore, #tpu.memory_space<semaphore_mem>>) src(%dma_wait3A_451 : memref<10000x128xf32, #tpu.memory_space<hbm>>) dst(%arg10 : memref<128x128xf32, #tpu.memory_space<vmem>>)
        %sub3A_452 = arith.constant 1 : i32
        %sub3A_453 = arith.subi %sub3A_452, %arg0 : i32
        %dma_start3A_454 = arith.constant 5 : i32
        %dma_start3A_455 = arith.constant 0 : i32
        %dma_start3A_456 = tpu.memref_slice %arg8[%select_n3A_246, %sub3A_453, %dma_start3A_454, %dma_start3A_455] : memref<2x2x8x128xi32, #tpu.memory_space<vmem>> -> memref<1x1x1x128xi32, #tpu.memory_space<vmem>>
        %dma_start3A_457 = tpu.memref_squeeze %dma_start3A_456 : memref<1x1x1x128xi32, #tpu.memory_space<vmem>> -> memref<128xi32, #tpu.memory_space<vmem>>
        %dma_start3A_458 = arith.constant 0 : i32
        %dma_start3A_459 = arith.constant 0 : i32
        %dma_start3A_460 = tpu.memref_slice %arg11[%dma_start3A_458, %dma_start3A_459] : memref<10000x128xf32, #tpu.memory_space<vmem_shared>> -> memref<10000x128xf32, #tpu.memory_space<vmem_shared>>
        tpu.enqueue_indirect_dma source(%arg10 : memref<128x128xf32, #tpu.memory_space<vmem>>) target(%dma_start3A_460 : memref<10000x128xf32, #tpu.memory_space<vmem_shared>>) offsets(%dma_start3A_457 : memref<128xi32, #tpu.memory_space<vmem>>) semaphore(%arg15 : memref<!tpu.dma_semaphore, #tpu.memory_space<semaphore_mem>>) {add = true}
        %sub3A_461 = arith.constant 1 : i32
        %sub3A_462 = arith.subi %sub3A_461, %arg0 : i32
        %dma_start3A_463 = arith.constant 5 : i32
        %dma_start3A_464 = arith.constant 0 : i32
        %dma_start3A_465 = tpu.memref_slice %arg8[%select_n3A_246, %sub3A_462, %dma_start3A_463, %dma_start3A_464] : memref<2x2x8x128xi32, #tpu.memory_space<vmem>> -> memref<1x1x1x128xi32, #tpu.memory_space<vmem>>
        %dma_start3A_466 = tpu.memref_squeeze %dma_start3A_465 : memref<1x1x1x128xi32, #tpu.memory_space<vmem>> -> memref<128xi32, #tpu.memory_space<vmem>>
        %dma_start3A_467 = arith.constant 0 : i32
        %dma_start3A_468 = tpu.memref_slice %arg18[%dma_start3A_467] : memref<10240xf32, #tpu.memory_space<vmem_shared>> -> memref<10240xf32, #tpu.memory_space<vmem_shared>>
        tpu.enqueue_indirect_dma source(%arg17 : memref<128xf32, #tpu.memory_space<vmem>>) target(%dma_start3A_468 : memref<10240xf32, #tpu.memory_space<vmem_shared>>) offsets(%dma_start3A_466 : memref<128xi32, #tpu.memory_space<vmem>>) semaphore(%arg19 : memref<!tpu.dma_semaphore, #tpu.memory_space<semaphore_mem>>) {add = true}
      } else {
      }
      %add3A_399 = arith.constant 6 : i32
      %add3A_400 = arith.addi %mul3A_248, %add3A_399 : i32
      %sub3A_401 = arith.constant 1 : i32
      %sub3A_402 = arith.subi %add3A_400, %sub3A_401 : i32
      %lt3A_403 = arith.constant 2500 : i32
      %lt3A_404 = arith.cmpi slt, %sub3A_402, %lt3A_403 : i32
      %convert_element_type3A_405 = arith.extui %lt3A_404 : i1 to i32
      %cond3A_406 = arith.constant 0 : i32
      %cond3A_407 = arith.cmpi ne, %convert_element_type3A_405, %cond3A_406 : i32
      scf.if %cond3A_407 {
        %sub3A_446 = arith.constant 1 : i32
        %sub3A_447 = arith.subi %sub3A_446, %arg0 : i32
        %dma_wait3A = arith.constant 5 : i32
        %dma_wait3A_448 = arith.constant 0 : i32
        %dma_wait3A_449 = tpu.memref_slice %arg8[%select_n3A_246, %sub3A_447, %dma_wait3A, %dma_wait3A_448] : memref<2x2x8x128xi32, #tpu.memory_space<vmem>> -> memref<1x1x1x128xi32, #tpu.memory_space<vmem>>
        %dma_wait3A_450 = tpu.memref_squeeze %dma_wait3A_449 : memref<1x1x1x128xi32, #tpu.memory_space<vmem>> -> memref<128xi32, #tpu.memory_space<vmem>>
        %dma_wait3A_451 = arith.constant 0 : i32
        %dma_wait3A_452 = arith.constant 0 : i32
        %dma_wait3A_453 = tpu.memref_slice %arg11[%dma_wait3A_451, %dma_wait3A_452] : memref<10000x128xf32, #tpu.memory_space<vmem_shared>> -> memref<10000x128xf32, #tpu.memory_space<vmem_shared>>
        tpu.wait_indirect_dma semaphore(%arg15 : memref<!tpu.dma_semaphore, #tpu.memory_space<semaphore_mem>>) src(%arg10 : memref<128x128xf32, #tpu.memory_space<vmem>>) dst(%dma_wait3A_453 : memref<10000x128xf32, #tpu.memory_space<vmem_shared>>)
      } else {
      }
      %add3A_408 = arith.constant 6 : i32
      %add3A_409 = arith.addi %mul3A_248, %add3A_408 : i32
      %add3A_410 = arith.constant 1 : i32
      %add3A_411 = arith.addi %add3A_409, %add3A_410 : i32
      %lt3A_412 = arith.constant 2500 : i32
      %lt3A_413 = arith.cmpi slt, %add3A_411, %lt3A_412 : i32
      %convert_element_type3A_414 = arith.extui %lt3A_413 : i1 to i32
      %cond3A_415 = arith.constant 0 : i32
      %cond3A_416 = arith.cmpi ne, %convert_element_type3A_414, %cond3A_415 : i32
      scf.if %cond3A_416 {
        %dma_start3A_446 = arith.constant 7 : i32
        %dma_start3A_447 = arith.constant 0 : i32
        %dma_start3A_448 = tpu.memref_slice %arg8[%select_n3A_246, %arg0, %dma_start3A_446, %dma_start3A_447] : memref<2x2x8x128xi32, #tpu.memory_space<vmem>> -> memref<1x1x1x128xi32, #tpu.memory_space<vmem>>
        %dma_start3A_449 = tpu.memref_squeeze %dma_start3A_448 : memref<1x1x1x128xi32, #tpu.memory_space<vmem>> -> memref<128xi32, #tpu.memory_space<vmem>>
        %dma_start3A_450 = arith.constant 0 : i32
        %dma_start3A_451 = arith.constant 0 : i32
        %dma_start3A_452 = tpu.memref_slice %arg2[%dma_start3A_450, %dma_start3A_451] : memref<10000x128xf32, #tpu.memory_space<hbm>> -> memref<10000x128xf32, #tpu.memory_space<hbm>>
        tpu.enqueue_indirect_dma source(%dma_start3A_452 : memref<10000x128xf32, #tpu.memory_space<hbm>>) target(%arg10 : memref<128x128xf32, #tpu.memory_space<vmem>>) offsets(%dma_start3A_449 : memref<128xi32, #tpu.memory_space<vmem>>) semaphore(%arg13 : memref<!tpu.dma_semaphore, #tpu.memory_space<semaphore_mem>>)
      } else {
      }
      %add3A_417 = arith.constant 6 : i32
      %add3A_418 = arith.addi %mul3A_248, %add3A_417 : i32
      %lt3A_419 = arith.constant 2500 : i32
      %lt3A_420 = arith.cmpi slt, %add3A_418, %lt3A_419 : i32
      %convert_element_type3A_421 = arith.extui %lt3A_420 : i1 to i32
      %cond3A_422 = arith.constant 0 : i32
      %cond3A_423 = arith.cmpi ne, %convert_element_type3A_421, %cond3A_422 : i32
      scf.if %cond3A_423 {
        %dma_wait3A = arith.constant 6 : i32
        %dma_wait3A_446 = arith.constant 0 : i32
        %dma_wait3A_447 = tpu.memref_slice %arg8[%select_n3A_246, %arg0, %dma_wait3A, %dma_wait3A_446] : memref<2x2x8x128xi32, #tpu.memory_space<vmem>> -> memref<1x1x1x128xi32, #tpu.memory_space<vmem>>
        %dma_wait3A_448 = tpu.memref_squeeze %dma_wait3A_447 : memref<1x1x1x128xi32, #tpu.memory_space<vmem>> -> memref<128xi32, #tpu.memory_space<vmem>>
        %dma_wait3A_449 = arith.constant 0 : i32
        %dma_wait3A_450 = arith.constant 0 : i32
        %dma_wait3A_451 = tpu.memref_slice %arg2[%dma_wait3A_449, %dma_wait3A_450] : memref<10000x128xf32, #tpu.memory_space<hbm>> -> memref<10000x128xf32, #tpu.memory_space<hbm>>
        tpu.wait_indirect_dma semaphore(%arg12 : memref<!tpu.dma_semaphore, #tpu.memory_space<semaphore_mem>>) src(%dma_wait3A_451 : memref<10000x128xf32, #tpu.memory_space<hbm>>) dst(%arg9 : memref<128x128xf32, #tpu.memory_space<vmem>>)
        %sub3A_452 = arith.constant 1 : i32
        %sub3A_453 = arith.subi %sub3A_452, %arg0 : i32
        %dma_start3A_454 = arith.constant 6 : i32
        %dma_start3A_455 = arith.constant 0 : i32
        %dma_start3A_456 = tpu.memref_slice %arg8[%select_n3A_246, %sub3A_453, %dma_start3A_454, %dma_start3A_455] : memref<2x2x8x128xi32, #tpu.memory_space<vmem>> -> memref<1x1x1x128xi32, #tpu.memory_space<vmem>>
        %dma_start3A_457 = tpu.memref_squeeze %dma_start3A_456 : memref<1x1x1x128xi32, #tpu.memory_space<vmem>> -> memref<128xi32, #tpu.memory_space<vmem>>
        %dma_start3A_458 = arith.constant 0 : i32
        %dma_start3A_459 = arith.constant 0 : i32
        %dma_start3A_460 = tpu.memref_slice %arg11[%dma_start3A_458, %dma_start3A_459] : memref<10000x128xf32, #tpu.memory_space<vmem_shared>> -> memref<10000x128xf32, #tpu.memory_space<vmem_shared>>
        tpu.enqueue_indirect_dma source(%arg9 : memref<128x128xf32, #tpu.memory_space<vmem>>) target(%dma_start3A_460 : memref<10000x128xf32, #tpu.memory_space<vmem_shared>>) offsets(%dma_start3A_457 : memref<128xi32, #tpu.memory_space<vmem>>) semaphore(%arg14 : memref<!tpu.dma_semaphore, #tpu.memory_space<semaphore_mem>>) {add = true}
        %sub3A_461 = arith.constant 1 : i32
        %sub3A_462 = arith.subi %sub3A_461, %arg0 : i32
        %dma_start3A_463 = arith.constant 6 : i32
        %dma_start3A_464 = arith.constant 0 : i32
        %dma_start3A_465 = tpu.memref_slice %arg8[%select_n3A_246, %sub3A_462, %dma_start3A_463, %dma_start3A_464] : memref<2x2x8x128xi32, #tpu.memory_space<vmem>> -> memref<1x1x1x128xi32, #tpu.memory_space<vmem>>
        %dma_start3A_466 = tpu.memref_squeeze %dma_start3A_465 : memref<1x1x1x128xi32, #tpu.memory_space<vmem>> -> memref<128xi32, #tpu.memory_space<vmem>>
        %dma_start3A_467 = arith.constant 0 : i32
        %dma_start3A_468 = tpu.memref_slice %arg18[%dma_start3A_467] : memref<10240xf32, #tpu.memory_space<vmem_shared>> -> memref<10240xf32, #tpu.memory_space<vmem_shared>>
        tpu.enqueue_indirect_dma source(%arg17 : memref<128xf32, #tpu.memory_space<vmem>>) target(%dma_start3A_468 : memref<10240xf32, #tpu.memory_space<vmem_shared>>) offsets(%dma_start3A_466 : memref<128xi32, #tpu.memory_space<vmem>>) semaphore(%arg19 : memref<!tpu.dma_semaphore, #tpu.memory_space<semaphore_mem>>) {add = true}
      } else {
      }
      %add3A_424 = arith.constant 7 : i32
      %add3A_425 = arith.addi %mul3A_248, %add3A_424 : i32
      %sub3A_426 = arith.constant 1 : i32
      %sub3A_427 = arith.subi %add3A_425, %sub3A_426 : i32
      %lt3A_428 = arith.constant 2500 : i32
      %lt3A_429 = arith.cmpi slt, %sub3A_427, %lt3A_428 : i32
      %convert_element_type3A_430 = arith.extui %lt3A_429 : i1 to i32
      %cond3A_431 = arith.constant 0 : i32
      %cond3A_432 = arith.cmpi ne, %convert_element_type3A_430, %cond3A_431 : i32
      scf.if %cond3A_432 {
        %sub3A_446 = arith.constant 1 : i32
        %sub3A_447 = arith.subi %sub3A_446, %arg0 : i32
        %dma_wait3A = arith.constant 6 : i32
        %dma_wait3A_448 = arith.constant 0 : i32
        %dma_wait3A_449 = tpu.memref_slice %arg8[%select_n3A_246, %sub3A_447, %dma_wait3A, %dma_wait3A_448] : memref<2x2x8x128xi32, #tpu.memory_space<vmem>> -> memref<1x1x1x128xi32, #tpu.memory_space<vmem>>
        %dma_wait3A_450 = tpu.memref_squeeze %dma_wait3A_449 : memref<1x1x1x128xi32, #tpu.memory_space<vmem>> -> memref<128xi32, #tpu.memory_space<vmem>>
        %dma_wait3A_451 = arith.constant 0 : i32
        %dma_wait3A_452 = arith.constant 0 : i32
        %dma_wait3A_453 = tpu.memref_slice %arg11[%dma_wait3A_451, %dma_wait3A_452] : memref<10000x128xf32, #tpu.memory_space<vmem_shared>> -> memref<10000x128xf32, #tpu.memory_space<vmem_shared>>
        tpu.wait_indirect_dma semaphore(%arg14 : memref<!tpu.dma_semaphore, #tpu.memory_space<semaphore_mem>>) src(%arg9 : memref<128x128xf32, #tpu.memory_space<vmem>>) dst(%dma_wait3A_453 : memref<10000x128xf32, #tpu.memory_space<vmem_shared>>)
      } else {
      }
      %add3A_433 = arith.constant 1 : i32
      %add3A_434 = arith.addi %while3A_229, %add3A_433 : i32
      %lt3A_435 = arith.cmpi slt, %add3A_434, %select_n3A_43 : i32
      %convert_element_type3A_436 = arith.extui %lt3A_435 : i1 to i32
      %cond3A_437 = arith.constant 0 : i32
      %cond3A_438 = arith.cmpi ne, %convert_element_type3A_436, %cond3A_437 : i32
      scf.if %cond3A_438 {
        %add3A_446 = arith.constant 1 : i32
        %add3A_447 = arith.addi %while3A_229, %add3A_446 : i32
        %mul3A_448 = arith.constant 8 : i32
        %mul3A_449 = arith.muli %add3A_447, %mul3A_448 : i32
        %sub3A_450 = arith.constant 1 : i32
        %sub3A_451 = arith.subi %sub3A_450, %select_n3A_246 : i32
        %dma_wait3A = arith.constant 0 : i32
        %dma_wait3A_452 = arith.constant 0 : i32
        %dma_wait3A_453 = arith.constant 0 : i32
        %dma_wait3A_454 = tpu.memref_slice %arg8[%sub3A_451, %dma_wait3A, %dma_wait3A_452, %dma_wait3A_453] : memref<2x2x8x128xi32, #tpu.memory_space<vmem>> -> memref<1x2x8x128xi32, #tpu.memory_space<vmem>>
        %dma_wait3A_455 = tpu.memref_squeeze %dma_wait3A_454 : memref<1x2x8x128xi32, #tpu.memory_space<vmem>> -> memref<2x8x128xi32, #tpu.memory_space<vmem>>
        %dma_wait3A_456 = arith.constant 0 : i32
        %dma_wait3A_457 = arith.constant 0 : i32
        %dma_wait3A_458 = tpu.memref_slice %arg3[%dma_wait3A_456, %mul3A_449, %dma_wait3A_457] : memref<2x2504x128xi32, #tpu.memory_space<hbm>> -> memref<2x8x128xi32, #tpu.memory_space<hbm>>
        %dma_wait3A_459 = arith.constant 0 : i32
        %dma_wait3A_460 = arith.constant 0 : i32
        %dma_wait3A_461 = arith.constant 0 : i32
        %dma_wait3A_462 = tpu.memref_slice %arg8[%sub3A_451, %dma_wait3A_459, %dma_wait3A_460, %dma_wait3A_461] : memref<2x2x8x128xi32, #tpu.memory_space<vmem>> -> memref<1x2x8x128xi32, #tpu.memory_space<vmem>>
        %dma_wait3A_463 = tpu.memref_squeeze %dma_wait3A_462 : memref<1x2x8x128xi32, #tpu.memory_space<vmem>> -> memref<2x8x128xi32, #tpu.memory_space<vmem>>
        %dma_wait3A_464 = arith.constant 0 : i32
        %dma_wait3A_465 = arith.constant 0 : i32
        %dma_wait3A_466 = tpu.memref_slice %arg3[%dma_wait3A_464, %mul3A_449, %dma_wait3A_465] : memref<2x2504x128xi32, #tpu.memory_space<hbm>> -> memref<2x8x128xi32, #tpu.memory_space<hbm>>
        tpu.wait_dma2 semaphore(%arg16 : memref<!tpu.dma_semaphore, #tpu.memory_space<semaphore_mem>>) src(%dma_wait3A_466 : memref<2x8x128xi32, #tpu.memory_space<hbm>>) dst(%dma_wait3A_463 : memref<2x8x128xi32, #tpu.memory_space<vmem>>)
        %sub3A_467 = arith.constant 1 : i32
        %sub3A_468 = arith.subi %sub3A_467, %select_n3A_246 : i32
        %dma_start3A_469 = arith.constant 0 : i32
        %dma_start3A_470 = arith.constant 0 : i32
        %dma_start3A_471 = tpu.memref_slice %arg8[%sub3A_468, %arg0, %dma_start3A_469, %dma_start3A_470] : memref<2x2x8x128xi32, #tpu.memory_space<vmem>> -> memref<1x1x1x128xi32, #tpu.memory_space<vmem>>
        %dma_start3A_472 = tpu.memref_squeeze %dma_start3A_471 : memref<1x1x1x128xi32, #tpu.memory_space<vmem>> -> memref<128xi32, #tpu.memory_space<vmem>>
        %dma_start3A_473 = arith.constant 0 : i32
        %dma_start3A_474 = arith.constant 0 : i32
        %dma_start3A_475 = tpu.memref_slice %arg2[%dma_start3A_473, %dma_start3A_474] : memref<10000x128xf32, #tpu.memory_space<hbm>> -> memref<10000x128xf32, #tpu.memory_space<hbm>>
        tpu.enqueue_indirect_dma source(%dma_start3A_475 : memref<10000x128xf32, #tpu.memory_space<hbm>>) target(%arg9 : memref<128x128xf32, #tpu.memory_space<vmem>>) offsets(%dma_start3A_472 : memref<128xi32, #tpu.memory_space<vmem>>) semaphore(%arg12 : memref<!tpu.dma_semaphore, #tpu.memory_space<semaphore_mem>>)
      } else {
      }
      %add3A_439 = arith.constant 7 : i32
      %add3A_440 = arith.addi %mul3A_248, %add3A_439 : i32
      %lt3A_441 = arith.constant 2500 : i32
      %lt3A_442 = arith.cmpi slt, %add3A_440, %lt3A_441 : i32
      %convert_element_type3A_443 = arith.extui %lt3A_442 : i1 to i32
      %cond3A_444 = arith.constant 0 : i32
      %cond3A_445 = arith.cmpi ne, %convert_element_type3A_443, %cond3A_444 : i32
      scf.if %cond3A_445 {
        %dma_wait3A = arith.constant 7 : i32
        %dma_wait3A_446 = arith.constant 0 : i32
        %dma_wait3A_447 = tpu.memref_slice %arg8[%select_n3A_246, %arg0, %dma_wait3A, %dma_wait3A_446] : memref<2x2x8x128xi32, #tpu.memory_space<vmem>> -> memref<1x1x1x128xi32, #tpu.memory_space<vmem>>
        %dma_wait3A_448 = tpu.memref_squeeze %dma_wait3A_447 : memref<1x1x1x128xi32, #tpu.memory_space<vmem>> -> memref<128xi32, #tpu.memory_space<vmem>>
        %dma_wait3A_449 = arith.constant 0 : i32
        %dma_wait3A_450 = arith.constant 0 : i32
        %dma_wait3A_451 = tpu.memref_slice %arg2[%dma_wait3A_449, %dma_wait3A_450] : memref<10000x128xf32, #tpu.memory_space<hbm>> -> memref<10000x128xf32, #tpu.memory_space<hbm>>
        tpu.wait_indirect_dma semaphore(%arg13 : memref<!tpu.dma_semaphore, #tpu.memory_space<semaphore_mem>>) src(%dma_wait3A_451 : memref<10000x128xf32, #tpu.memory_space<hbm>>) dst(%arg10 : memref<128x128xf32, #tpu.memory_space<vmem>>)
        %sub3A_452 = arith.constant 1 : i32
        %sub3A_453 = arith.subi %sub3A_452, %arg0 : i32
        %dma_start3A_454 = arith.constant 7 : i32
        %dma_start3A_455 = arith.constant 0 : i32
        %dma_start3A_456 = tpu.memref_slice %arg8[%select_n3A_246, %sub3A_453, %dma_start3A_454, %dma_start3A_455] : memref<2x2x8x128xi32, #tpu.memory_space<vmem>> -> memref<1x1x1x128xi32, #tpu.memory_space<vmem>>
        %dma_start3A_457 = tpu.memref_squeeze %dma_start3A_456 : memref<1x1x1x128xi32, #tpu.memory_space<vmem>> -> memref<128xi32, #tpu.memory_space<vmem>>
        %dma_start3A_458 = arith.constant 0 : i32
        %dma_start3A_459 = arith.constant 0 : i32
        %dma_start3A_460 = tpu.memref_slice %arg11[%dma_start3A_458, %dma_start3A_459] : memref<10000x128xf32, #tpu.memory_space<vmem_shared>> -> memref<10000x128xf32, #tpu.memory_space<vmem_shared>>
        tpu.enqueue_indirect_dma source(%arg10 : memref<128x128xf32, #tpu.memory_space<vmem>>) target(%dma_start3A_460 : memref<10000x128xf32, #tpu.memory_space<vmem_shared>>) offsets(%dma_start3A_457 : memref<128xi32, #tpu.memory_space<vmem>>) semaphore(%arg15 : memref<!tpu.dma_semaphore, #tpu.memory_space<semaphore_mem>>) {add = true}
        %sub3A_461 = arith.constant 1 : i32
        %sub3A_462 = arith.subi %sub3A_461, %arg0 : i32
        %dma_start3A_463 = arith.constant 7 : i32
        %dma_start3A_464 = arith.constant 0 : i32
        %dma_start3A_465 = tpu.memref_slice %arg8[%select_n3A_246, %sub3A_462, %dma_start3A_463, %dma_start3A_464] : memref<2x2x8x128xi32, #tpu.memory_space<vmem>> -> memref<1x1x1x128xi32, #tpu.memory_space<vmem>>
        %dma_start3A_466 = tpu.memref_squeeze %dma_start3A_465 : memref<1x1x1x128xi32, #tpu.memory_space<vmem>> -> memref<128xi32, #tpu.memory_space<vmem>>
        %dma_start3A_467 = arith.constant 0 : i32
        %dma_start3A_468 = tpu.memref_slice %arg18[%dma_start3A_467] : memref<10240xf32, #tpu.memory_space<vmem_shared>> -> memref<10240xf32, #tpu.memory_space<vmem_shared>>
        tpu.enqueue_indirect_dma source(%arg17 : memref<128xf32, #tpu.memory_space<vmem>>) target(%dma_start3A_468 : memref<10240xf32, #tpu.memory_space<vmem_shared>>) offsets(%dma_start3A_466 : memref<128xi32, #tpu.memory_space<vmem>>) semaphore(%arg19 : memref<!tpu.dma_semaphore, #tpu.memory_space<semaphore_mem>>) {add = true}
      } else {
      }
    }
    %mul3A_111 = arith.constant 8 : i32
    %mul3A_112 = arith.muli %select_n3A_43, %mul3A_111 : i32
    %le3A = arith.constant 2500 : i32
    %le3A_113 = arith.cmpi sle, %mul3A_112, %le3A : i32
    %convert_element_type3A = arith.extui %le3A_113 : i1 to i32
    %cond3A = arith.constant 0 : i32
    %cond3A_114 = arith.cmpi ne, %convert_element_type3A, %cond3A : i32
    scf.if %cond3A_114 {
      %sub3A_229 = arith.constant 1 : i32
      %sub3A_230 = arith.subi %select_n3A_43, %sub3A_229 : i32
      %sub3A_231 = arith.subi %sub3A_230, %select_n3A : i32
      %jit3A_232 = arith.constant 2 : i32
      %eq3A_233 = arith.constant 0 : i32
      %eq3A_234 = arith.cmpi eq, %jit3A_232, %eq3A_233 : i32
      %jit3A_235 = arith.constant 1 : i32
      %select_n3A_236 = arith.select %eq3A_234, %jit3A_235, %jit3A_232 : i32
      %rem3A_237 = arith.remsi %sub3A_231, %select_n3A_236 : i32
      %ne3A_238 = arith.constant 0 : i32
      %ne3A_239 = arith.cmpi ne, %rem3A_237, %ne3A_238 : i32
      %lt3A_240 = arith.constant 0 : i32
      %lt3A_241 = arith.cmpi slt, %rem3A_237, %lt3A_240 : i32
      %lt3A_242 = arith.constant 0 : i32
      %lt3A_243 = arith.cmpi slt, %select_n3A_236, %lt3A_242 : i32
      %ne3A_244 = arith.xori %lt3A_241, %lt3A_243 : i1
      %and3A_245 = arith.andi %ne3A_244, %ne3A_239 : i1
      %add3A_246 = arith.addi %rem3A_237, %select_n3A_236 : i32
      %select_n3A_247 = arith.select %and3A_245, %add3A_246, %rem3A_237 : i32
      %sub3A_248 = arith.constant 1 : i32
      %sub3A_249 = arith.subi %sub3A_248, %arg0 : i32
      %dma_wait3A = arith.constant 7 : i32
      %dma_wait3A_250 = arith.constant 0 : i32
      %dma_wait3A_251 = tpu.memref_slice %arg8[%select_n3A_247, %sub3A_249, %dma_wait3A, %dma_wait3A_250] : memref<2x2x8x128xi32, #tpu.memory_space<vmem>> -> memref<1x1x1x128xi32, #tpu.memory_space<vmem>>
      %dma_wait3A_252 = tpu.memref_squeeze %dma_wait3A_251 : memref<1x1x1x128xi32, #tpu.memory_space<vmem>> -> memref<128xi32, #tpu.memory_space<vmem>>
      %dma_wait3A_253 = arith.constant 0 : i32
      %dma_wait3A_254 = arith.constant 0 : i32
      %dma_wait3A_255 = tpu.memref_slice %arg11[%dma_wait3A_253, %dma_wait3A_254] : memref<10000x128xf32, #tpu.memory_space<vmem_shared>> -> memref<10000x128xf32, #tpu.memory_space<vmem_shared>>
      tpu.wait_indirect_dma semaphore(%arg15 : memref<!tpu.dma_semaphore, #tpu.memory_space<semaphore_mem>>) src(%arg10 : memref<128x128xf32, #tpu.memory_space<vmem>>) dst(%dma_wait3A_255 : memref<10000x128xf32, #tpu.memory_space<vmem_shared>>)
    } else {
    }
    %sub3A_115 = arith.constant 1 : i32
    %sub3A_116 = arith.subi %select_n3A_43, %sub3A_115 : i32
    %sub3A_117 = arith.subi %sub3A_116, %select_n3A : i32
    %jit3A_118 = arith.constant 2 : i32
    %eq3A = arith.constant 0 : i32
    %eq3A_119 = arith.cmpi eq, %jit3A_118, %eq3A : i32
    %jit3A_120 = arith.constant 1 : i32
    %select_n3A_121 = arith.select %eq3A_119, %jit3A_120, %jit3A_118 : i32
    %rem3A_122 = arith.remsi %sub3A_117, %select_n3A_121 : i32
    %ne3A_123 = arith.constant 0 : i32
    %ne3A_124 = arith.cmpi ne, %rem3A_122, %ne3A_123 : i32
    %lt3A = arith.constant 0 : i32
    %lt3A_125 = arith.cmpi slt, %rem3A_122, %lt3A : i32
    %lt3A_126 = arith.constant 0 : i32
    %lt3A_127 = arith.cmpi slt, %select_n3A_121, %lt3A_126 : i32
    %ne3A_128 = arith.xori %lt3A_125, %lt3A_127 : i1
    %and3A_129 = arith.andi %ne3A_128, %ne3A_124 : i1
    %add3A_130 = arith.addi %rem3A_122, %select_n3A_121 : i32
    %select_n3A_131 = arith.select %and3A_129, %add3A_130, %rem3A_122 : i32
    %sub3A_132 = arith.constant 1 : i32
    %sub3A_133 = arith.subi %select_n3A_43, %sub3A_132 : i32
    %mul3A_134 = arith.constant 8 : i32
    %mul3A_135 = arith.muli %sub3A_133, %mul3A_134 : i32
    %add3A_136 = arith.constant 0 : i32
    %add3A_137 = arith.addi %mul3A_135, %add3A_136 : i32
    %lt3A_138 = arith.constant 2500 : i32
    %lt3A_139 = arith.cmpi slt, %add3A_137, %lt3A_138 : i32
    %convert_element_type3A_140 = arith.extui %lt3A_139 : i1 to i32
    %cond3A_141 = arith.constant 0 : i32
    %cond3A_142 = arith.cmpi ne, %convert_element_type3A_140, %cond3A_141 : i32
    scf.if %cond3A_142 {
      %sub3A_229 = arith.constant 1 : i32
      %sub3A_230 = arith.subi %sub3A_229, %arg0 : i32
      %dma_wait3A = arith.constant 0 : i32
      %dma_wait3A_231 = arith.constant 0 : i32
      %dma_wait3A_232 = tpu.memref_slice %arg8[%select_n3A_131, %sub3A_230, %dma_wait3A, %dma_wait3A_231] : memref<2x2x8x128xi32, #tpu.memory_space<vmem>> -> memref<1x1x1x128xi32, #tpu.memory_space<vmem>>
      %dma_wait3A_233 = tpu.memref_squeeze %dma_wait3A_232 : memref<1x1x1x128xi32, #tpu.memory_space<vmem>> -> memref<128xi32, #tpu.memory_space<vmem>>
      %dma_wait3A_234 = arith.constant 0 : i32
      %dma_wait3A_235 = tpu.memref_slice %arg18[%dma_wait3A_234] : memref<10240xf32, #tpu.memory_space<vmem_shared>> -> memref<10240xf32, #tpu.memory_space<vmem_shared>>
      tpu.wait_indirect_dma semaphore(%arg19 : memref<!tpu.dma_semaphore, #tpu.memory_space<semaphore_mem>>) src(%arg17 : memref<128xf32, #tpu.memory_space<vmem>>) dst(%dma_wait3A_235 : memref<10240xf32, #tpu.memory_space<vmem_shared>>)
    } else {
    }
    %sub3A_143 = arith.constant 1 : i32
    %sub3A_144 = arith.subi %select_n3A_43, %sub3A_143 : i32
    %mul3A_145 = arith.constant 8 : i32
    %mul3A_146 = arith.muli %sub3A_144, %mul3A_145 : i32
    %add3A_147 = arith.constant 1 : i32
    %add3A_148 = arith.addi %mul3A_146, %add3A_147 : i32
    %lt3A_149 = arith.constant 2500 : i32
    %lt3A_150 = arith.cmpi slt, %add3A_148, %lt3A_149 : i32
    %convert_element_type3A_151 = arith.extui %lt3A_150 : i1 to i32
    %cond3A_152 = arith.constant 0 : i32
    %cond3A_153 = arith.cmpi ne, %convert_element_type3A_151, %cond3A_152 : i32
    scf.if %cond3A_153 {
      %sub3A_229 = arith.constant 1 : i32
      %sub3A_230 = arith.subi %sub3A_229, %arg0 : i32
      %dma_wait3A = arith.constant 1 : i32
      %dma_wait3A_231 = arith.constant 0 : i32
      %dma_wait3A_232 = tpu.memref_slice %arg8[%select_n3A_131, %sub3A_230, %dma_wait3A, %dma_wait3A_231] : memref<2x2x8x128xi32, #tpu.memory_space<vmem>> -> memref<1x1x1x128xi32, #tpu.memory_space<vmem>>
      %dma_wait3A_233 = tpu.memref_squeeze %dma_wait3A_232 : memref<1x1x1x128xi32, #tpu.memory_space<vmem>> -> memref<128xi32, #tpu.memory_space<vmem>>
      %dma_wait3A_234 = arith.constant 0 : i32
      %dma_wait3A_235 = tpu.memref_slice %arg18[%dma_wait3A_234] : memref<10240xf32, #tpu.memory_space<vmem_shared>> -> memref<10240xf32, #tpu.memory_space<vmem_shared>>
      tpu.wait_indirect_dma semaphore(%arg19 : memref<!tpu.dma_semaphore, #tpu.memory_space<semaphore_mem>>) src(%arg17 : memref<128xf32, #tpu.memory_space<vmem>>) dst(%dma_wait3A_235 : memref<10240xf32, #tpu.memory_space<vmem_shared>>)
    } else {
    }
    %sub3A_154 = arith.constant 1 : i32
    %sub3A_155 = arith.subi %select_n3A_43, %sub3A_154 : i32
    %mul3A_156 = arith.constant 8 : i32
    %mul3A_157 = arith.muli %sub3A_155, %mul3A_156 : i32
    %add3A_158 = arith.constant 2 : i32
    %add3A_159 = arith.addi %mul3A_157, %add3A_158 : i32
    %lt3A_160 = arith.constant 2500 : i32
    %lt3A_161 = arith.cmpi slt, %add3A_159, %lt3A_160 : i32
    %convert_element_type3A_162 = arith.extui %lt3A_161 : i1 to i32
    %cond3A_163 = arith.constant 0 : i32
    %cond3A_164 = arith.cmpi ne, %convert_element_type3A_162, %cond3A_163 : i32
    scf.if %cond3A_164 {
      %sub3A_229 = arith.constant 1 : i32
      %sub3A_230 = arith.subi %sub3A_229, %arg0 : i32
      %dma_wait3A = arith.constant 2 : i32
      %dma_wait3A_231 = arith.constant 0 : i32
      %dma_wait3A_232 = tpu.memref_slice %arg8[%select_n3A_131, %sub3A_230, %dma_wait3A, %dma_wait3A_231] : memref<2x2x8x128xi32, #tpu.memory_space<vmem>> -> memref<1x1x1x128xi32, #tpu.memory_space<vmem>>
      %dma_wait3A_233 = tpu.memref_squeeze %dma_wait3A_232 : memref<1x1x1x128xi32, #tpu.memory_space<vmem>> -> memref<128xi32, #tpu.memory_space<vmem>>
      %dma_wait3A_234 = arith.constant 0 : i32
      %dma_wait3A_235 = tpu.memref_slice %arg18[%dma_wait3A_234] : memref<10240xf32, #tpu.memory_space<vmem_shared>> -> memref<10240xf32, #tpu.memory_space<vmem_shared>>
      tpu.wait_indirect_dma semaphore(%arg19 : memref<!tpu.dma_semaphore, #tpu.memory_space<semaphore_mem>>) src(%arg17 : memref<128xf32, #tpu.memory_space<vmem>>) dst(%dma_wait3A_235 : memref<10240xf32, #tpu.memory_space<vmem_shared>>)
    } else {
    }
    %sub3A_165 = arith.constant 1 : i32
    %sub3A_166 = arith.subi %select_n3A_43, %sub3A_165 : i32
    %mul3A_167 = arith.constant 8 : i32
    %mul3A_168 = arith.muli %sub3A_166, %mul3A_167 : i32
    %add3A_169 = arith.constant 3 : i32
    %add3A_170 = arith.addi %mul3A_168, %add3A_169 : i32
    %lt3A_171 = arith.constant 2500 : i32
    %lt3A_172 = arith.cmpi slt, %add3A_170, %lt3A_171 : i32
    %convert_element_type3A_173 = arith.extui %lt3A_172 : i1 to i32
    %cond3A_174 = arith.constant 0 : i32
    %cond3A_175 = arith.cmpi ne, %convert_element_type3A_173, %cond3A_174 : i32
    scf.if %cond3A_175 {
      %sub3A_229 = arith.constant 1 : i32
      %sub3A_230 = arith.subi %sub3A_229, %arg0 : i32
      %dma_wait3A = arith.constant 3 : i32
      %dma_wait3A_231 = arith.constant 0 : i32
      %dma_wait3A_232 = tpu.memref_slice %arg8[%select_n3A_131, %sub3A_230, %dma_wait3A, %dma_wait3A_231] : memref<2x2x8x128xi32, #tpu.memory_space<vmem>> -> memref<1x1x1x128xi32, #tpu.memory_space<vmem>>
      %dma_wait3A_233 = tpu.memref_squeeze %dma_wait3A_232 : memref<1x1x1x128xi32, #tpu.memory_space<vmem>> -> memref<128xi32, #tpu.memory_space<vmem>>
      %dma_wait3A_234 = arith.constant 0 : i32
      %dma_wait3A_235 = tpu.memref_slice %arg18[%dma_wait3A_234] : memref<10240xf32, #tpu.memory_space<vmem_shared>> -> memref<10240xf32, #tpu.memory_space<vmem_shared>>
      tpu.wait_indirect_dma semaphore(%arg19 : memref<!tpu.dma_semaphore, #tpu.memory_space<semaphore_mem>>) src(%arg17 : memref<128xf32, #tpu.memory_space<vmem>>) dst(%dma_wait3A_235 : memref<10240xf32, #tpu.memory_space<vmem_shared>>)
    } else {
    }
    %sub3A_176 = arith.constant 1 : i32
    %sub3A_177 = arith.subi %select_n3A_43, %sub3A_176 : i32
    %mul3A_178 = arith.constant 8 : i32
    %mul3A_179 = arith.muli %sub3A_177, %mul3A_178 : i32
    %add3A_180 = arith.constant 4 : i32
    %add3A_181 = arith.addi %mul3A_179, %add3A_180 : i32
    %lt3A_182 = arith.constant 2500 : i32
    %lt3A_183 = arith.cmpi slt, %add3A_181, %lt3A_182 : i32
    %convert_element_type3A_184 = arith.extui %lt3A_183 : i1 to i32
    %cond3A_185 = arith.constant 0 : i32
    %cond3A_186 = arith.cmpi ne, %convert_element_type3A_184, %cond3A_185 : i32
    scf.if %cond3A_186 {
      %sub3A_229 = arith.constant 1 : i32
      %sub3A_230 = arith.subi %sub3A_229, %arg0 : i32
      %dma_wait3A = arith.constant 4 : i32
      %dma_wait3A_231 = arith.constant 0 : i32
      %dma_wait3A_232 = tpu.memref_slice %arg8[%select_n3A_131, %sub3A_230, %dma_wait3A, %dma_wait3A_231] : memref<2x2x8x128xi32, #tpu.memory_space<vmem>> -> memref<1x1x1x128xi32, #tpu.memory_space<vmem>>
      %dma_wait3A_233 = tpu.memref_squeeze %dma_wait3A_232 : memref<1x1x1x128xi32, #tpu.memory_space<vmem>> -> memref<128xi32, #tpu.memory_space<vmem>>
      %dma_wait3A_234 = arith.constant 0 : i32
      %dma_wait3A_235 = tpu.memref_slice %arg18[%dma_wait3A_234] : memref<10240xf32, #tpu.memory_space<vmem_shared>> -> memref<10240xf32, #tpu.memory_space<vmem_shared>>
      tpu.wait_indirect_dma semaphore(%arg19 : memref<!tpu.dma_semaphore, #tpu.memory_space<semaphore_mem>>) src(%arg17 : memref<128xf32, #tpu.memory_space<vmem>>) dst(%dma_wait3A_235 : memref<10240xf32, #tpu.memory_space<vmem_shared>>)
    } else {
    }
    %sub3A_187 = arith.constant 1 : i32
    %sub3A_188 = arith.subi %select_n3A_43, %sub3A_187 : i32
    %mul3A_189 = arith.constant 8 : i32
    %mul3A_190 = arith.muli %sub3A_188, %mul3A_189 : i32
    %add3A_191 = arith.constant 5 : i32
    %add3A_192 = arith.addi %mul3A_190, %add3A_191 : i32
    %lt3A_193 = arith.constant 2500 : i32
    %lt3A_194 = arith.cmpi slt, %add3A_192, %lt3A_193 : i32
    %convert_element_type3A_195 = arith.extui %lt3A_194 : i1 to i32
    %cond3A_196 = arith.constant 0 : i32
    %cond3A_197 = arith.cmpi ne, %convert_element_type3A_195, %cond3A_196 : i32
    scf.if %cond3A_197 {
      %sub3A_229 = arith.constant 1 : i32
      %sub3A_230 = arith.subi %sub3A_229, %arg0 : i32
      %dma_wait3A = arith.constant 5 : i32
      %dma_wait3A_231 = arith.constant 0 : i32
      %dma_wait3A_232 = tpu.memref_slice %arg8[%select_n3A_131, %sub3A_230, %dma_wait3A, %dma_wait3A_231] : memref<2x2x8x128xi32, #tpu.memory_space<vmem>> -> memref<1x1x1x128xi32, #tpu.memory_space<vmem>>
      %dma_wait3A_233 = tpu.memref_squeeze %dma_wait3A_232 : memref<1x1x1x128xi32, #tpu.memory_space<vmem>> -> memref<128xi32, #tpu.memory_space<vmem>>
      %dma_wait3A_234 = arith.constant 0 : i32
      %dma_wait3A_235 = tpu.memref_slice %arg18[%dma_wait3A_234] : memref<10240xf32, #tpu.memory_space<vmem_shared>> -> memref<10240xf32, #tpu.memory_space<vmem_shared>>
      tpu.wait_indirect_dma semaphore(%arg19 : memref<!tpu.dma_semaphore, #tpu.memory_space<semaphore_mem>>) src(%arg17 : memref<128xf32, #tpu.memory_space<vmem>>) dst(%dma_wait3A_235 : memref<10240xf32, #tpu.memory_space<vmem_shared>>)
    } else {
    }
    %sub3A_198 = arith.constant 1 : i32
    %sub3A_199 = arith.subi %select_n3A_43, %sub3A_198 : i32
    %mul3A_200 = arith.constant 8 : i32
    %mul3A_201 = arith.muli %sub3A_199, %mul3A_200 : i32
    %add3A_202 = arith.constant 6 : i32
    %add3A_203 = arith.addi %mul3A_201, %add3A_202 : i32
    %lt3A_204 = arith.constant 2500 : i32
    %lt3A_205 = arith.cmpi slt, %add3A_203, %lt3A_204 : i32
    %convert_element_type3A_206 = arith.extui %lt3A_205 : i1 to i32
    %cond3A_207 = arith.constant 0 : i32
    %cond3A_208 = arith.cmpi ne, %convert_element_type3A_206, %cond3A_207 : i32
    scf.if %cond3A_208 {
      %sub3A_229 = arith.constant 1 : i32
      %sub3A_230 = arith.subi %sub3A_229, %arg0 : i32
      %dma_wait3A = arith.constant 6 : i32
      %dma_wait3A_231 = arith.constant 0 : i32
      %dma_wait3A_232 = tpu.memref_slice %arg8[%select_n3A_131, %sub3A_230, %dma_wait3A, %dma_wait3A_231] : memref<2x2x8x128xi32, #tpu.memory_space<vmem>> -> memref<1x1x1x128xi32, #tpu.memory_space<vmem>>
      %dma_wait3A_233 = tpu.memref_squeeze %dma_wait3A_232 : memref<1x1x1x128xi32, #tpu.memory_space<vmem>> -> memref<128xi32, #tpu.memory_space<vmem>>
      %dma_wait3A_234 = arith.constant 0 : i32
      %dma_wait3A_235 = tpu.memref_slice %arg18[%dma_wait3A_234] : memref<10240xf32, #tpu.memory_space<vmem_shared>> -> memref<10240xf32, #tpu.memory_space<vmem_shared>>
      tpu.wait_indirect_dma semaphore(%arg19 : memref<!tpu.dma_semaphore, #tpu.memory_space<semaphore_mem>>) src(%arg17 : memref<128xf32, #tpu.memory_space<vmem>>) dst(%dma_wait3A_235 : memref<10240xf32, #tpu.memory_space<vmem_shared>>)
    } else {
    }
    %sub3A_209 = arith.constant 1 : i32
    %sub3A_210 = arith.subi %select_n3A_43, %sub3A_209 : i32
    %mul3A_211 = arith.constant 8 : i32
    %mul3A_212 = arith.muli %sub3A_210, %mul3A_211 : i32
    %add3A_213 = arith.constant 7 : i32
    %add3A_214 = arith.addi %mul3A_212, %add3A_213 : i32
    %lt3A_215 = arith.constant 2500 : i32
    %lt3A_216 = arith.cmpi slt, %add3A_214, %lt3A_215 : i32
    %convert_element_type3A_217 = arith.extui %lt3A_216 : i1 to i32
    %cond3A_218 = arith.constant 0 : i32
    %cond3A_219 = arith.cmpi ne, %convert_element_type3A_217, %cond3A_218 : i32
    scf.if %cond3A_219 {
      %sub3A_229 = arith.constant 1 : i32
      %sub3A_230 = arith.subi %sub3A_229, %arg0 : i32
      %dma_wait3A = arith.constant 7 : i32
      %dma_wait3A_231 = arith.constant 0 : i32
      %dma_wait3A_232 = tpu.memref_slice %arg8[%select_n3A_131, %sub3A_230, %dma_wait3A, %dma_wait3A_231] : memref<2x2x8x128xi32, #tpu.memory_space<vmem>> -> memref<1x1x1x128xi32, #tpu.memory_space<vmem>>
      %dma_wait3A_233 = tpu.memref_squeeze %dma_wait3A_232 : memref<1x1x1x128xi32, #tpu.memory_space<vmem>> -> memref<128xi32, #tpu.memory_space<vmem>>
      %dma_wait3A_234 = arith.constant 0 : i32
      %dma_wait3A_235 = tpu.memref_slice %arg18[%dma_wait3A_234] : memref<10240xf32, #tpu.memory_space<vmem_shared>> -> memref<10240xf32, #tpu.memory_space<vmem_shared>>
      tpu.wait_indirect_dma semaphore(%arg19 : memref<!tpu.dma_semaphore, #tpu.memory_space<semaphore_mem>>) src(%arg17 : memref<128xf32, #tpu.memory_space<vmem>>) dst(%dma_wait3A_235 : memref<10240xf32, #tpu.memory_space<vmem_shared>>)
    } else {
    }
    %barrier3A_220 = arith.constant 0 : index
    tpu.barrier barrier_id(%barrier3A_220)
    %mul3A_221 = arith.constant 624 : i32
    %mul3A_222 = arith.muli %arg1, %mul3A_221 : i32
    %mul3A_223 = arith.constant 624 : i32
    %mul3A_224 = arith.muli %arg1, %mul3A_223 : i32
    "tpu.region"() ({
      %run_scoped3A_229 = tpu.sem_alloc : memref<!tpu.dma_semaphore, #tpu.memory_space<semaphore_mem>>
      %dma_start3A_230 = arith.constant 0 : i32
      %dma_start3A_231 = tpu.memref_slice %arg6[%arg0, %mul3A_224, %dma_start3A_230] : memref<2x10000x128xf32, #tpu.memory_space<hbm>> -> memref<1x640x128xf32, #tpu.memory_space<hbm>>
      %dma_start3A_232 = tpu.memref_squeeze %dma_start3A_231 : memref<1x640x128xf32, #tpu.memory_space<hbm>> -> memref<640x128xf32, #tpu.memory_space<hbm>>
      %dma_start3A_233 = arith.constant 0 : i32
      %dma_start3A_234 = tpu.memref_slice %arg11[%mul3A_222, %dma_start3A_233] : memref<10000x128xf32, #tpu.memory_space<vmem_shared>> -> memref<640x128xf32, #tpu.memory_space<vmem_shared>>
      tpu.enqueue_dma source(%dma_start3A_234 : memref<640x128xf32, #tpu.memory_space<vmem_shared>>) target(%dma_start3A_232 : memref<640x128xf32, #tpu.memory_space<hbm>>) target_semaphore(%run_scoped3A_229 : memref<!tpu.dma_semaphore, #tpu.memory_space<semaphore_mem>>)
      %dma_wait3A = arith.constant 0 : i32
      %dma_wait3A_235 = tpu.memref_slice %arg6[%arg0, %mul3A_224, %dma_wait3A] : memref<2x10000x128xf32, #tpu.memory_space<hbm>> -> memref<1x640x128xf32, #tpu.memory_space<hbm>>
      %dma_wait3A_236 = tpu.memref_squeeze %dma_wait3A_235 : memref<1x640x128xf32, #tpu.memory_space<hbm>> -> memref<640x128xf32, #tpu.memory_space<hbm>>
      %dma_wait3A_237 = arith.constant 0 : i32
      %dma_wait3A_238 = tpu.memref_slice %arg11[%mul3A_222, %dma_wait3A_237] : memref<10000x128xf32, #tpu.memory_space<vmem_shared>> -> memref<640x128xf32, #tpu.memory_space<vmem_shared>>
      tpu.wait_dma2 semaphore(%run_scoped3A_229 : memref<!tpu.dma_semaphore, #tpu.memory_space<semaphore_mem>>) src(%dma_wait3A_238 : memref<640x128xf32, #tpu.memory_space<vmem_shared>>) dst(%dma_wait3A_236 : memref<640x128xf32, #tpu.memory_space<hbm>>)
      tpu.yield
    }) : () -> ()
    %mul3A_225 = arith.constant 640 : i32
    %mul3A_226 = arith.muli %arg1, %mul3A_225 : i32
    %mul3A_227 = arith.constant 640 : i32
    %mul3A_228 = arith.muli %arg1, %mul3A_227 : i32
    "tpu.region"() ({
      %run_scoped3A_229 = tpu.sem_alloc : memref<!tpu.dma_semaphore, #tpu.memory_space<semaphore_mem>>
      %dma_start3A_230 = tpu.memref_slice %arg7[%arg0, %mul3A_228] : memref<2x10240xf32, #tpu.memory_space<hbm>> -> memref<1x640xf32, #tpu.memory_space<hbm>>
      %dma_start3A_231 = tpu.memref_squeeze %dma_start3A_230 : memref<1x640xf32, #tpu.memory_space<hbm>> -> memref<640xf32, #tpu.memory_space<hbm>>
      %dma_start3A_232 = tpu.memref_slice %arg18[%mul3A_226] : memref<10240xf32, #tpu.memory_space<vmem_shared>> -> memref<640xf32, #tpu.memory_space<vmem_shared>>
      tpu.enqueue_dma source(%dma_start3A_232 : memref<640xf32, #tpu.memory_space<vmem_shared>>) target(%dma_start3A_231 : memref<640xf32, #tpu.memory_space<hbm>>) target_semaphore(%run_scoped3A_229 : memref<!tpu.dma_semaphore, #tpu.memory_space<semaphore_mem>>)
      %dma_wait3A = tpu.memref_slice %arg7[%arg0, %mul3A_228] : memref<2x10240xf32, #tpu.memory_space<hbm>> -> memref<1x640xf32, #tpu.memory_space<hbm>>
      %dma_wait3A_233 = tpu.memref_squeeze %dma_wait3A : memref<1x640xf32, #tpu.memory_space<hbm>> -> memref<640xf32, #tpu.memory_space<hbm>>
      %dma_wait3A_234 = tpu.memref_slice %arg18[%mul3A_226] : memref<10240xf32, #tpu.memory_space<vmem_shared>> -> memref<640xf32, #tpu.memory_space<vmem_shared>>
      tpu.wait_dma2 semaphore(%run_scoped3A_229 : memref<!tpu.dma_semaphore, #tpu.memory_space<semaphore_mem>>) src(%dma_wait3A_234 : memref<640xf32, #tpu.memory_space<vmem_shared>>) dst(%dma_wait3A_233 : memref<640xf32, #tpu.memory_space<hbm>>)
      tpu.yield
    }) : () -> ()
    return
  }
}

</mosaic_0001>

<sc_bundles>
// kernel: _sc_agg_cnt.3.cloned.1.call-start
scs
__scs_entry_jumppad:
0x0: {  	(pc) =	sbr.rel $0x88, $3  }
0x1: {  	(tag) =	ssettag $0x0;
	lr =	simm.s32 $0x1  }
0x2: {  	[smem:$0x3F9D] =	sst lr;
	_ =	strace $0xD0000000  }
0x3: {  	_ = 	snop  }
0x4: {  	_ = 	snop  }
0x5: {  	_ = 	snop  }
0x6: {  	_ = 	snop  }
0x7: {  	_ = 	snop  }
__scs_overlays_trampoline_lowered:
0x8: {  	[smem:$0x3FAC] =	sst s0  }
0x9: {  	[smem:$0x3FAD] =	sst s1  }
0xa: {  	[smem:$0x3FAE] =	sst s2  }
0xb: {  	[smem:$0x3FAF] =	sst s3  }
0xc: {  	[smem:$0x3FB0] =	sst s4  }
0xd: {  	[smem:$0x3FB1] =	sst s5  }
0xe: {  	[smem:$0x3FB2] =	sst s6  }
0xf: {  	[smem:$0x3FB3] =	sst s7  }
0x10: {  	[smem:$0x3FB4] =	sst s8  }
0x11: {  	[smem:$0x3FB5] =	sst s9;
	s0 =	simm.s32 @!p0 $0x0  }
0x12: {  	s1 =	sld [smem:$0x3F9B];
	s0 =	simm.s32 @p0 $0x1  }
0x13: {  	[smem:$0x3FB6] =	sst s0;
	s0 =	simm.s32 @!p1 $0x0  }
0x14: {  	s2 =	sld [smem:$0x3F9A];
	s0 =	simm.s32 @p1 $0x1  }
0x15: {  	[smem:$0x3FB7] =	sst s0;
	s0 =	simm.s32 @!p2 $0x0  }
0x16: {  	s3 =	sld [smem:$0x3FDB];
	s0 =	simm.s32 @p2 $0x1  }
0x17: {  	s4 =	simm.s32 $0x1BF5;
	[smem:$0x3FB9] =	sst s0  }
0x18: {  	s0 =	sld [smem:$0x3F9C];
	_ =	swait.ge [sflag:s4], $0x0  }
0x19: {  	s7 =	sld [smem:$0x3F9D]  }
0x1a: {  	s8 =	sadd.s32 $0xFFFFE003, lr  }
0x1b: {  	s9 =	sadd.s32 $0xFFFFFEF7, lr;
	s5 =	simm.s32 $0xFFFFFFFF;
	p2 =	slt.u32 s8, $0xFFFFF086  }
0x1c: {  	p1 =	slt.u32 s9, $0xF7A;
	s5 =	simm.s32 @!p2 $0x0  }
0x1d: {  	s5 =	simm.s32 @p1 $0x1;
	p0 =	seq.s32 s7, s2  }
0x1e: {  	s7 =	smul.u32 @!p0 $0xF7A, s2;
	p2 =	seq.s32 @!p0 s5, $0x0  }
0x1f: {  	s9 =	smul.u32 $0xF7A, s1;
	s8 =	simm.s32 @!p0 $0x1BF5;
	p2 =	por !p2, p0  }
0x20: {  	[sflag:s8] =	ssyncset.s32 @!p0 $0xFFFFF086;
	s6 =	sadd.s32 @!p0 s3, s7;
	s7 =	simm.s32 @!p0 $0x108  }
0x21: {  	s3 =	sadd.s32 s3, s9;
	s6 =	sadd.s32 @!p0 $0x88, s6;
	s7 =	simm.s32 @p2 $0x1082  }
0x22: {  	[simem:s7], [sflag:s8] =	dma.local @!p0 [hbm:s6], $0xF7A  }
0x23: {  	s9 =	sor.u32 $0xD0000000, s2;
	s6 =	simm.s32 $0x108;
	_ =	swait.ge @!p0 [sflag:s8], $0x0  }
0x24: {  	s3 =	sadd.s32 $0x88, s3;
	s6 =	simm.s32 @!p1 $0x1082;
	[sflag:s4] =	ssyncset.s32 $0xFFFFF086  }
0x25: {  	[simem:s6], [sflag:s4] =	dma.local [hbm:s3], $0xF7A  }
0x26: {  	[smem:$0x3F9D] =	sst s1;
	(tag) =	ssettag s2;
	_ =	strace s9  }
0x27: {  	s1 =	sld [smem:$0x3FAD]  }
0x28: {  	s2 =	sld [smem:$0x3FAE]  }
0x29: {  	s4 =	sld [smem:$0x3FB0]  }
0x2a: {  	p0 =	seq.s32 s5, $0x0;
	s5 =	sld [smem:$0x3FB1]  }
0x2b: {  	s6 =	sld [smem:$0x3FB2]  }
0x2c: {  	s7 =	sld [smem:$0x3FB3]  }
0x2d: {  	s3 =	simm.s32 $0x108;
	s8 =	sld [smem:$0x3FB4]  }
0x2e: {  	s3 =	simm.s32 @!p0 $0x1082;
	s9 =	sld [smem:$0x3FB5]  }
0x2f: {  	lr =	sadd.s32 s0, s3;
	s0 =	sld [smem:$0x3FAC]  }
0x30: {  	s3 =	sld [smem:$0x3FAF]  }
0x31: {  	[smem:$0x3FB8] =	sst s10  }
0x32: {  	s10 =	sld [smem:$0x3FB6];
	_ =	sdelay $0x3  }
0x33: {  	p0 =	seq.s32 s10, $0x1;
	s10 =	sld [smem:$0x3FB8];
	_ =	sdelay $0x3  }
0x34: {  	[smem:$0x3FB8] =	sst s10  }
0x35: {  	s10 =	sld [smem:$0x3FB7];
	_ =	sdelay $0x3  }
0x36: {  	p1 =	seq.s32 s10, $0x1;
	s10 =	sld [smem:$0x3FB8];
	_ =	sdelay $0x3  }
0x37: {  	[smem:$0x3FB8] =	sst s10  }
0x38: {  	s10 =	sld [smem:$0x3FB9]  }
0x39: {  	_ = 	snop;
	(pc) =	sbr.ind lr, $3  }
0x3a: {  	_ = 	snop  }
0x3b: {  	_ = 	snop  }
0x3c: {  	p2 =	seq.s32 s10, $0x1;
	s10 =	sld [smem:$0x3FB8]  }
0x3d: {  	_ =	shalt  }
0x3e: {  	_ =	shalt  }
0x3f: {  	_ =	shalt  }
0x40: {  	_ =	shalt  }
0x41: {  	_ =	shalt  }
0x42: {  	_ =	shalt  }
0x43: {  	_ =	shalt  }
0x44: {  	_ =	shalt  }
0x45: {  	_ =	shalt  }
0x46: {  	_ =	shalt  }
0x47: {  	_ =	shalt  }
0x48: {  	_ =	shalt  }
0x49: {  	_ =	shalt  }
0x4a: {  	_ =	shalt  }
0x4b: {  	_ =	shalt  }
0x4c: {  	_ =	shalt  }
0x4d: {  	_ =	shalt  }
0x4e: {  	_ =	shalt  }
0x4f: {  	_ =	shalt  }
0x50: {  	_ =	shalt  }
0x51: {  	_ =	shalt  }
0x52: {  	_ =	shalt  }
0x53: {  	_ =	shalt  }
0x54: {  	_ =	shalt  }
0x55: {  	_ =	shalt  }
0x56: {  	_ =	shalt  }
0x57: {  	_ =	shalt  }
0x58: {  	_ =	shalt  }
0x59: {  	_ =	shalt  }
0x5a: {  	_ =	shalt  }
0x5b: {  	_ =	shalt  }
0x5c: {  	_ =	shalt  }
0x5d: {  	_ =	shalt  }
0x5e: {  	_ =	shalt  }
0x5f: {  	_ =	shalt  }
0x60: {  	_ =	shalt  }
0x61: {  	_ =	shalt  }
0x62: {  	_ =	shalt  }
0x63: {  	_ =	shalt  }
0x64: {  	_ =	shalt  }
0x65: {  	_ =	shalt  }
0x66: {  	_ =	shalt  }
0x67: {  	_ =	shalt  }
0x68: {  	_ =	shalt  }
0x69: {  	_ =	shalt  }
0x6a: {  	_ =	shalt  }
0x6b: {  	_ =	shalt  }
0x6c: {  	_ =	shalt  }
0x6d: {  	_ =	shalt  }
0x6e: {  	_ =	shalt  }
0x6f: {  	_ =	shalt  }
0x70: {  	_ =	shalt  }
0x71: {  	_ =	shalt  }
0x72: {  	_ =	shalt  }
0x73: {  	_ =	shalt  }
0x74: {  	_ =	shalt  }
0x75: {  	_ =	shalt  }
0x76: {  	_ =	shalt  }
0x77: {  	_ =	shalt  }
0x78: {  	_ =	shalt  }
0x79: {  	_ =	shalt  }
0x7a: {  	_ =	shalt  }
0x7b: {  	_ =	shalt  }
0x7c: {  	_ =	shalt  }
0x7d: {  	_ =	shalt  }
0x7e: {  	_ =	shalt  }
0x7f: {  	_ =	shalt  }
0x80: {  	_ =	shalt  }
0x81: {  	_ =	shalt  }
0x82: {  	_ =	shalt  }
0x83: {  	_ =	shalt  }
0x84: {  	_ =	shalt  }
0x85: {  	_ =	shalt  }
0x86: {  	_ =	shalt  }
0x87: {  	_ =	shalt  }
.Lfunc_end0:
.L_simem_size_0:
called_computation_lowered:
.L_overlay_start_0:
0x88: {  	s2 =	sld [smem:$0x3FD9]  }
0x89: {  	s3 =	sld [smem:$0x3FFE];
	_ =	sdelay $0x1  }
0x8a: {  	s1 =	srdreg.scid  }
0x8b: {  	s0 =	sand.u32 $0x1, s1  }
0x8c: {  	s15 =	sshll.u32 s0, $0xA;
	s2 =	sadd.s32 s3, s2  }
0x8d: {  	s2 =	sadd.s32 s2, s15  }
0x8e: {  	[smem:$0x3FC4] =	sst s2  }
0x8f: {  	_ = 	snop  }
0x90: {  	s2 =	sld [smem:$0x3FC9]  }
0x91: {  	s16 =	sld [smem:$0x3FD0]  }
0x92: {  	s4 =	sld [smem:$0x3FC8]  }
0x93: {  	s5 =	sld [smem:$0x3FC7]  }
0x94: {  	s7 =	simm.s32 $0xA;
	s8 =	simm.s32 $0x10;
	s6 =	sld [smem:$0x3FC6]  }
0x95: {  	[smem:s8], [sflag:s7] =	dma.local [hbm:s16], $0x1  }
0x96: {  	_ =	swait.eq [sflag:s7], $0x1  }
0x97: {  	[sflag:s7] =	ssyncset.done $0x0  }
0x98: {  	s17 =	sld [smem:$0x10];
	[sflag:s7] =	ssyncadd.s32 $0xFFFFFFFF  }
0x99: {  	s18 =	sld [smem:$0x11];
	(tm) =	ssettm $0x1  }
0x9a: {  	s19 =	sld [smem:$0x3FFB];
	_ =	sdelay $0x3  }
0x9b: {  	_ =	strace s19  }
0x9c: {  	s8 =	sld [smem:$0x3FFC];
	_ =	sdelay $0x3  }
0x9d: {  	_ =	strace s8  }
0x9e: {  	s8 =	sld [smem:$0x3FFD];
	_ =	sdelay $0x3  }
0x9f: {  	_ =	strace s8  }
0xa0: {  	_ =	strace $0x8FFFFFFF  }
0xa1: {  	s20 =	sld [smem:$0x3FDB];
	_ =	sdelay $0x1  }
0xa2: {  	s9 =	simm.s32 $_scs_section_size  }
0xa3: {  	s10 =	simm.s32 $_size__tile_overlayer_lowered;
	s11 =	simm.s32 $_tile_overlayer_lowered  }
0xa4: {  	s23 =	simm.s32 $0x1BFF;
	s22 =	sshll.u32 s11, $0x1;
	s8 =	sadd.s32 s9, s20  }
0xa5: {  	s12 =	simm.s32 $0x0;
	s21 =	sshll.u32 s10, $0x1;
	s10 =	sadd.s32 s22, s8  }
0xa6: {  	[timem:s12], [sflag:s23] =	dma.local [hbm:s10], s21  }
0xa7: {  	_ =	swait.ge [sflag:s23], s21  }
0xa8: {  	s9 =	ssub.s32 $0x0, s21;
	[sflag:s23] =	ssyncset.done $0x0  }
0xa9: {  	[sflag:s23] =	ssyncadd.s32 s9;
	_ =	sdelay $0x1  }
0xaa: {  	s24 =	simm.s32 $0x1B8B  }
0xab: {  	_ =	swait.ge [sflag:s24], $0x1  }
0xac: {  	[sflag:s24] =	ssyncset.done $0x0  }
0xad: {  	s25 =	simm.s32 $0x1B8E;
	[sflag:s24] =	ssyncadd.s32 $0xFFFFFFFF  }
0xae: {  	s26 =	simm.s32 $execute0_lowered;
	[smem:$0x3FD2] =	sst s25  }
0xaf: {  	s9 =	sshll.u32 s26, $0x1;
	_ =	strace $0x80000046;
	[dreg:$0x1] =	wrdreg $0xFFFFFFFF  }
0xb0: {  	s28 =	simm.s32 $_size_execute0_lowered;
	s8 =	sadd.s32 s8, s9;
	[dreg:$0x0] =	wrdreg $0x0  }
0xb1: {  	s9 =	sshll.u32 s28, $0x1;
	[dreg:$0x2] =	wrdreg s8  }
0xb2: {  	[dreg:$0x3] =	wrdreg s9  }
0xb3: {  	[dreg:$0x4] =	wrdreg $0xC0  }
0xb4: {  	_ =	task [dreg:s12], $0x5FFFF  }
0xb5: {  	[dreg:$0x1] =	wrdreg $0xFFFFFFFF  }
0xb6: {  	[dreg:$0x0] =	wrdreg $0x60  }
0xb7: {  	[dreg:$0x2] =	wrdreg s2  }
0xb8: {  	[dreg:$0x3] =	wrdreg s4  }
0xb9: {  	[dreg:$0x4] =	wrdreg s5  }
0xba: {  	[dreg:$0x5] =	wrdreg s6  }
0xbb: {  	[dreg:$0x6] =	wrdreg s17  }
0xbc: {  	[dreg:$0x7] =	wrdreg s18  }
0xbd: {  	[dreg:$0x8] =	wrdreg $0x90000  }
0xbe: {  	[dreg:$0x9] =	wrdreg $0x1C9000  }
0xbf: {  	[dreg:$0xa] =	wrdreg $0x9  }
0xc0: {  	_ =	task.clear_ibuf [dreg:s12], $0xBFFFF;
	_ =	strace $0x90000046  }
0xc1: {  	s29 =	simm.s32 $0x9;
	_ =	strace $0x80000048  }
0xc2: {  	_ =	swait.ge [sflag:s29], $0x1  }
0xc3: {  	[sflag:s29] =	ssyncadd.s32 $0xFFFFFFFF  }
0xc4: {  	_ =	strace $0x90000048  }
0xc5: {  	_ =	sfence  }
0xc6: {  	s30 =	sld [smem:$0x0];
	_ =	sdelay $0x2  }
0xc7: {  	s31 =	sshll.u32 s1, $0xD;
	s1 =	sshrl.u32 s1, $0x2  }
0xc8: {  	s3 =	sand.u32 $0x4000, s31;
	s1 =	sadd.s32 s1, s30  }
0xc9: {  	s0 =	sor.u32 s3, s0;
	s1 =	sshll.u32 s1, $0x11  }
0xca: {  	s0 =	sor.u32 s1, s0  }
0xcb: {  	s0 =	sadd.s32 $0x8F2B, s0  }
0xcc: {  	[sflag:s0] =	ssyncadd.remote.s32 $0x1  }
0xcd: {  	_ =	sfence.sel $0xFFFF  }
0xce: {  	[dreg:$0x0] =	wrdreg $0xFFFFFFFF;
	(pc) =	sbr.abs _section_cstart, $3  }
0xcf: {  	[dreg:$0x1] =	wrdreg $0xFFFFFFFF  }
0xd0: {  	_ =	task.clear_ibuf [dreg:s12], $0x2FFFF;
	_ =	strace $0x9FFFFFFF  }
0xd1: {  	(tm) =	ssettm $0x7FFFFFFF  }
tec
execute0_lowered:
.L_overlay_start_1:
0x0: {  	(tag) =	ssettag $0x1  }
0x1: {  	s0 =	rddreg [dreg:$0x0]  }
0x2: {  	s1 =	rddreg [dreg:$0x1]  }
0x3: {  	s2 =	rddreg [dreg:$0x4]  }
0x4: {  	s3 =	rddreg [dreg:$0x5]  }
0x5: {  	s4 =	rddreg [dreg:$0x6]  }
0x6: {  	s6 =	rddreg [dreg:$0x7];
	s15 =	stileid.u32  }
0x7: {  	s5 =	srdreg.scid;
	s7 =	simm.s32 $0x0;
	s9 =	smul.u32 $0x139, s15  }
0x8: {  	s28 =	simm.s32 $0x1;
	s29 =	simm.s32 $0x1C880;
	s10 =	smul.u32 $0x4E000, s15  }
0x9: {  	s30 =	simm.s32 $0x3;
	s31 =	simm.s32 $0x2;
	s12 =	smul.u32 $0xA00, s15  }
0xa: {  	s5 =	sand.u32 $0x1, s5;
	[smem:$0x7FF] =	sst s7;
	s21 =	smul.u32 $0x13800, s15  }
0xb: {  	s14 =	smul.u32 $0x500, s15;
	s26 =	sshll.u32 s15, $0x6;
	p1 =	seq.s32 s15, $0xF  }
0xc: {  	s20 =	ssub.s32 $0x2, s5;
	_ =	strace $0x80000047;
	s13 =	smul.u32 $0x138800, s5  }
0xd: {  	s8 =	sshrl.u32 s20, $0x1;
	s10 =	sshrl.u32 s10, $0x2;
	s12 =	sshrl.u32 s12, $0x2  }
0xe: {  	s7 =	ssub.s32 s20, s8;
	s8 =	sshrl.u32 s9, $0x4;
	s9 =	sadd.s32 $0x139, s9  }
0xf: {  	s10 =	sadd.s32 s10, s4;
	s12 =	sadd.s32 s12, s6;
	s20 =	simm.s32 $0x7  }
0x10: {  	s11 =	sshll.u32 s8, $0x7;
	s9 =	sshrl.u32 s9, $0x4;
	s23 =	smax.u32 s7, $0x1  }
0x11: {  	s25 =	sshll.u32 s8, $0x3;
	s7 =	simm.s32 $0x0;
	s16 =	sadd.s32 s1, s11  }
0x12: {  	s11 =	sshll.u32 s5, $0xA;
	s1 =	sadd.s32 s21, s13;
	[dreg:$0xc] =	wrdreg s23  }
0x13: {  	s5 =	sshll.u32 s5, $0x7;
	[dreg:$0xe] =	wrdreg s25;
	p0 =	sle.u32 s9, s8  }
0x14: {  	s21 =	simm.s32 $0x80;
	s23 =	sor.u32 $0x1C07, s26;
	s25 =	sshrl.u32 s12, $0x3  }
0x15: {  	p2 =	seq.s32 s9, $0x139;
	s26 =	simm.s32 $0x5000;
	s1 =	sshrl.u32 s1, $0x3  }
.Ltmp0:
0x16: {  	s5 =	sor.u32 s5, s14;
	[dreg:$0x9] =	wrdreg s16;
	(pc) =	sbr.rel .LBB2_1-.Ltmp0, $4  }
0x17: {  	s24 =	sadd.s32 $0x80, s16;
	s16 =	ssub.s32 s9, s8;
	s1 =	sadd.s32 s2, s1  }
0x18: {  	s22 =	sshrl.u32 s5, $0x3;
	[dreg:$0xd] =	wrdreg s24;
	s24 =	sshrl.u32 s10, $0x3  }
0x19: {  	s5 =	simm.s32 $0x6;
	[dreg:$0xa] =	wrdreg s1;
	s1 =	sadd.s32 s3, s22  }
0x1a: {  	v0 =	vimm.f32 $1.000000000e+00;
	s22 =	simm.s32 $0x1000;
	[dreg:$0xb] =	wrdreg s1;
	s1 =	simm.s32 $0x4  }
.LBB2_17:
0x1b: {  	s2 =	simm.s32 @!p1 $0x4  }
0x1c: {  	_ =	swait.ge @!p1 [sflag:s2], $0x4000  }
0x1d: {  	[sflag:s2] =	ssyncset.done @!p1 $0x0  }
0x1e: {  	[sflag:s2] =	ssyncadd.s32 @!p1 $0xFFFFC000  }
0x1f: {  	_ =	swait.ge [sflag:s5], $0x80  }
0x20: {  	[sflag:s5] =	ssyncset.done $0x0  }
0x21: {  	[sflag:s5] =	ssyncadd.s32 $0xFFFFFF80  }
0x22: {  	_ =	swait.ge [sflag:s5], $0x80  }
0x23: {  	[sflag:s5] =	ssyncset.done $0x0  }
0x24: {  	[sflag:s5] =	ssyncadd.s32 $0xFFFFFF80  }
0x25: {  	_ =	swait.ge [sflag:s5], $0x80  }
0x26: {  	[sflag:s5] =	ssyncset.done $0x0  }
0x27: {  	[sflag:s5] =	ssyncadd.s32 $0xFFFFFF80  }
0x28: {  	_ =	swait.ge [sflag:s5], $0x80  }
0x29: {  	[sflag:s5] =	ssyncset.done $0x0  }
0x2a: {  	s2 =	simm.s32 @!p2 $0x6;
	[sflag:s5] =	ssyncadd.s32 $0xFFFFFF80  }
0x2b: {  	_ =	swait.ge @!p2 [sflag:s2], $0x80  }
0x2c: {  	[sflag:s2] =	ssyncset.done @!p2 $0x0  }
0x2d: {  	[sflag:s2] =	ssyncadd.s32 @!p2 $0xFFFFFF80;
	s2 =	simm.s32 @!p1 $0x6  }
0x2e: {  	_ =	swait.ge @!p1 [sflag:s2], $0x80  }
0x2f: {  	[sflag:s2] =	ssyncset.done @!p1 $0x0  }
0x30: {  	[sflag:s2] =	ssyncadd.s32 @!p1 $0xFFFFFF80  }
0x31: {  	_ =	swait.ge @!p1 [sflag:s2], $0x80  }
0x32: {  	[sflag:s2] =	ssyncset.done @!p1 $0x0  }
0x33: {  	[sflag:s2] =	ssyncadd.s32 @!p1 $0xFFFFFF80  }
0x34: {  	_ =	swait.ge @!p1 [sflag:s2], $0x80  }
0x35: {  	[sflag:s2] =	ssyncset.done @!p1 $0x0  }
0x36: {  	[sflag:s2] =	ssyncadd.s32 @!p1 $0xFFFFFF80  }
0x37: {  	[bflag:$0x0] =	sbarrier.arrive $0xFFFF  }
0x38: {  	s17 =	rddreg [dreg:$0xa]  }
0x39: {  	[hbm:s17], [sflag:s23] =	dma.local [spmem:s24], $0x2800  }
0x3a: {  	_ =	swait.ge [sflag:s20], $0x2800  }
0x3b: {  	s3 =	simm.s32 $0x20;
	[sflag:s20] =	ssyncset.done $0x0  }
0x3c: {  	s10 =	simm.s32 $0x10;
	s18 =	rddreg [dreg:$0xb];
	[sflag:s20] =	ssyncadd.s32 $0xFFFFD800  }
0x3d: {  	[hbm:s18@s3], [sflag:s23] =	dma.strided [spmem:s25@s10], $0x50, s28, $0x10   }
0x3e: {  	_ =	swait.ge [sflag:s20], $0x50  }
0x3f: {  	s7 =	sadd.s32 $0x1, s7;
	s19 =	rddreg [dreg:$0xc]  }
0x40: {  	p3 =	sne.s32 s7, s19  }
.Ltmp1:
0x41: {  	_ = 	snop;
	(pc) =	sbr.rel @!p3 .LBB2_18-.Ltmp1, $3  }
0x42: {  	_ =	sdelay $0x1  }
0x43: {  	[sflag:s20] =	ssyncset.done $0x0  }
0x44: {  	[sflag:s20] =	ssyncadd.s32 $0xFFFFFFB0  }
.LBB2_1:
0x45: {  	s2 =	simm.s32 $0x0  }
0x46: {  	s3 =	rddreg [dreg:$0x9];
	s10 =	simm.s32 $0x400;
	s12 =	simm.s32 $0x4E400  }
0x47: {  	[tilespmem:s2], [sflag:$0x7] =	stream.strided.gather [hbm4b:s3+s10], $0x800, s12, s10, $0x38;
	[tilespmem:$0x1CB80] =	vst v63  }
0x48: {  	_ =	swait.ge [sflag:s20], $0x800  }
0x49: {  	[sflag:s20] =	ssyncset.done $0x0  }
0x4a: {  	[sflag:s20] =	ssyncadd.s32 $0xFFFFF800  }
0x4b: {  	[tilespmem:s22], [sflag:$0x1] =	stream.indirect.gather [hbm4b:s0+s21], $0x80, s11, s21, $0xb8;
	[tilespmem:$0x1CB80] =	vst v63  }
0x4c: {  	s18 =	rddreg [dreg:$0x2]  }
0x4d: {  	[spmem:s24], [sflag:s23] =	dma.local [hbm:s18], $0x2800  }
0x4e: {  	_ =	swait.ge [sflag:s20], $0x2800  }
0x4f: {  	[sflag:s20] =	ssyncset.done $0x0  }
0x50: {  	[sflag:s20] =	ssyncadd.s32 $0xFFFFD800  }
0x51: {  	s19 =	rddreg [dreg:$0x3]  }
0x52: {  	[spmem:s25], [sflag:s23] =	dma.local [hbm:s19], $0x50  }
0x53: {  	_ =	swait.ge [sflag:s20], $0x50  }
0x54: {  	[sflag:s20] =	ssyncset.done $0x0  }
0x55: {  	[sflag:s20] =	ssyncadd.s32 $0xFFFFFFB0  }
0x56: {  	[tilespmem:$0x1C880] =	vst v0  }
0x57: {  	[tilespmem:$0x1C890] =	vst v0  }
0x58: {  	[tilespmem:$0x1C8A0] =	vst v0  }
0x59: {  	[tilespmem:$0x1C8B0] =	vst v0  }
0x5a: {  	[tilespmem:$0x1C8C0] =	vst v0  }
0x5b: {  	[tilespmem:$0x1C8D0] =	vst v0  }
.Ltmp2:
0x5c: {  	[tilespmem:$0x1C8E0] =	vst v0;
	(pc) =	sbr.rel @p0 .LBB2_17-.Ltmp2, $4  }
.Ltmp3:
0x5d: {  	[tilespmem:$0x1C8F0] =	vst v0;
	(pc) =	sbr.rel @!p0 .LBB2_2-.Ltmp3, $4  }
0x5e: {  	[bflag:$0x0] =	sbarrier.arrive $0xFFFF  }
0x5f: {  	s17 =	rddreg [dreg:$0xe]  }
0x60: {  	s19 =	simm.s32 $0x0;
	s15 =	rddreg [dreg:$0xd]  }
0x61: {  	_ = 	snop  }
.LBB2_13:
0x62: {  	s2 =	sadd.s32 $0x380, s13  }
0x63: {  	[tilespmem:s26], [sflag:$0x2] =	stream.indirect.gather [hbm4b:s0+s21], $0x80, s2, s21, $0xb8;
	[tilespmem:$0x1CB80] =	vst v63  }
.LBB2_15:
0x64: {  	_ =	swait.ge [sflag:s28], $0x4000  }
0x65: {  	[sflag:s28] =	ssyncset.done $0x0  }
0x66: {  	s2 =	sadd.s32 $0x700, s12;
	[sflag:s28] =	ssyncadd.s32 $0xFFFFC000  }
0x67: {  	[spmem:s4] =	stream.indirect.scatter.add.f32 [tilespmem:s22], [sflag:$0x3], $0x80, s2, s21, $0xb8;
	[tilespmem:$0x1CB80] =	vst v63  }
0x68: {  	_ = 	snop  }
0x69: {  	[spmem:s6] =	stream.indirect.scatter.add.f32 [tilespmem:s29], [sflag:$0x6], $0x1, s2, s21, $0xb8;
	[tilespmem:$0x1CB80] =	vst v63  }
0x6a: {  	_ =	swait.ge [sflag:s30], $0x4000  }
0x6b: {  	[sflag:s30] =	ssyncset.done $0x0  }
0x6c: {  	p4 =	slt.u32 s17, $0x9BD;
	[sflag:s30] =	ssyncadd.s32 $0xFFFFC000  }
.LBB2_16:
0x6d: {  	s2 =	simm.s32 @!p3 $0x5  }
0x6e: {  	_ =	swait.ge @!p3 [sflag:s2], $0x800  }
0x6f: {  	s12 =	simm.s32 @!p3 $0x1000;
	[sflag:s2] =	ssyncset.done @!p3 $0x0  }
0x70: {  	[sflag:s2] =	ssyncadd.s32 @!p3 $0xFFFFF800;
	s2 =	sor.u32 @!p3 s10, s11;
	s10 =	simm.s32 @!p3 $0x80  }
0x71: {  	[tilespmem:s12], [sflag:$0x1] =	stream.indirect.gather @!p3 [hbm4b:s0+s10], $0x80, s2, s10, $0xb8;
	[tilespmem:$0x1CB80] =	vst v63  }
0x72: {  	s2 =	simm.s32 @p4 $0x2  }
0x73: {  	s19 =	sadd.s32 $0x1, s19;
	_ =	swait.ge @p4 [sflag:s2], $0x4000  }
0x74: {  	s3 =	sshll.u32 @p4 s3, $0xB;
	p3 =	sne.s32 s16, s19;
	[sflag:s2] =	ssyncset.done @p4 $0x0  }
.Ltmp4:
0x75: {  	[sflag:s2] =	ssyncadd.s32 @p4 $0xFFFFC000;
	s2 =	ssub.s32 @p4 s3, s11;
	(pc) =	sbr.rel @!p3 .LBB2_17-.Ltmp4, $4  }
0x76: {  	s10 =	simm.s32 @p4 $0x5000;
	s3 =	simm.s32 @p4 $0x80;
	s2 =	sadd.s32 @p4 $0x780, s2  }
0x77: {  	[spmem:s4] =	stream.indirect.scatter.add.f32 @p4 [tilespmem:s10], [sflag:$0x4], $0x80, s2, s3, $0xb8;
	[tilespmem:$0x1CB80] =	vst v63  }
0x78: {  	s15 =	sadd.s32 $0x80, s15;
	s17 =	sadd.s32 $0x8, s17;
	s10 =	simm.s32 @p4 $0x1C880  }
0x79: {  	[spmem:s6] =	stream.indirect.scatter.add.f32 @p4 [tilespmem:s10], [sflag:$0x6], $0x1, s2, s3, $0xb8;
	[tilespmem:$0x1CB80] =	vst v63  }
.LBB2_2:
0x7a: {  	s3 =	sadd.s32 s19, s8  }
0x7b: {  	p4 =	sle.u32 s3, s8  }
0x7c: {  	s10 =	simm.s32 @!p4 $0x4  }
0x7d: {  	_ =	swait.ge @!p4 [sflag:s10], $0x4000  }
0x7e: {  	[sflag:s10] =	ssyncset.done @!p4 $0x0  }
0x7f: {  	[sflag:s10] =	ssyncadd.s32 @!p4 $0xFFFFC000;
	s10 =	simm.s32 @!p4 $0x6  }
0x80: {  	_ =	swait.ge @!p4 [sflag:s10], $0x80  }
0x81: {  	[sflag:s10] =	ssyncset.done @!p4 $0x0  }
0x82: {  	[sflag:s10] =	ssyncadd.s32 @!p4 $0xFFFFFF80  }
0x83: {  	_ =	swait.ge @!p4 [sflag:s10], $0x80  }
0x84: {  	[sflag:s10] =	ssyncset.done @!p4 $0x0  }
0x85: {  	[sflag:s10] =	ssyncadd.s32 @!p4 $0xFFFFFF80  }
0x86: {  	_ =	swait.ge @!p4 [sflag:s10], $0x80  }
0x87: {  	[sflag:s10] =	ssyncset.done @!p4 $0x0  }
0x88: {  	[sflag:s10] =	ssyncadd.s32 @!p4 $0xFFFFFF80  }
0x89: {  	_ =	swait.ge @!p4 [sflag:s10], $0x80  }
0x8a: {  	[sflag:s10] =	ssyncset.done @!p4 $0x0  }
0x8b: {  	[sflag:s10] =	ssyncadd.s32 @!p4 $0xFFFFFF80  }
0x8c: {  	_ =	swait.ge @!p4 [sflag:s10], $0x80  }
0x8d: {  	[sflag:s10] =	ssyncset.done @!p4 $0x0  }
0x8e: {  	[sflag:s10] =	ssyncadd.s32 @!p4 $0xFFFFFF80  }
0x8f: {  	_ =	swait.ge @!p4 [sflag:s10], $0x80  }
0x90: {  	[sflag:s10] =	ssyncset.done @!p4 $0x0  }
0x91: {  	[sflag:s10] =	ssyncadd.s32 @!p4 $0xFFFFFF80  }
0x92: {  	_ =	swait.ge @!p4 [sflag:s10], $0x80  }
0x93: {  	[sflag:s10] =	ssyncset.done @!p4 $0x0  }
0x94: {  	p5 =	sgt.u32 s17, $0x9C2;
	[sflag:s10] =	ssyncadd.s32 @!p4 $0xFFFFFF80  }
.Ltmp5:
0x95: {  	s12 =	sadd.s32 $0x1, s3;
	_ =	swait.ge @!p4 [sflag:s10], $0x80;
	(pc) =	sbr.rel @p5 .LBB2_16-.Ltmp5, $4  }
0x96: {  	s3 =	sand.u32 $0x1, s19;
	p3 =	sge.u32 s12, s9;
	[sflag:s10] =	ssyncset.done @!p4 $0x0  }
0x97: {  	s12 =	simm.s32 @!p3 $0x400;
	[sflag:s10] =	ssyncadd.s32 @!p4 $0xFFFFFF80;
	s10 =	sshll.u32 @!p3 s3, $0xB  }
0x98: {  	s13 =	simm.s32 @!p3 $0x4E400;
	p4 =	por $0x0, $0x0;
	s10 =	sxor.u32 @!p3 $0x800, s10  }
0x99: {  	[tilespmem:s10], [sflag:$0x5] =	stream.strided.gather @!p3 [hbm4b:s15+s12], $0x800, s13, s12, $0x38;
	[tilespmem:$0x1CB80] =	vst v63  }
0x9a: {  	s12 =	sshll.u32 s3, $0xB  }
0x9b: {  	s13 =	sor.u32 s12, s11  }
0x9c: {  	s14 =	sadd.s32 $0x80, s13  }
0x9d: {  	[tilespmem:s26], [sflag:$0x2] =	stream.indirect.gather [hbm4b:s0+s21], $0x80, s14, s21, $0xb8;
	[tilespmem:$0x1CB80] =	vst v63  }
0x9e: {  	_ =	swait.ge [sflag:s28], $0x4000  }
0x9f: {  	s12 =	ssub.s32 s12, s11;
	[sflag:s28] =	ssyncset.done $0x0  }
0xa0: {  	s2 =	sadd.s32 $0x400, s12;
	[sflag:s28] =	ssyncadd.s32 $0xFFFFC000  }
0xa1: {  	[spmem:s4] =	stream.indirect.scatter.add.f32 [tilespmem:s22], [sflag:$0x3], $0x80, s2, s21, $0xb8;
	[tilespmem:$0x1CB80] =	vst v63  }
0xa2: {  	_ = 	snop  }
0xa3: {  	[spmem:s6] =	stream.indirect.scatter.add.f32 [tilespmem:s29], [sflag:$0x6], $0x1, s2, s21, $0xb8;
	[tilespmem:$0x1CB80] =	vst v63  }
0xa4: {  	_ =	swait.ge [sflag:s30], $0x4000  }
0xa5: {  	[sflag:s30] =	ssyncset.done $0x0  }
0xa6: {  	s18 =	sadd.s32 $0x100, s13;
	[sflag:s30] =	ssyncadd.s32 $0xFFFFC000  }
0xa7: {  	[tilespmem:s22], [sflag:$0x1] =	stream.indirect.gather [hbm4b:s0+s21], $0x80, s18, s21, $0xb8;
	[tilespmem:$0x1CB80] =	vst v63  }
0xa8: {  	_ =	swait.ge [sflag:s31], $0x4000  }
0xa9: {  	[sflag:s31] =	ssyncset.done $0x0  }
0xaa: {  	s2 =	sadd.s32 $0x480, s12;
	[sflag:s31] =	ssyncadd.s32 $0xFFFFC000  }
0xab: {  	[spmem:s4] =	stream.indirect.scatter.add.f32 [tilespmem:s26], [sflag:$0x4], $0x80, s2, s21, $0xb8;
	[tilespmem:$0x1CB80] =	vst v63  }
0xac: {  	_ = 	snop  }
0xad: {  	[spmem:s6] =	stream.indirect.scatter.add.f32 [tilespmem:s29], [sflag:$0x6], $0x1, s2, s21, $0xb8;
	[tilespmem:$0x1CB80] =	vst v63  }
0xae: {  	p6 =	sgt.u32 s17, $0x9C0;
	_ =	swait.ge [sflag:s1], $0x4000  }
0xaf: {  	s14 =	sadd.s32 @!p6 $0x180, s13;
	[sflag:s1] =	ssyncset.done $0x0  }
0xb0: {  	s18 =	simm.s32 @!p6 $0x5000;
	s2 =	simm.s32 @!p6 $0x80;
	[sflag:s1] =	ssyncadd.s32 $0xFFFFC000  }
0xb1: {  	[tilespmem:s18], [sflag:$0x2] =	stream.indirect.gather @!p6 [hbm4b:s0+s2], $0x80, s14, s2, $0xb8;
	[tilespmem:$0x1CB80] =	vst v63  }
0xb2: {  	_ =	swait.ge [sflag:s28], $0x4000  }
0xb3: {  	[sflag:s28] =	ssyncset.done $0x0  }
0xb4: {  	p5 =	sgt.u32 s17, $0x9BF;
	s18 =	sadd.s32 $0x500, s12;
	[sflag:s28] =	ssyncadd.s32 $0xFFFFC000  }
0xb5: {  	[spmem:s4] =	stream.indirect.scatter.add.f32 [tilespmem:s22], [sflag:$0x3], $0x80, s18, s21, $0xb8;
	[tilespmem:$0x1CB80] =	vst v63  }
.Ltmp6:
0xb6: {  	_ = 	snop;
	(pc) =	sbr.rel @p5 .LBB2_5-.Ltmp6, $4  }
0xb7: {  	[spmem:s6] =	stream.indirect.scatter.add.f32 [tilespmem:s29], [sflag:$0x6], $0x1, s18, s21, $0xb8;
	[tilespmem:$0x1CB80] =	vst v63  }
0xb8: {  	_ =	swait.ge [sflag:s30], $0x4000  }
0xb9: {  	[sflag:s30] =	ssyncset.done $0x0  }
0xba: {  	[sflag:s30] =	ssyncadd.s32 $0xFFFFC000  }
.Ltmp7:
0xbb: {  	(pc) =	sbr.rel .LBB2_6-.Ltmp7, $3  }
0xbc: {  	_ =	sdelay $0x1  }
0xbd: {  	s2 =	sadd.s32 $0x200, s13  }
0xbe: {  	[tilespmem:s22], [sflag:$0x1] =	stream.indirect.gather [hbm4b:s0+s21], $0x80, s2, s21, $0xb8;
	[tilespmem:$0x1CB80] =	vst v63  }
.LBB2_5:
.Ltmp8:
0xbf: {  	(pc) =	sbr.rel @p6 .LBB2_16-.Ltmp8, $1  }
0xc0: {  	_ =	sdelay $0x3  }
.LBB2_6:
0xc1: {  	_ =	swait.ge [sflag:s31], $0x4000  }
0xc2: {  	[sflag:s31] =	ssyncset.done $0x0  }
0xc3: {  	s2 =	sadd.s32 $0x580, s12;
	p6 =	sgt.u32 s17, $0x9BE;
	[sflag:s31] =	ssyncadd.s32 $0xFFFFC000  }
0xc4: {  	[spmem:s4] =	stream.indirect.scatter.add.f32 [tilespmem:s26], [sflag:$0x4], $0x80, s2, s21, $0xb8;
	[tilespmem:$0x1CB80] =	vst v63  }
.Ltmp9:
0xc5: {  	_ = 	snop;
	(pc) =	sbr.rel @p6 .LBB2_8-.Ltmp9, $4  }
0xc6: {  	[spmem:s6] =	stream.indirect.scatter.add.f32 [tilespmem:s29], [sflag:$0x6], $0x1, s2, s21, $0xb8;
	[tilespmem:$0x1CB80] =	vst v63  }
0xc7: {  	_ =	swait.ge [sflag:s1], $0x4000  }
0xc8: {  	[sflag:s1] =	ssyncset.done $0x0  }
0xc9: {  	[sflag:s1] =	ssyncadd.s32 $0xFFFFC000  }
.Ltmp10:
0xca: {  	(pc) =	sbr.rel .LBB2_9-.Ltmp10, $3  }
0xcb: {  	_ =	sdelay $0x1  }
0xcc: {  	s2 =	sadd.s32 $0x280, s13  }
0xcd: {  	[tilespmem:s26], [sflag:$0x2] =	stream.indirect.gather [hbm4b:s0+s21], $0x80, s2, s21, $0xb8;
	[tilespmem:$0x1CB80] =	vst v63  }
.LBB2_8:
.Ltmp11:
0xce: {  	(pc) =	sbr.rel @p5 .LBB2_16-.Ltmp11, $1  }
0xcf: {  	_ =	sdelay $0x3  }
.LBB2_9:
0xd0: {  	_ =	swait.ge [sflag:s28], $0x4000  }
0xd1: {  	[sflag:s28] =	ssyncset.done $0x0  }
0xd2: {  	s2 =	sadd.s32 $0x600, s12;
	p5 =	sgt.u32 s17, $0x9BD;
	[sflag:s28] =	ssyncadd.s32 $0xFFFFC000  }
0xd3: {  	[spmem:s4] =	stream.indirect.scatter.add.f32 [tilespmem:s22], [sflag:$0x3], $0x80, s2, s21, $0xb8;
	[tilespmem:$0x1CB80] =	vst v63  }
.Ltmp12:
0xd4: {  	_ = 	snop;
	(pc) =	sbr.rel @p5 .LBB2_11-.Ltmp12, $4  }
0xd5: {  	[spmem:s6] =	stream.indirect.scatter.add.f32 [tilespmem:s29], [sflag:$0x6], $0x1, s2, s21, $0xb8;
	[tilespmem:$0x1CB80] =	vst v63  }
0xd6: {  	_ =	swait.ge [sflag:s30], $0x4000  }
0xd7: {  	[sflag:s30] =	ssyncset.done $0x0  }
0xd8: {  	[sflag:s30] =	ssyncadd.s32 $0xFFFFC000  }
.Ltmp13:
0xd9: {  	(pc) =	sbr.rel .LBB2_12-.Ltmp13, $3  }
0xda: {  	_ =	sdelay $0x1  }
0xdb: {  	s2 =	sadd.s32 $0x300, s13  }
0xdc: {  	[tilespmem:s22], [sflag:$0x1] =	stream.indirect.gather [hbm4b:s0+s21], $0x80, s2, s21, $0xb8;
	[tilespmem:$0x1CB80] =	vst v63  }
.LBB2_11:
.Ltmp14:
0xdd: {  	(pc) =	sbr.rel @p6 .LBB2_16-.Ltmp14, $1  }
0xde: {  	_ =	sdelay $0x3  }
.LBB2_12:
0xdf: {  	_ =	swait.ge [sflag:s31], $0x4000  }
0xe0: {  	[sflag:s31] =	ssyncset.done $0x0  }
0xe1: {  	s2 =	sadd.s32 $0x680, s12;
	p6 =	sgt.u32 s17, $0x9BC;
	[sflag:s31] =	ssyncadd.s32 $0xFFFFC000  }
0xe2: {  	[spmem:s4] =	stream.indirect.scatter.add.f32 [tilespmem:s26], [sflag:$0x4], $0x80, s2, s21, $0xb8;
	[tilespmem:$0x1CB80] =	vst v63  }
.Ltmp15:
0xe3: {  	_ = 	snop;
	(pc) =	sbr.rel @!p6 .LBB2_13-.Ltmp15, $4  }
0xe4: {  	[spmem:s6] =	stream.indirect.scatter.add.f32 [tilespmem:s29], [sflag:$0x6], $0x1, s2, s21, $0xb8;
	[tilespmem:$0x1CB80] =	vst v63  }
0xe5: {  	_ =	swait.ge [sflag:s1], $0x4000  }
0xe6: {  	[sflag:s1] =	ssyncset.done $0x0  }
0xe7: {  	[sflag:s1] =	ssyncadd.s32 $0xFFFFC000  }
.Ltmp16:
0xe8: {  	(pc) =	sbr.rel @p5 .LBB2_16-.Ltmp16, $4  }
.Ltmp17:
0xe9: {  	(pc) =	sbr.rel @!p5 .LBB2_15-.Ltmp17, $4  }
0xea: {  	_ = 	snop  }
0xeb: {  	_ = 	snop  }
0xec: {  	_ = 	snop  }
0xed: {  	_ = 	snop  }
.LBB2_18:
0xee: {  	_ =	sfence.sel $0x180000  }
0xef: {  	[bflag:$0x0] =	sbarrier.arrive $0xFFFF  }
0xf0: {  	_ =	strace $0x90000047  }
0xf1: {  	s0 =	stileid.u32;
	[bflag:$0x2] =	sbarrier.arrive $0xFFFF  }
0xf2: {  	p0 =	sne.s32 s0, $0x0;
	s0 =	rddreg [dreg:$0x8]  }
0xf3: {  	s0 =	sadd.s32 @!p0 $0x100000, s0  }
0xf4: {  	[sflag:s0] =	ssyncadd.tile.s32 @!p0 $0x1;
	_ =	shalt  }
.Lfunc_end2:
_tile_overlayer_lowered:
.L_overlay_start_2:
0xf5: {  	(tag) =	ssettag $0x2  }
0xf6: {  	s0 =	rddreg [dreg:$0x0];
	s2 =	stileid.u32  }
0xf7: {  	s1 =	rddreg [dreg:$0x1];
	p0 =	sne.s32 s2, $0x0  }
0xf8: {  	s3 =	rddreg [dreg:$0x2];
	[bflag:$0x3] =	sbarrier.arrive $0xFFFF;
	s2 =	simm.s32 @!p0 $0x1C07  }
0xf9: {  	[timem:s3], [sflag:s2] =	dma.local @!p0 [hbm:s0], s1  }
0xfa: {  	s0 =	simm.s32 @!p0 $0x7  }
0xfb: {  	_ =	swait.ge @!p0 [sflag:s0], s1  }
0xfc: {  	s1 =	ssub.s32 @!p0 $0x0, s1;
	[sflag:s0] =	ssyncset.done @!p0 $0x0  }
0xfd: {  	[sflag:s0] =	ssyncadd.s32 @!p0 s1  }
0xfe: {  	[bflag:$0x3] =	sbarrier.arrive $0xFFFF  }
0xff: {  	_ =	shalt  }

</sc_bundles>
